<compile_context>
chip_gen: v7x
topology: tpu7x:2x2x1
jax: 0.10.2.dev20260603
libtpu: 0.0.44.dev20260713+nightly
codegen_flags: <defaults>
</compile_context>

<pallas_src>
import functools

import numpy as np
import jax
import jax.numpy as jnp
from jax import lax
from jax.experimental import pallas as pl
from jax.experimental.pallas import tpu as pltpu
from jax.experimental.pallas import tpu_sc as plsc

D_M = 128
BATCH = 1024
MAXLEN = 200
N_TOK = BATCH * MAXLEN
NC, NS, LANES = 2, 16, 16
NW = NC * NS
PER_W = N_TOK // NW
CHUNK = 40
NCHUNK = PER_W // CHUNK
PE_EXT = -((MAXLEN + CHUNK) // -128) * 128


def _pe_table() -> jnp.ndarray:
    pos = (np.arange(PE_EXT, dtype=np.int64) % MAXLEN).astype(np.float64)[:, None]
    i = np.arange(D_M)[None, :]
    angle = pos / np.power(10000.0, (2.0 * (i // 2)) / float(D_M))
    pe = np.where(i % 2 == 0, np.sin(angle), np.cos(angle))
    return jnp.asarray(pe, dtype=jnp.float32)


NBUF = 10
LP = 7
LG = 4

_mesh = plsc.VectorSubcoreMesh(core_axis_name="c", subcore_axis_name="s")


@functools.partial(
    pl.kernel,
    out_type=jax.ShapeDtypeStruct((N_TOK, D_M), jnp.float32),
    mesh=_mesh,
    scratch_types=[
        pltpu.VMEM((PER_W,), jnp.int32),
        pltpu.VMEM_SHARED((PE_EXT, D_M), jnp.float32),
        pltpu.VMEM((NBUF, CHUNK, D_M), jnp.float32),
    ] + [pltpu.SemaphoreType.DMA] * (3 * NBUF),
)
def _emb_kernel(idx_hbm, pe_hbm, table_hbm, out_hbm, idx_v, pe_v, rows_v,
                *sems):
    sem_g = sems[:NBUF]
    sem_o = sems[NBUF:2 * NBUF]
    sem_p = sems[2 * NBUF:3 * NBUF]
    sid = lax.axis_index("s")
    wid = sid * NC + lax.axis_index("c")
    base = wid * PER_W

    pltpu.async_copy(idx_hbm.at[pl.ds(base, PER_W)], idx_v, sem_p[0])
    pltpu.sync_copy(pe_hbm.at[pl.ds(sid * (PE_EXT // NS), PE_EXT // NS)],
                    pe_v.at[pl.ds(sid * (PE_EXT // NS), PE_EXT // NS)])
    pltpu.make_async_copy(
        idx_hbm.at[pl.ds(base, PER_W)], idx_v, sem_p[0]).wait()
    plsc.subcore_barrier()

    def start_prefill(t, b):
        prow = lax.rem(t * CHUNK, MAXLEN)
        pltpu.async_copy(pe_v.at[pl.ds(prow, CHUNK)], rows_v.at[b], sem_p[b])

    def start_gather(t, b):
        pltpu.make_async_copy(
            pe_v.at[pl.ds(0, CHUNK)], rows_v.at[b], sem_p[b]).wait()
        pltpu.async_copy(
            table_hbm.at[idx_v.at[pl.ds(t * CHUNK, CHUNK)]],
            rows_v.at[b], sem_g[b], add=True)

    def wait_gather(b):
        pltpu.make_async_copy(
            table_hbm.at[idx_v.at[pl.ds(0, CHUNK)]],
            rows_v.at[b], sem_g[b]).wait()

    def start_out(t, b):
        pltpu.async_copy(
            rows_v.at[b], out_hbm.at[pl.ds(base + t * CHUNK, CHUNK)],
            sem_o[b])

    def wait_out(b):
        pltpu.make_async_copy(
            rows_v.at[b], out_hbm.at[pl.ds(base, CHUNK)], sem_o[b]).wait()

    for b in range(LP):
        start_prefill(b, b)
    for b in range(LG):
        start_gather(b, b)

    NGROUP = NCHUNK // NBUF

    def staged(g, lo, hi, fn):
        if lo <= 0 and hi >= NGROUP - 1:
            fn()
        elif lo <= hi:
            cond = (g >= lo) if hi >= NGROUP - 1 else (
                (g <= hi) if lo <= 0 else (g >= lo) & (g <= hi))

            @pl.when(cond)
            def _():
                fn()

    def group_body(g, carry):
        for b in range(NBUF):
            u = g * NBUF + b
            a0 = b + LP
            ba = a0 % NBUF
            lo_w = 1 if a0 < NBUF else 0
            staged(g, lo_w, (NCHUNK - 1 - a0) // NBUF, lambda: wait_out(ba))
            staged(g, 0, (NCHUNK - 1 - a0) // NBUF,
                   lambda: start_prefill(g * NBUF + a0, ba))
            v0 = b + LG
            bv = v0 % NBUF
            staged(g, 0, (NCHUNK - 1 - v0) // NBUF,
                   lambda: start_gather(g * NBUF + v0, bv))
            wait_gather(b)
            start_out(u, b)
        return carry

    lax.fori_loop(0, NGROUP, group_body, 0)
    for b in range(NBUF):
        wait_out(b)


def kernel(inp, emb_table):
    idx = inp.reshape(N_TOK).astype(jnp.int32)
    out = _emb_kernel(idx, _pe_table(), emb_table)
    return out.reshape(BATCH, MAXLEN, D_M)

# --- scband reference (transcript-rebuilt; emitter-appended) ---
"""Pipeline reference for scband-bart-embedding-83021717832633 (READ-ONLY COPY).

The authoritative reference and input builder live on the scoring server;
editing this copy changes nothing except your own understanding.
"""

import jax, jax.numpy as jnp
import numpy as np

VOCAB = 100000
D_M = 128
BATCH = 1024
MAXLEN = 200


def positional_embedding(bsize, maxlen, d_m):
    # Standard sinusoidal positional embedding, broadcast over batch.
    pos = jnp.arange(maxlen, dtype=jnp.float32)[:, None]
    i = jnp.arange(d_m)[None, :]
    angle = pos / jnp.power(10000.0, (2.0 * (i // 2).astype(jnp.float32)) / float(d_m))
    pe = jnp.where(i % 2 == 0, jnp.sin(angle), jnp.cos(angle))
    return jnp.broadcast_to(pe[None, :, :], (bsize, maxlen, d_m))


def setup_inputs(seed: int = 0) -> dict:
    key = jax.random.key(seed)
    k1, k2 = jax.random.split(key)
    inp = jax.random.randint(k1, (BATCH, MAXLEN), 0, VOCAB)
    emb_table = jax.random.normal(k2, (VOCAB, D_M), dtype=jnp.float32) * 0.02
    return {"inp": inp, "emb_table": emb_table}


def reference(inp, emb_table):
    # WordEmbedding lookup
    idx_emb = jnp.take(emb_table, inp, axis=0)  # [B, L, D]
    pe_emb = positional_embedding(idx_emb.shape[0], idx_emb.shape[1], idx_emb.shape[2])
    emb = idx_emb + pe_emb
    # Dropout(p=0.1) in eval mode -> identity
    return emb

if __name__ == "__main__":
    import jax
    _d = setup_inputs()
    print(jax.jit(kernel)(*tuple(_d.values())))

</pallas_src>

<mosaic_0001>
#map = affine_map<(d0, d1) -> (0)>
#map1 = affine_map<(d0, d1) -> (0, 0)>
module attributes {stable_mosaic.version = 14 : i64} {
  func.func @_emb_kernel(%arg0: i32, %arg1: i32, %arg2: memref<204800xi32, #tpu.memory_space<hbm>>, %arg3: memref<256x128xf32, #tpu.memory_space<hbm>>, %arg4: memref<100000x128xf32, #tpu.memory_space<hbm>>, %arg5: memref<204800x128xf32, #tpu.memory_space<hbm>>, %arg6: memref<6400xi32, #tpu.memory_space<vmem>>, %arg7: memref<256x128xf32, #tpu.memory_space<vmem_shared>>, %arg8: memref<10x40x128xf32, #tpu.memory_space<vmem>>, %arg9: memref<!tpu.dma_semaphore, #tpu.memory_space<semaphore_mem>>, %arg10: memref<!tpu.dma_semaphore, #tpu.memory_space<semaphore_mem>>, %arg11: memref<!tpu.dma_semaphore, #tpu.memory_space<semaphore_mem>>, %arg12: memref<!tpu.dma_semaphore, #tpu.memory_space<semaphore_mem>>, %arg13: memref<!tpu.dma_semaphore, #tpu.memory_space<semaphore_mem>>, %arg14: memref<!tpu.dma_semaphore, #tpu.memory_space<semaphore_mem>>, %arg15: memref<!tpu.dma_semaphore, #tpu.memory_space<semaphore_mem>>, %arg16: memref<!tpu.dma_semaphore, #tpu.memory_space<semaphore_mem>>, %arg17: memref<!tpu.dma_semaphore, #tpu.memory_space<semaphore_mem>>, %arg18: memref<!tpu.dma_semaphore, #tpu.memory_space<semaphore_mem>>, %arg19: memref<!tpu.dma_semaphore, #tpu.memory_space<semaphore_mem>>, %arg20: memref<!tpu.dma_semaphore, #tpu.memory_space<semaphore_mem>>, %arg21: memref<!tpu.dma_semaphore, #tpu.memory_space<semaphore_mem>>, %arg22: memref<!tpu.dma_semaphore, #tpu.memory_space<semaphore_mem>>, %arg23: memref<!tpu.dma_semaphore, #tpu.memory_space<semaphore_mem>>, %arg24: memref<!tpu.dma_semaphore, #tpu.memory_space<semaphore_mem>>, %arg25: memref<!tpu.dma_semaphore, #tpu.memory_space<semaphore_mem>>, %arg26: memref<!tpu.dma_semaphore, #tpu.memory_space<semaphore_mem>>, %arg27: memref<!tpu.dma_semaphore, #tpu.memory_space<semaphore_mem>>, %arg28: memref<!tpu.dma_semaphore, #tpu.memory_space<semaphore_mem>>, %arg29: memref<!tpu.dma_semaphore, #tpu.memory_space<semaphore_mem>>, %arg30: memref<!tpu.dma_semaphore, #tpu.memory_space<semaphore_mem>>, %arg31: memref<!tpu.dma_semaphore, #tpu.memory_space<semaphore_mem>>, %arg32: memref<!tpu.dma_semaphore, #tpu.memory_space<semaphore_mem>>, %arg33: memref<!tpu.dma_semaphore, #tpu.memory_space<semaphore_mem>>, %arg34: memref<!tpu.dma_semaphore, #tpu.memory_space<semaphore_mem>>, %arg35: memref<!tpu.dma_semaphore, #tpu.memory_space<semaphore_mem>>, %arg36: memref<!tpu.dma_semaphore, #tpu.memory_space<semaphore_mem>>, %arg37: memref<!tpu.dma_semaphore, #tpu.memory_space<semaphore_mem>>, %arg38: memref<!tpu.dma_semaphore, #tpu.memory_space<semaphore_mem>>) attributes {dimension_semantics = [#tpu.dimension_semantics<core_parallel>, #tpu.dimension_semantics<subcore_parallel>], iteration_bounds = array<i64: 2, 16>, scalar_prefetch = 0 : i64, scratch_operands = 33 : i64, tpu.core_type = #tpu.core_type<sc_vector_subcore>, window_params = [{transform_indices = #map}, {transform_indices = #map1}, {transform_indices = #map1}, {transform_indices = #map1}]} {
    %mul3A = arith.constant 2 : i32
    %mul3A_0 = arith.muli %arg1, %mul3A : i32
    %add3A = arith.addi %mul3A_0, %arg0 : i32
    %mul3A_1 = arith.constant 6400 : i32
    %mul3A_2 = arith.muli %add3A, %mul3A_1 : i32
    %dma_start3A = tpu.memref_slice %arg2[%mul3A_2] : memref<204800xi32, #tpu.memory_space<hbm>> -> memref<6400xi32, #tpu.memory_space<hbm>>
    %dma_start3A_3 = tpu.memref_slice %arg2[%mul3A_2] : memref<204800xi32, #tpu.memory_space<hbm>> -> memref<6400xi32, #tpu.memory_space<hbm>>
    tpu.enqueue_dma source(%dma_start3A_3 : memref<6400xi32, #tpu.memory_space<hbm>>) target(%arg6 : memref<6400xi32, #tpu.memory_space<vmem>>) target_semaphore(%arg29 : memref<!tpu.dma_semaphore, #tpu.memory_space<semaphore_mem>>)
    %mul3A_4 = arith.constant 16 : i32
    %mul3A_5 = arith.muli %arg1, %mul3A_4 : i32
    %mul3A_6 = arith.constant 16 : i32
    %mul3A_7 = arith.muli %arg1, %mul3A_6 : i32
    "tpu.region"() ({
      %run_scoped3A = tpu.sem_alloc : memref<!tpu.dma_semaphore, #tpu.memory_space<semaphore_mem>>
      %dma_start3A_355 = arith.constant 0 : i32
      %dma_start3A_356 = tpu.memref_slice %arg7[%mul3A_7, %dma_start3A_355] : memref<256x128xf32, #tpu.memory_space<vmem_shared>> -> memref<16x128xf32, #tpu.memory_space<vmem_shared>>
      %dma_start3A_357 = arith.constant 0 : i32
      %dma_start3A_358 = tpu.memref_slice %arg3[%mul3A_5, %dma_start3A_357] : memref<256x128xf32, #tpu.memory_space<hbm>> -> memref<16x128xf32, #tpu.memory_space<hbm>>
      tpu.enqueue_dma source(%dma_start3A_358 : memref<16x128xf32, #tpu.memory_space<hbm>>) target(%dma_start3A_356 : memref<16x128xf32, #tpu.memory_space<vmem_shared>>) target_semaphore(%run_scoped3A : memref<!tpu.dma_semaphore, #tpu.memory_space<semaphore_mem>>)
      %dma_wait3A_359 = arith.constant 0 : i32
      %dma_wait3A_360 = tpu.memref_slice %arg7[%mul3A_7, %dma_wait3A_359] : memref<256x128xf32, #tpu.memory_space<vmem_shared>> -> memref<16x128xf32, #tpu.memory_space<vmem_shared>>
      %dma_wait3A_361 = arith.constant 0 : i32
      %dma_wait3A_362 = tpu.memref_slice %arg3[%mul3A_5, %dma_wait3A_361] : memref<256x128xf32, #tpu.memory_space<hbm>> -> memref<16x128xf32, #tpu.memory_space<hbm>>
      tpu.wait_dma2 semaphore(%run_scoped3A : memref<!tpu.dma_semaphore, #tpu.memory_space<semaphore_mem>>) src(%dma_wait3A_362 : memref<16x128xf32, #tpu.memory_space<hbm>>) dst(%dma_wait3A_360 : memref<16x128xf32, #tpu.memory_space<vmem_shared>>)
      tpu.yield
    }) : () -> ()
    %dma_wait3A = tpu.memref_slice %arg2[%mul3A_2] : memref<204800xi32, #tpu.memory_space<hbm>> -> memref<6400xi32, #tpu.memory_space<hbm>>
    %dma_wait3A_8 = tpu.memref_slice %arg2[%mul3A_2] : memref<204800xi32, #tpu.memory_space<hbm>> -> memref<6400xi32, #tpu.memory_space<hbm>>
    tpu.wait_dma2 semaphore(%arg29 : memref<!tpu.dma_semaphore, #tpu.memory_space<semaphore_mem>>) src(%dma_wait3A_8 : memref<6400xi32, #tpu.memory_space<hbm>>) dst(%arg6 : memref<6400xi32, #tpu.memory_space<vmem>>)
    %barrier3A = arith.constant 0 : index
    tpu.barrier barrier_id(%barrier3A)
    %rem3A = arith.constant 0 : i32
    %rem3A_9 = arith.constant 200 : i32
    %rem3A_10 = arith.remsi %rem3A, %rem3A_9 : i32
    %dma_start3A_11 = arith.constant 0 : i32
    %dma_start3A_12 = arith.constant 0 : i32
    %dma_start3A_13 = arith.constant 0 : i32
    %dma_start3A_14 = tpu.memref_slice %arg8[%dma_start3A_11, %dma_start3A_12, %dma_start3A_13] : memref<10x40x128xf32, #tpu.memory_space<vmem>> -> memref<1x40x128xf32, #tpu.memory_space<vmem>>
    %dma_start3A_15 = tpu.memref_squeeze %dma_start3A_14 : memref<1x40x128xf32, #tpu.memory_space<vmem>> -> memref<40x128xf32, #tpu.memory_space<vmem>>
    %dma_start3A_16 = arith.constant 0 : i32
    %dma_start3A_17 = tpu.memref_slice %arg7[%rem3A_10, %dma_start3A_16] : memref<256x128xf32, #tpu.memory_space<vmem_shared>> -> memref<40x128xf32, #tpu.memory_space<vmem_shared>>
    %dma_start3A_18 = arith.constant 0 : i32
    %dma_start3A_19 = arith.constant 0 : i32
    %dma_start3A_20 = tpu.memref_slice %arg8[%dma_start3A_11, %dma_start3A_18, %dma_start3A_19] : memref<10x40x128xf32, #tpu.memory_space<vmem>> -> memref<1x40x128xf32, #tpu.memory_space<vmem>>
    %dma_start3A_21 = tpu.memref_squeeze %dma_start3A_20 : memref<1x40x128xf32, #tpu.memory_space<vmem>> -> memref<40x128xf32, #tpu.memory_space<vmem>>
    %dma_start3A_22 = arith.constant 0 : i32
    %dma_start3A_23 = tpu.memref_slice %arg7[%rem3A_10, %dma_start3A_22] : memref<256x128xf32, #tpu.memory_space<vmem_shared>> -> memref<40x128xf32, #tpu.memory_space<vmem_shared>>
    tpu.enqueue_dma source(%dma_start3A_23 : memref<40x128xf32, #tpu.memory_space<vmem_shared>>) target(%dma_start3A_21 : memref<40x128xf32, #tpu.memory_space<vmem>>) target_semaphore(%arg29 : memref<!tpu.dma_semaphore, #tpu.memory_space<semaphore_mem>>)
    %rem3A_24 = arith.constant 40 : i32
    %rem3A_25 = arith.constant 200 : i32
    %rem3A_26 = arith.remsi %rem3A_24, %rem3A_25 : i32
    %dma_start3A_27 = arith.constant 1 : i32
    %dma_start3A_28 = arith.constant 0 : i32
    %dma_start3A_29 = arith.constant 0 : i32
    %dma_start3A_30 = tpu.memref_slice %arg8[%dma_start3A_27, %dma_start3A_28, %dma_start3A_29] : memref<10x40x128xf32, #tpu.memory_space<vmem>> -> memref<1x40x128xf32, #tpu.memory_space<vmem>>
    %dma_start3A_31 = tpu.memref_squeeze %dma_start3A_30 : memref<1x40x128xf32, #tpu.memory_space<vmem>> -> memref<40x128xf32, #tpu.memory_space<vmem>>
    %dma_start3A_32 = arith.constant 0 : i32
    %dma_start3A_33 = tpu.memref_slice %arg7[%rem3A_26, %dma_start3A_32] : memref<256x128xf32, #tpu.memory_space<vmem_shared>> -> memref<40x128xf32, #tpu.memory_space<vmem_shared>>
    %dma_start3A_34 = arith.constant 0 : i32
    %dma_start3A_35 = arith.constant 0 : i32
    %dma_start3A_36 = tpu.memref_slice %arg8[%dma_start3A_27, %dma_start3A_34, %dma_start3A_35] : memref<10x40x128xf32, #tpu.memory_space<vmem>> -> memref<1x40x128xf32, #tpu.memory_space<vmem>>
    %dma_start3A_37 = tpu.memref_squeeze %dma_start3A_36 : memref<1x40x128xf32, #tpu.memory_space<vmem>> -> memref<40x128xf32, #tpu.memory_space<vmem>>
    %dma_start3A_38 = arith.constant 0 : i32
    %dma_start3A_39 = tpu.memref_slice %arg7[%rem3A_26, %dma_start3A_38] : memref<256x128xf32, #tpu.memory_space<vmem_shared>> -> memref<40x128xf32, #tpu.memory_space<vmem_shared>>
    tpu.enqueue_dma source(%dma_start3A_39 : memref<40x128xf32, #tpu.memory_space<vmem_shared>>) target(%dma_start3A_37 : memref<40x128xf32, #tpu.memory_space<vmem>>) target_semaphore(%arg30 : memref<!tpu.dma_semaphore, #tpu.memory_space<semaphore_mem>>)
    %rem3A_40 = arith.constant 80 : i32
    %rem3A_41 = arith.constant 200 : i32
    %rem3A_42 = arith.remsi %rem3A_40, %rem3A_41 : i32
    %dma_start3A_43 = arith.constant 2 : i32
    %dma_start3A_44 = arith.constant 0 : i32
    %dma_start3A_45 = arith.constant 0 : i32
    %dma_start3A_46 = tpu.memref_slice %arg8[%dma_start3A_43, %dma_start3A_44, %dma_start3A_45] : memref<10x40x128xf32, #tpu.memory_space<vmem>> -> memref<1x40x128xf32, #tpu.memory_space<vmem>>
    %dma_start3A_47 = tpu.memref_squeeze %dma_start3A_46 : memref<1x40x128xf32, #tpu.memory_space<vmem>> -> memref<40x128xf32, #tpu.memory_space<vmem>>
    %dma_start3A_48 = arith.constant 0 : i32
    %dma_start3A_49 = tpu.memref_slice %arg7[%rem3A_42, %dma_start3A_48] : memref<256x128xf32, #tpu.memory_space<vmem_shared>> -> memref<40x128xf32, #tpu.memory_space<vmem_shared>>
    %dma_start3A_50 = arith.constant 0 : i32
    %dma_start3A_51 = arith.constant 0 : i32
    %dma_start3A_52 = tpu.memref_slice %arg8[%dma_start3A_43, %dma_start3A_50, %dma_start3A_51] : memref<10x40x128xf32, #tpu.memory_space<vmem>> -> memref<1x40x128xf32, #tpu.memory_space<vmem>>
    %dma_start3A_53 = tpu.memref_squeeze %dma_start3A_52 : memref<1x40x128xf32, #tpu.memory_space<vmem>> -> memref<40x128xf32, #tpu.memory_space<vmem>>
    %dma_start3A_54 = arith.constant 0 : i32
    %dma_start3A_55 = tpu.memref_slice %arg7[%rem3A_42, %dma_start3A_54] : memref<256x128xf32, #tpu.memory_space<vmem_shared>> -> memref<40x128xf32, #tpu.memory_space<vmem_shared>>
    tpu.enqueue_dma source(%dma_start3A_55 : memref<40x128xf32, #tpu.memory_space<vmem_shared>>) target(%dma_start3A_53 : memref<40x128xf32, #tpu.memory_space<vmem>>) target_semaphore(%arg31 : memref<!tpu.dma_semaphore, #tpu.memory_space<semaphore_mem>>)
    %rem3A_56 = arith.constant 120 : i32
    %rem3A_57 = arith.constant 200 : i32
    %rem3A_58 = arith.remsi %rem3A_56, %rem3A_57 : i32
    %dma_start3A_59 = arith.constant 3 : i32
    %dma_start3A_60 = arith.constant 0 : i32
    %dma_start3A_61 = arith.constant 0 : i32
    %dma_start3A_62 = tpu.memref_slice %arg8[%dma_start3A_59, %dma_start3A_60, %dma_start3A_61] : memref<10x40x128xf32, #tpu.memory_space<vmem>> -> memref<1x40x128xf32, #tpu.memory_space<vmem>>
    %dma_start3A_63 = tpu.memref_squeeze %dma_start3A_62 : memref<1x40x128xf32, #tpu.memory_space<vmem>> -> memref<40x128xf32, #tpu.memory_space<vmem>>
    %dma_start3A_64 = arith.constant 0 : i32
    %dma_start3A_65 = tpu.memref_slice %arg7[%rem3A_58, %dma_start3A_64] : memref<256x128xf32, #tpu.memory_space<vmem_shared>> -> memref<40x128xf32, #tpu.memory_space<vmem_shared>>
    %dma_start3A_66 = arith.constant 0 : i32
    %dma_start3A_67 = arith.constant 0 : i32
    %dma_start3A_68 = tpu.memref_slice %arg8[%dma_start3A_59, %dma_start3A_66, %dma_start3A_67] : memref<10x40x128xf32, #tpu.memory_space<vmem>> -> memref<1x40x128xf32, #tpu.memory_space<vmem>>
    %dma_start3A_69 = tpu.memref_squeeze %dma_start3A_68 : memref<1x40x128xf32, #tpu.memory_space<vmem>> -> memref<40x128xf32, #tpu.memory_space<vmem>>
    %dma_start3A_70 = arith.constant 0 : i32
    %dma_start3A_71 = tpu.memref_slice %arg7[%rem3A_58, %dma_start3A_70] : memref<256x128xf32, #tpu.memory_space<vmem_shared>> -> memref<40x128xf32, #tpu.memory_space<vmem_shared>>
    tpu.enqueue_dma source(%dma_start3A_71 : memref<40x128xf32, #tpu.memory_space<vmem_shared>>) target(%dma_start3A_69 : memref<40x128xf32, #tpu.memory_space<vmem>>) target_semaphore(%arg32 : memref<!tpu.dma_semaphore, #tpu.memory_space<semaphore_mem>>)
    %rem3A_72 = arith.constant 160 : i32
    %rem3A_73 = arith.constant 200 : i32
    %rem3A_74 = arith.remsi %rem3A_72, %rem3A_73 : i32
    %dma_start3A_75 = arith.constant 4 : i32
    %dma_start3A_76 = arith.constant 0 : i32
    %dma_start3A_77 = arith.constant 0 : i32
    %dma_start3A_78 = tpu.memref_slice %arg8[%dma_start3A_75, %dma_start3A_76, %dma_start3A_77] : memref<10x40x128xf32, #tpu.memory_space<vmem>> -> memref<1x40x128xf32, #tpu.memory_space<vmem>>
    %dma_start3A_79 = tpu.memref_squeeze %dma_start3A_78 : memref<1x40x128xf32, #tpu.memory_space<vmem>> -> memref<40x128xf32, #tpu.memory_space<vmem>>
    %dma_start3A_80 = arith.constant 0 : i32
    %dma_start3A_81 = tpu.memref_slice %arg7[%rem3A_74, %dma_start3A_80] : memref<256x128xf32, #tpu.memory_space<vmem_shared>> -> memref<40x128xf32, #tpu.memory_space<vmem_shared>>
    %dma_start3A_82 = arith.constant 0 : i32
    %dma_start3A_83 = arith.constant 0 : i32
    %dma_start3A_84 = tpu.memref_slice %arg8[%dma_start3A_75, %dma_start3A_82, %dma_start3A_83] : memref<10x40x128xf32, #tpu.memory_space<vmem>> -> memref<1x40x128xf32, #tpu.memory_space<vmem>>
    %dma_start3A_85 = tpu.memref_squeeze %dma_start3A_84 : memref<1x40x128xf32, #tpu.memory_space<vmem>> -> memref<40x128xf32, #tpu.memory_space<vmem>>
    %dma_start3A_86 = arith.constant 0 : i32
    %dma_start3A_87 = tpu.memref_slice %arg7[%rem3A_74, %dma_start3A_86] : memref<256x128xf32, #tpu.memory_space<vmem_shared>> -> memref<40x128xf32, #tpu.memory_space<vmem_shared>>
    tpu.enqueue_dma source(%dma_start3A_87 : memref<40x128xf32, #tpu.memory_space<vmem_shared>>) target(%dma_start3A_85 : memref<40x128xf32, #tpu.memory_space<vmem>>) target_semaphore(%arg33 : memref<!tpu.dma_semaphore, #tpu.memory_space<semaphore_mem>>)
    %rem3A_88 = arith.constant 200 : i32
    %rem3A_89 = arith.constant 200 : i32
    %rem3A_90 = arith.remsi %rem3A_88, %rem3A_89 : i32
    %dma_start3A_91 = arith.constant 5 : i32
    %dma_start3A_92 = arith.constant 0 : i32
    %dma_start3A_93 = arith.constant 0 : i32
    %dma_start3A_94 = tpu.memref_slice %arg8[%dma_start3A_91, %dma_start3A_92, %dma_start3A_93] : memref<10x40x128xf32, #tpu.memory_space<vmem>> -> memref<1x40x128xf32, #tpu.memory_space<vmem>>
    %dma_start3A_95 = tpu.memref_squeeze %dma_start3A_94 : memref<1x40x128xf32, #tpu.memory_space<vmem>> -> memref<40x128xf32, #tpu.memory_space<vmem>>
    %dma_start3A_96 = arith.constant 0 : i32
    %dma_start3A_97 = tpu.memref_slice %arg7[%rem3A_90, %dma_start3A_96] : memref<256x128xf32, #tpu.memory_space<vmem_shared>> -> memref<40x128xf32, #tpu.memory_space<vmem_shared>>
    %dma_start3A_98 = arith.constant 0 : i32
    %dma_start3A_99 = arith.constant 0 : i32
    %dma_start3A_100 = tpu.memref_slice %arg8[%dma_start3A_91, %dma_start3A_98, %dma_start3A_99] : memref<10x40x128xf32, #tpu.memory_space<vmem>> -> memref<1x40x128xf32, #tpu.memory_space<vmem>>
    %dma_start3A_101 = tpu.memref_squeeze %dma_start3A_100 : memref<1x40x128xf32, #tpu.memory_space<vmem>> -> memref<40x128xf32, #tpu.memory_space<vmem>>
    %dma_start3A_102 = arith.constant 0 : i32
    %dma_start3A_103 = tpu.memref_slice %arg7[%rem3A_90, %dma_start3A_102] : memref<256x128xf32, #tpu.memory_space<vmem_shared>> -> memref<40x128xf32, #tpu.memory_space<vmem_shared>>
    tpu.enqueue_dma source(%dma_start3A_103 : memref<40x128xf32, #tpu.memory_space<vmem_shared>>) target(%dma_start3A_101 : memref<40x128xf32, #tpu.memory_space<vmem>>) target_semaphore(%arg34 : memref<!tpu.dma_semaphore, #tpu.memory_space<semaphore_mem>>)
    %rem3A_104 = arith.constant 240 : i32
    %rem3A_105 = arith.constant 200 : i32
    %rem3A_106 = arith.remsi %rem3A_104, %rem3A_105 : i32
    %dma_start3A_107 = arith.constant 6 : i32
    %dma_start3A_108 = arith.constant 0 : i32
    %dma_start3A_109 = arith.constant 0 : i32
    %dma_start3A_110 = tpu.memref_slice %arg8[%dma_start3A_107, %dma_start3A_108, %dma_start3A_109] : memref<10x40x128xf32, #tpu.memory_space<vmem>> -> memref<1x40x128xf32, #tpu.memory_space<vmem>>
    %dma_start3A_111 = tpu.memref_squeeze %dma_start3A_110 : memref<1x40x128xf32, #tpu.memory_space<vmem>> -> memref<40x128xf32, #tpu.memory_space<vmem>>
    %dma_start3A_112 = arith.constant 0 : i32
    %dma_start3A_113 = tpu.memref_slice %arg7[%rem3A_106, %dma_start3A_112] : memref<256x128xf32, #tpu.memory_space<vmem_shared>> -> memref<40x128xf32, #tpu.memory_space<vmem_shared>>
    %dma_start3A_114 = arith.constant 0 : i32
    %dma_start3A_115 = arith.constant 0 : i32
    %dma_start3A_116 = tpu.memref_slice %arg8[%dma_start3A_107, %dma_start3A_114, %dma_start3A_115] : memref<10x40x128xf32, #tpu.memory_space<vmem>> -> memref<1x40x128xf32, #tpu.memory_space<vmem>>
    %dma_start3A_117 = tpu.memref_squeeze %dma_start3A_116 : memref<1x40x128xf32, #tpu.memory_space<vmem>> -> memref<40x128xf32, #tpu.memory_space<vmem>>
    %dma_start3A_118 = arith.constant 0 : i32
    %dma_start3A_119 = tpu.memref_slice %arg7[%rem3A_106, %dma_start3A_118] : memref<256x128xf32, #tpu.memory_space<vmem_shared>> -> memref<40x128xf32, #tpu.memory_space<vmem_shared>>
    tpu.enqueue_dma source(%dma_start3A_119 : memref<40x128xf32, #tpu.memory_space<vmem_shared>>) target(%dma_start3A_117 : memref<40x128xf32, #tpu.memory_space<vmem>>) target_semaphore(%arg35 : memref<!tpu.dma_semaphore, #tpu.memory_space<semaphore_mem>>)
    %dma_wait3A_120 = arith.constant 0 : i32
    %dma_wait3A_121 = arith.constant 0 : i32
    %dma_wait3A_122 = arith.constant 0 : i32
    %dma_wait3A_123 = tpu.memref_slice %arg8[%dma_wait3A_120, %dma_wait3A_121, %dma_wait3A_122] : memref<10x40x128xf32, #tpu.memory_space<vmem>> -> memref<1x40x128xf32, #tpu.memory_space<vmem>>
    %dma_wait3A_124 = tpu.memref_squeeze %dma_wait3A_123 : memref<1x40x128xf32, #tpu.memory_space<vmem>> -> memref<40x128xf32, #tpu.memory_space<vmem>>
    %dma_wait3A_125 = arith.constant 0 : i32
    %dma_wait3A_126 = arith.constant 0 : i32
    %dma_wait3A_127 = tpu.memref_slice %arg7[%dma_wait3A_125, %dma_wait3A_126] : memref<256x128xf32, #tpu.memory_space<vmem_shared>> -> memref<40x128xf32, #tpu.memory_space<vmem_shared>>
    %dma_wait3A_128 = arith.constant 0 : i32
    %dma_wait3A_129 = arith.constant 0 : i32
    %dma_wait3A_130 = tpu.memref_slice %arg8[%dma_wait3A_120, %dma_wait3A_128, %dma_wait3A_129] : memref<10x40x128xf32, #tpu.memory_space<vmem>> -> memref<1x40x128xf32, #tpu.memory_space<vmem>>
    %dma_wait3A_131 = tpu.memref_squeeze %dma_wait3A_130 : memref<1x40x128xf32, #tpu.memory_space<vmem>> -> memref<40x128xf32, #tpu.memory_space<vmem>>
    %dma_wait3A_132 = arith.constant 0 : i32
    %dma_wait3A_133 = arith.constant 0 : i32
    %dma_wait3A_134 = tpu.memref_slice %arg7[%dma_wait3A_132, %dma_wait3A_133] : memref<256x128xf32, #tpu.memory_space<vmem_shared>> -> memref<40x128xf32, #tpu.memory_space<vmem_shared>>
    tpu.wait_dma2 semaphore(%arg29 : memref<!tpu.dma_semaphore, #tpu.memory_space<semaphore_mem>>) src(%dma_wait3A_134 : memref<40x128xf32, #tpu.memory_space<vmem_shared>>) dst(%dma_wait3A_131 : memref<40x128xf32, #tpu.memory_space<vmem>>)
    %dma_start3A_135 = arith.constant 0 : i32
    %dma_start3A_136 = arith.constant 0 : i32
    %dma_start3A_137 = arith.constant 0 : i32
    %dma_start3A_138 = tpu.memref_slice %arg8[%dma_start3A_135, %dma_start3A_136, %dma_start3A_137] : memref<10x40x128xf32, #tpu.memory_space<vmem>> -> memref<1x40x128xf32, #tpu.memory_space<vmem>>
    %dma_start3A_139 = tpu.memref_squeeze %dma_start3A_138 : memref<1x40x128xf32, #tpu.memory_space<vmem>> -> memref<40x128xf32, #tpu.memory_space<vmem>>
    %dma_start3A_140 = arith.constant 0 : i32
    %dma_start3A_141 = tpu.memref_slice %arg6[%dma_start3A_140] : memref<6400xi32, #tpu.memory_space<vmem>> -> memref<40xi32, #tpu.memory_space<vmem>>
    %dma_start3A_142 = arith.constant 0 : i32
    %dma_start3A_143 = arith.constant 0 : i32
    %dma_start3A_144 = tpu.memref_slice %arg4[%dma_start3A_142, %dma_start3A_143] : memref<100000x128xf32, #tpu.memory_space<hbm>> -> memref<100000x128xf32, #tpu.memory_space<hbm>>
    tpu.enqueue_indirect_dma source(%dma_start3A_144 : memref<100000x128xf32, #tpu.memory_space<hbm>>) target(%dma_start3A_139 : memref<40x128xf32, #tpu.memory_space<vmem>>) offsets(%dma_start3A_141 : memref<40xi32, #tpu.memory_space<vmem>>) semaphore(%arg9 : memref<!tpu.dma_semaphore, #tpu.memory_space<semaphore_mem>>) {add = true}
    %dma_wait3A_145 = arith.constant 1 : i32
    %dma_wait3A_146 = arith.constant 0 : i32
    %dma_wait3A_147 = arith.constant 0 : i32
    %dma_wait3A_148 = tpu.memref_slice %arg8[%dma_wait3A_145, %dma_wait3A_146, %dma_wait3A_147] : memref<10x40x128xf32, #tpu.memory_space<vmem>> -> memref<1x40x128xf32, #tpu.memory_space<vmem>>
    %dma_wait3A_149 = tpu.memref_squeeze %dma_wait3A_148 : memref<1x40x128xf32, #tpu.memory_space<vmem>> -> memref<40x128xf32, #tpu.memory_space<vmem>>
    %dma_wait3A_150 = arith.constant 0 : i32
    %dma_wait3A_151 = arith.constant 0 : i32
    %dma_wait3A_152 = tpu.memref_slice %arg7[%dma_wait3A_150, %dma_wait3A_151] : memref<256x128xf32, #tpu.memory_space<vmem_shared>> -> memref<40x128xf32, #tpu.memory_space<vmem_shared>>
    %dma_wait3A_153 = arith.constant 0 : i32
    %dma_wait3A_154 = arith.constant 0 : i32
    %dma_wait3A_155 = tpu.memref_slice %arg8[%dma_wait3A_145, %dma_wait3A_153, %dma_wait3A_154] : memref<10x40x128xf32, #tpu.memory_space<vmem>> -> memref<1x40x128xf32, #tpu.memory_space<vmem>>
    %dma_wait3A_156 = tpu.memref_squeeze %dma_wait3A_155 : memref<1x40x128xf32, #tpu.memory_space<vmem>> -> memref<40x128xf32, #tpu.memory_space<vmem>>
    %dma_wait3A_157 = arith.constant 0 : i32
    %dma_wait3A_158 = arith.constant 0 : i32
    %dma_wait3A_159 = tpu.memref_slice %arg7[%dma_wait3A_157, %dma_wait3A_158] : memref<256x128xf32, #tpu.memory_space<vmem_shared>> -> memref<40x128xf32, #tpu.memory_space<vmem_shared>>
    tpu.wait_dma2 semaphore(%arg30 : memref<!tpu.dma_semaphore, #tpu.memory_space<semaphore_mem>>) src(%dma_wait3A_159 : memref<40x128xf32, #tpu.memory_space<vmem_shared>>) dst(%dma_wait3A_156 : memref<40x128xf32, #tpu.memory_space<vmem>>)
    %dma_start3A_160 = arith.constant 1 : i32
    %dma_start3A_161 = arith.constant 0 : i32
    %dma_start3A_162 = arith.constant 0 : i32
    %dma_start3A_163 = tpu.memref_slice %arg8[%dma_start3A_160, %dma_start3A_161, %dma_start3A_162] : memref<10x40x128xf32, #tpu.memory_space<vmem>> -> memref<1x40x128xf32, #tpu.memory_space<vmem>>
    %dma_start3A_164 = tpu.memref_squeeze %dma_start3A_163 : memref<1x40x128xf32, #tpu.memory_space<vmem>> -> memref<40x128xf32, #tpu.memory_space<vmem>>
    %dma_start3A_165 = arith.constant 40 : i32
    %dma_start3A_166 = tpu.memref_slice %arg6[%dma_start3A_165] : memref<6400xi32, #tpu.memory_space<vmem>> -> memref<40xi32, #tpu.memory_space<vmem>>
    %dma_start3A_167 = arith.constant 0 : i32
    %dma_start3A_168 = arith.constant 0 : i32
    %dma_start3A_169 = tpu.memref_slice %arg4[%dma_start3A_167, %dma_start3A_168] : memref<100000x128xf32, #tpu.memory_space<hbm>> -> memref<100000x128xf32, #tpu.memory_space<hbm>>
    tpu.enqueue_indirect_dma source(%dma_start3A_169 : memref<100000x128xf32, #tpu.memory_space<hbm>>) target(%dma_start3A_164 : memref<40x128xf32, #tpu.memory_space<vmem>>) offsets(%dma_start3A_166 : memref<40xi32, #tpu.memory_space<vmem>>) semaphore(%arg10 : memref<!tpu.dma_semaphore, #tpu.memory_space<semaphore_mem>>) {add = true}
    %dma_wait3A_170 = arith.constant 2 : i32
    %dma_wait3A_171 = arith.constant 0 : i32
    %dma_wait3A_172 = arith.constant 0 : i32
    %dma_wait3A_173 = tpu.memref_slice %arg8[%dma_wait3A_170, %dma_wait3A_171, %dma_wait3A_172] : memref<10x40x128xf32, #tpu.memory_space<vmem>> -> memref<1x40x128xf32, #tpu.memory_space<vmem>>
    %dma_wait3A_174 = tpu.memref_squeeze %dma_wait3A_173 : memref<1x40x128xf32, #tpu.memory_space<vmem>> -> memref<40x128xf32, #tpu.memory_space<vmem>>
    %dma_wait3A_175 = arith.constant 0 : i32
    %dma_wait3A_176 = arith.constant 0 : i32
    %dma_wait3A_177 = tpu.memref_slice %arg7[%dma_wait3A_175, %dma_wait3A_176] : memref<256x128xf32, #tpu.memory_space<vmem_shared>> -> memref<40x128xf32, #tpu.memory_space<vmem_shared>>
    %dma_wait3A_178 = arith.constant 0 : i32
    %dma_wait3A_179 = arith.constant 0 : i32
    %dma_wait3A_180 = tpu.memref_slice %arg8[%dma_wait3A_170, %dma_wait3A_178, %dma_wait3A_179] : memref<10x40x128xf32, #tpu.memory_space<vmem>> -> memref<1x40x128xf32, #tpu.memory_space<vmem>>
    %dma_wait3A_181 = tpu.memref_squeeze %dma_wait3A_180 : memref<1x40x128xf32, #tpu.memory_space<vmem>> -> memref<40x128xf32, #tpu.memory_space<vmem>>
    %dma_wait3A_182 = arith.constant 0 : i32
    %dma_wait3A_183 = arith.constant 0 : i32
    %dma_wait3A_184 = tpu.memref_slice %arg7[%dma_wait3A_182, %dma_wait3A_183] : memref<256x128xf32, #tpu.memory_space<vmem_shared>> -> memref<40x128xf32, #tpu.memory_space<vmem_shared>>
    tpu.wait_dma2 semaphore(%arg31 : memref<!tpu.dma_semaphore, #tpu.memory_space<semaphore_mem>>) src(%dma_wait3A_184 : memref<40x128xf32, #tpu.memory_space<vmem_shared>>) dst(%dma_wait3A_181 : memref<40x128xf32, #tpu.memory_space<vmem>>)
    %dma_start3A_185 = arith.constant 2 : i32
    %dma_start3A_186 = arith.constant 0 : i32
    %dma_start3A_187 = arith.constant 0 : i32
    %dma_start3A_188 = tpu.memref_slice %arg8[%dma_start3A_185, %dma_start3A_186, %dma_start3A_187] : memref<10x40x128xf32, #tpu.memory_space<vmem>> -> memref<1x40x128xf32, #tpu.memory_space<vmem>>
    %dma_start3A_189 = tpu.memref_squeeze %dma_start3A_188 : memref<1x40x128xf32, #tpu.memory_space<vmem>> -> memref<40x128xf32, #tpu.memory_space<vmem>>
    %dma_start3A_190 = arith.constant 80 : i32
    %dma_start3A_191 = tpu.memref_slice %arg6[%dma_start3A_190] : memref<6400xi32, #tpu.memory_space<vmem>> -> memref<40xi32, #tpu.memory_space<vmem>>
    %dma_start3A_192 = arith.constant 0 : i32
    %dma_start3A_193 = arith.constant 0 : i32
    %dma_start3A_194 = tpu.memref_slice %arg4[%dma_start3A_192, %dma_start3A_193] : memref<100000x128xf32, #tpu.memory_space<hbm>> -> memref<100000x128xf32, #tpu.memory_space<hbm>>
    tpu.enqueue_indirect_dma source(%dma_start3A_194 : memref<100000x128xf32, #tpu.memory_space<hbm>>) target(%dma_start3A_189 : memref<40x128xf32, #tpu.memory_space<vmem>>) offsets(%dma_start3A_191 : memref<40xi32, #tpu.memory_space<vmem>>) semaphore(%arg11 : memref<!tpu.dma_semaphore, #tpu.memory_space<semaphore_mem>>) {add = true}
    %dma_wait3A_195 = arith.constant 3 : i32
    %dma_wait3A_196 = arith.constant 0 : i32
    %dma_wait3A_197 = arith.constant 0 : i32
    %dma_wait3A_198 = tpu.memref_slice %arg8[%dma_wait3A_195, %dma_wait3A_196, %dma_wait3A_197] : memref<10x40x128xf32, #tpu.memory_space<vmem>> -> memref<1x40x128xf32, #tpu.memory_space<vmem>>
    %dma_wait3A_199 = tpu.memref_squeeze %dma_wait3A_198 : memref<1x40x128xf32, #tpu.memory_space<vmem>> -> memref<40x128xf32, #tpu.memory_space<vmem>>
    %dma_wait3A_200 = arith.constant 0 : i32
    %dma_wait3A_201 = arith.constant 0 : i32
    %dma_wait3A_202 = tpu.memref_slice %arg7[%dma_wait3A_200, %dma_wait3A_201] : memref<256x128xf32, #tpu.memory_space<vmem_shared>> -> memref<40x128xf32, #tpu.memory_space<vmem_shared>>
    %dma_wait3A_203 = arith.constant 0 : i32
    %dma_wait3A_204 = arith.constant 0 : i32
    %dma_wait3A_205 = tpu.memref_slice %arg8[%dma_wait3A_195, %dma_wait3A_203, %dma_wait3A_204] : memref<10x40x128xf32, #tpu.memory_space<vmem>> -> memref<1x40x128xf32, #tpu.memory_space<vmem>>
    %dma_wait3A_206 = tpu.memref_squeeze %dma_wait3A_205 : memref<1x40x128xf32, #tpu.memory_space<vmem>> -> memref<40x128xf32, #tpu.memory_space<vmem>>
    %dma_wait3A_207 = arith.constant 0 : i32
    %dma_wait3A_208 = arith.constant 0 : i32
    %dma_wait3A_209 = tpu.memref_slice %arg7[%dma_wait3A_207, %dma_wait3A_208] : memref<256x128xf32, #tpu.memory_space<vmem_shared>> -> memref<40x128xf32, #tpu.memory_space<vmem_shared>>
    tpu.wait_dma2 semaphore(%arg32 : memref<!tpu.dma_semaphore, #tpu.memory_space<semaphore_mem>>) src(%dma_wait3A_209 : memref<40x128xf32, #tpu.memory_space<vmem_shared>>) dst(%dma_wait3A_206 : memref<40x128xf32, #tpu.memory_space<vmem>>)
    %dma_start3A_210 = arith.constant 3 : i32
    %dma_start3A_211 = arith.constant 0 : i32
    %dma_start3A_212 = arith.constant 0 : i32
    %dma_start3A_213 = tpu.memref_slice %arg8[%dma_start3A_210, %dma_start3A_211, %dma_start3A_212] : memref<10x40x128xf32, #tpu.memory_space<vmem>> -> memref<1x40x128xf32, #tpu.memory_space<vmem>>
    %dma_start3A_214 = tpu.memref_squeeze %dma_start3A_213 : memref<1x40x128xf32, #tpu.memory_space<vmem>> -> memref<40x128xf32, #tpu.memory_space<vmem>>
    %dma_start3A_215 = arith.constant 120 : i32
    %dma_start3A_216 = tpu.memref_slice %arg6[%dma_start3A_215] : memref<6400xi32, #tpu.memory_space<vmem>> -> memref<40xi32, #tpu.memory_space<vmem>>
    %dma_start3A_217 = arith.constant 0 : i32
    %dma_start3A_218 = arith.constant 0 : i32
    %dma_start3A_219 = tpu.memref_slice %arg4[%dma_start3A_217, %dma_start3A_218] : memref<100000x128xf32, #tpu.memory_space<hbm>> -> memref<100000x128xf32, #tpu.memory_space<hbm>>
    tpu.enqueue_indirect_dma source(%dma_start3A_219 : memref<100000x128xf32, #tpu.memory_space<hbm>>) target(%dma_start3A_214 : memref<40x128xf32, #tpu.memory_space<vmem>>) offsets(%dma_start3A_216 : memref<40xi32, #tpu.memory_space<vmem>>) semaphore(%arg12 : memref<!tpu.dma_semaphore, #tpu.memory_space<semaphore_mem>>) {add = true}
    %scan3A = arith.constant 0 : i32
    %scan3A_220 = arith.constant 0 : i32
    %scan3A_221 = arith.constant 16 : i32
    %scan3A_222 = arith.addi %scan3A_220, %scan3A_221 : i32
    %scan3A_223 = arith.constant 1 : i32
    scf.for %scan3A_355 = %scan3A_220 to %scan3A_222 step %scan3A_223  : i32 {
      %mul3A_356 = arith.constant 10 : i32
      %mul3A_357 = arith.muli %scan3A_355, %mul3A_356 : i32
      %add3A_358 = arith.constant 0 : i32
      %add3A_359 = arith.addi %mul3A_357, %add3A_358 : i32
      %ge3A = arith.constant 1 : i32
      %ge3A_360 = arith.cmpi sge, %scan3A_355, %ge3A : i32
      %convert_element_type3A = arith.extui %ge3A_360 : i1 to i32
      %cond3A = arith.constant 0 : i32
      %cond3A_361 = arith.cmpi ne, %convert_element_type3A, %cond3A : i32
      scf.if %cond3A_361 {
        %dma_wait3A_1000 = arith.constant 7 : i32
        %dma_wait3A_1001 = arith.constant 0 : i32
        %dma_wait3A_1002 = arith.constant 0 : i32
        %dma_wait3A_1003 = tpu.memref_slice %arg8[%dma_wait3A_1000, %dma_wait3A_1001, %dma_wait3A_1002] : memref<10x40x128xf32, #tpu.memory_space<vmem>> -> memref<1x40x128xf32, #tpu.memory_space<vmem>>
        %dma_wait3A_1004 = tpu.memref_squeeze %dma_wait3A_1003 : memref<1x40x128xf32, #tpu.memory_space<vmem>> -> memref<40x128xf32, #tpu.memory_space<vmem>>
        %dma_wait3A_1005 = arith.constant 0 : i32
        %dma_wait3A_1006 = tpu.memref_slice %arg5[%mul3A_2, %dma_wait3A_1005] : memref<204800x128xf32, #tpu.memory_space<hbm>> -> memref<40x128xf32, #tpu.memory_space<hbm>>
        %dma_wait3A_1007 = arith.constant 0 : i32
        %dma_wait3A_1008 = tpu.memref_slice %arg5[%mul3A_2, %dma_wait3A_1007] : memref<204800x128xf32, #tpu.memory_space<hbm>> -> memref<40x128xf32, #tpu.memory_space<hbm>>
        %dma_wait3A_1009 = arith.constant 0 : i32
        %dma_wait3A_1010 = arith.constant 0 : i32
        %dma_wait3A_1011 = tpu.memref_slice %arg8[%dma_wait3A_1000, %dma_wait3A_1009, %dma_wait3A_1010] : memref<10x40x128xf32, #tpu.memory_space<vmem>> -> memref<1x40x128xf32, #tpu.memory_space<vmem>>
        %dma_wait3A_1012 = tpu.memref_squeeze %dma_wait3A_1011 : memref<1x40x128xf32, #tpu.memory_space<vmem>> -> memref<40x128xf32, #tpu.memory_space<vmem>>
        tpu.wait_dma2 semaphore(%arg26 : memref<!tpu.dma_semaphore, #tpu.memory_space<semaphore_mem>>) src(%dma_wait3A_1012 : memref<40x128xf32, #tpu.memory_space<vmem>>) dst(%dma_wait3A_1008 : memref<40x128xf32, #tpu.memory_space<hbm>>)
      } else {
      }
      %mul3A_362 = arith.constant 10 : i32
      %mul3A_363 = arith.muli %scan3A_355, %mul3A_362 : i32
      %add3A_364 = arith.constant 7 : i32
      %add3A_365 = arith.addi %mul3A_363, %add3A_364 : i32
      %mul3A_366 = arith.constant 40 : i32
      %mul3A_367 = arith.muli %add3A_365, %mul3A_366 : i32
      %rem3A_368 = arith.constant 200 : i32
      %rem3A_369 = arith.remsi %mul3A_367, %rem3A_368 : i32
      %dma_start3A_370 = arith.constant 7 : i32
      %dma_start3A_371 = arith.constant 0 : i32
      %dma_start3A_372 = arith.constant 0 : i32
      %dma_start3A_373 = tpu.memref_slice %arg8[%dma_start3A_370, %dma_start3A_371, %dma_start3A_372] : memref<10x40x128xf32, #tpu.memory_space<vmem>> -> memref<1x40x128xf32, #tpu.memory_space<vmem>>
      %dma_start3A_374 = tpu.memref_squeeze %dma_start3A_373 : memref<1x40x128xf32, #tpu.memory_space<vmem>> -> memref<40x128xf32, #tpu.memory_space<vmem>>
      %dma_start3A_375 = arith.constant 0 : i32
      %dma_start3A_376 = tpu.memref_slice %arg7[%rem3A_369, %dma_start3A_375] : memref<256x128xf32, #tpu.memory_space<vmem_shared>> -> memref<40x128xf32, #tpu.memory_space<vmem_shared>>
      %dma_start3A_377 = arith.constant 0 : i32
      %dma_start3A_378 = arith.constant 0 : i32
      %dma_start3A_379 = tpu.memref_slice %arg8[%dma_start3A_370, %dma_start3A_377, %dma_start3A_378] : memref<10x40x128xf32, #tpu.memory_space<vmem>> -> memref<1x40x128xf32, #tpu.memory_space<vmem>>
      %dma_start3A_380 = tpu.memref_squeeze %dma_start3A_379 : memref<1x40x128xf32, #tpu.memory_space<vmem>> -> memref<40x128xf32, #tpu.memory_space<vmem>>
      %dma_start3A_381 = arith.constant 0 : i32
      %dma_start3A_382 = tpu.memref_slice %arg7[%rem3A_369, %dma_start3A_381] : memref<256x128xf32, #tpu.memory_space<vmem_shared>> -> memref<40x128xf32, #tpu.memory_space<vmem_shared>>
      tpu.enqueue_dma source(%dma_start3A_382 : memref<40x128xf32, #tpu.memory_space<vmem_shared>>) target(%dma_start3A_380 : memref<40x128xf32, #tpu.memory_space<vmem>>) target_semaphore(%arg36 : memref<!tpu.dma_semaphore, #tpu.memory_space<semaphore_mem>>)
      %mul3A_383 = arith.constant 10 : i32
      %mul3A_384 = arith.muli %scan3A_355, %mul3A_383 : i32
      %add3A_385 = arith.constant 4 : i32
      %add3A_386 = arith.addi %mul3A_384, %add3A_385 : i32
      %dma_wait3A_387 = arith.constant 4 : i32
      %dma_wait3A_388 = arith.constant 0 : i32
      %dma_wait3A_389 = arith.constant 0 : i32
      %dma_wait3A_390 = tpu.memref_slice %arg8[%dma_wait3A_387, %dma_wait3A_388, %dma_wait3A_389] : memref<10x40x128xf32, #tpu.memory_space<vmem>> -> memref<1x40x128xf32, #tpu.memory_space<vmem>>
      %dma_wait3A_391 = tpu.memref_squeeze %dma_wait3A_390 : memref<1x40x128xf32, #tpu.memory_space<vmem>> -> memref<40x128xf32, #tpu.memory_space<vmem>>
      %dma_wait3A_392 = arith.constant 0 : i32
      %dma_wait3A_393 = arith.constant 0 : i32
      %dma_wait3A_394 = tpu.memref_slice %arg7[%dma_wait3A_392, %dma_wait3A_393] : memref<256x128xf32, #tpu.memory_space<vmem_shared>> -> memref<40x128xf32, #tpu.memory_space<vmem_shared>>
      %dma_wait3A_395 = arith.constant 0 : i32
      %dma_wait3A_396 = arith.constant 0 : i32
      %dma_wait3A_397 = tpu.memref_slice %arg8[%dma_wait3A_387, %dma_wait3A_395, %dma_wait3A_396] : memref<10x40x128xf32, #tpu.memory_space<vmem>> -> memref<1x40x128xf32, #tpu.memory_space<vmem>>
      %dma_wait3A_398 = tpu.memref_squeeze %dma_wait3A_397 : memref<1x40x128xf32, #tpu.memory_space<vmem>> -> memref<40x128xf32, #tpu.memory_space<vmem>>
      %dma_wait3A_399 = arith.constant 0 : i32
      %dma_wait3A_400 = arith.constant 0 : i32
      %dma_wait3A_401 = tpu.memref_slice %arg7[%dma_wait3A_399, %dma_wait3A_400] : memref<256x128xf32, #tpu.memory_space<vmem_shared>> -> memref<40x128xf32, #tpu.memory_space<vmem_shared>>
      tpu.wait_dma2 semaphore(%arg33 : memref<!tpu.dma_semaphore, #tpu.memory_space<semaphore_mem>>) src(%dma_wait3A_401 : memref<40x128xf32, #tpu.memory_space<vmem_shared>>) dst(%dma_wait3A_398 : memref<40x128xf32, #tpu.memory_space<vmem>>)
      %mul3A_402 = arith.constant 40 : i32
      %mul3A_403 = arith.muli %add3A_386, %mul3A_402 : i32
      %dma_start3A_404 = arith.constant 4 : i32
      %dma_start3A_405 = arith.constant 0 : i32
      %dma_start3A_406 = arith.constant 0 : i32
      %dma_start3A_407 = tpu.memref_slice %arg8[%dma_start3A_404, %dma_start3A_405, %dma_start3A_406] : memref<10x40x128xf32, #tpu.memory_space<vmem>> -> memref<1x40x128xf32, #tpu.memory_space<vmem>>
      %dma_start3A_408 = tpu.memref_squeeze %dma_start3A_407 : memref<1x40x128xf32, #tpu.memory_space<vmem>> -> memref<40x128xf32, #tpu.memory_space<vmem>>
      %dma_start3A_409 = tpu.memref_slice %arg6[%mul3A_403] : memref<6400xi32, #tpu.memory_space<vmem>> -> memref<40xi32, #tpu.memory_space<vmem>>
      %dma_start3A_410 = arith.constant 0 : i32
      %dma_start3A_411 = arith.constant 0 : i32
      %dma_start3A_412 = tpu.memref_slice %arg4[%dma_start3A_410, %dma_start3A_411] : memref<100000x128xf32, #tpu.memory_space<hbm>> -> memref<100000x128xf32, #tpu.memory_space<hbm>>
      tpu.enqueue_indirect_dma source(%dma_start3A_412 : memref<100000x128xf32, #tpu.memory_space<hbm>>) target(%dma_start3A_408 : memref<40x128xf32, #tpu.memory_space<vmem>>) offsets(%dma_start3A_409 : memref<40xi32, #tpu.memory_space<vmem>>) semaphore(%arg13 : memref<!tpu.dma_semaphore, #tpu.memory_space<semaphore_mem>>) {add = true}
      %dma_wait3A_413 = arith.constant 0 : i32
      %dma_wait3A_414 = arith.constant 0 : i32
      %dma_wait3A_415 = arith.constant 0 : i32
      %dma_wait3A_416 = tpu.memref_slice %arg8[%dma_wait3A_413, %dma_wait3A_414, %dma_wait3A_415] : memref<10x40x128xf32, #tpu.memory_space<vmem>> -> memref<1x40x128xf32, #tpu.memory_space<vmem>>
      %dma_wait3A_417 = tpu.memref_squeeze %dma_wait3A_416 : memref<1x40x128xf32, #tpu.memory_space<vmem>> -> memref<40x128xf32, #tpu.memory_space<vmem>>
      %dma_wait3A_418 = arith.constant 0 : i32
      %dma_wait3A_419 = tpu.memref_slice %arg6[%dma_wait3A_418] : memref<6400xi32, #tpu.memory_space<vmem>> -> memref<40xi32, #tpu.memory_space<vmem>>
      %dma_wait3A_420 = arith.constant 0 : i32
      %dma_wait3A_421 = arith.constant 0 : i32
      %dma_wait3A_422 = tpu.memref_slice %arg4[%dma_wait3A_420, %dma_wait3A_421] : memref<100000x128xf32, #tpu.memory_space<hbm>> -> memref<100000x128xf32, #tpu.memory_space<hbm>>
      tpu.wait_indirect_dma semaphore(%arg9 : memref<!tpu.dma_semaphore, #tpu.memory_space<semaphore_mem>>) src(%dma_wait3A_422 : memref<100000x128xf32, #tpu.memory_space<hbm>>) dst(%dma_wait3A_417 : memref<40x128xf32, #tpu.memory_space<vmem>>)
      %mul3A_423 = arith.constant 40 : i32
      %mul3A_424 = arith.muli %add3A_359, %mul3A_423 : i32
      %add3A_425 = arith.addi %mul3A_2, %mul3A_424 : i32
      %dma_start3A_426 = arith.constant 0 : i32
      %dma_start3A_427 = arith.constant 0 : i32
      %dma_start3A_428 = arith.constant 0 : i32
      %dma_start3A_429 = tpu.memref_slice %arg8[%dma_start3A_426, %dma_start3A_427, %dma_start3A_428] : memref<10x40x128xf32, #tpu.memory_space<vmem>> -> memref<1x40x128xf32, #tpu.memory_space<vmem>>
      %dma_start3A_430 = tpu.memref_squeeze %dma_start3A_429 : memref<1x40x128xf32, #tpu.memory_space<vmem>> -> memref<40x128xf32, #tpu.memory_space<vmem>>
      %dma_start3A_431 = arith.constant 0 : i32
      %dma_start3A_432 = tpu.memref_slice %arg5[%add3A_425, %dma_start3A_431] : memref<204800x128xf32, #tpu.memory_space<hbm>> -> memref<40x128xf32, #tpu.memory_space<hbm>>
      %dma_start3A_433 = arith.constant 0 : i32
      %dma_start3A_434 = tpu.memref_slice %arg5[%add3A_425, %dma_start3A_433] : memref<204800x128xf32, #tpu.memory_space<hbm>> -> memref<40x128xf32, #tpu.memory_space<hbm>>
      %dma_start3A_435 = arith.constant 0 : i32
      %dma_start3A_436 = arith.constant 0 : i32
      %dma_start3A_437 = tpu.memref_slice %arg8[%dma_start3A_426, %dma_start3A_435, %dma_start3A_436] : memref<10x40x128xf32, #tpu.memory_space<vmem>> -> memref<1x40x128xf32, #tpu.memory_space<vmem>>
      %dma_start3A_438 = tpu.memref_squeeze %dma_start3A_437 : memref<1x40x128xf32, #tpu.memory_space<vmem>> -> memref<40x128xf32, #tpu.memory_space<vmem>>
      tpu.enqueue_dma source(%dma_start3A_438 : memref<40x128xf32, #tpu.memory_space<vmem>>) target(%dma_start3A_434 : memref<40x128xf32, #tpu.memory_space<hbm>>) target_semaphore(%arg19 : memref<!tpu.dma_semaphore, #tpu.memory_space<semaphore_mem>>)
      %mul3A_439 = arith.constant 10 : i32
      %mul3A_440 = arith.muli %scan3A_355, %mul3A_439 : i32
      %add3A_441 = arith.constant 1 : i32
      %add3A_442 = arith.addi %mul3A_440, %add3A_441 : i32
      %ge3A_443 = arith.constant 1 : i32
      %ge3A_444 = arith.cmpi sge, %scan3A_355, %ge3A_443 : i32
      %convert_element_type3A_445 = arith.extui %ge3A_444 : i1 to i32
      %cond3A_446 = arith.constant 0 : i32
      %cond3A_447 = arith.cmpi ne, %convert_element_type3A_445, %cond3A_446 : i32
      scf.if %cond3A_447 {
        %dma_wait3A_1000 = arith.constant 8 : i32
        %dma_wait3A_1001 = arith.constant 0 : i32
        %dma_wait3A_1002 = arith.constant 0 : i32
        %dma_wait3A_1003 = tpu.memref_slice %arg8[%dma_wait3A_1000, %dma_wait3A_1001, %dma_wait3A_1002] : memref<10x40x128xf32, #tpu.memory_space<vmem>> -> memref<1x40x128xf32, #tpu.memory_space<vmem>>
        %dma_wait3A_1004 = tpu.memref_squeeze %dma_wait3A_1003 : memref<1x40x128xf32, #tpu.memory_space<vmem>> -> memref<40x128xf32, #tpu.memory_space<vmem>>
        %dma_wait3A_1005 = arith.constant 0 : i32
        %dma_wait3A_1006 = tpu.memref_slice %arg5[%mul3A_2, %dma_wait3A_1005] : memref<204800x128xf32, #tpu.memory_space<hbm>> -> memref<40x128xf32, #tpu.memory_space<hbm>>
        %dma_wait3A_1007 = arith.constant 0 : i32
        %dma_wait3A_1008 = tpu.memref_slice %arg5[%mul3A_2, %dma_wait3A_1007] : memref<204800x128xf32, #tpu.memory_space<hbm>> -> memref<40x128xf32, #tpu.memory_space<hbm>>
        %dma_wait3A_1009 = arith.constant 0 : i32
        %dma_wait3A_1010 = arith.constant 0 : i32
        %dma_wait3A_1011 = tpu.memref_slice %arg8[%dma_wait3A_1000, %dma_wait3A_1009, %dma_wait3A_1010] : memref<10x40x128xf32, #tpu.memory_space<vmem>> -> memref<1x40x128xf32, #tpu.memory_space<vmem>>
        %dma_wait3A_1012 = tpu.memref_squeeze %dma_wait3A_1011 : memref<1x40x128xf32, #tpu.memory_space<vmem>> -> memref<40x128xf32, #tpu.memory_space<vmem>>
        tpu.wait_dma2 semaphore(%arg27 : memref<!tpu.dma_semaphore, #tpu.memory_space<semaphore_mem>>) src(%dma_wait3A_1012 : memref<40x128xf32, #tpu.memory_space<vmem>>) dst(%dma_wait3A_1008 : memref<40x128xf32, #tpu.memory_space<hbm>>)
      } else {
      }
      %mul3A_448 = arith.constant 10 : i32
      %mul3A_449 = arith.muli %scan3A_355, %mul3A_448 : i32
      %add3A_450 = arith.constant 8 : i32
      %add3A_451 = arith.addi %mul3A_449, %add3A_450 : i32
      %mul3A_452 = arith.constant 40 : i32
      %mul3A_453 = arith.muli %add3A_451, %mul3A_452 : i32
      %rem3A_454 = arith.constant 200 : i32
      %rem3A_455 = arith.remsi %mul3A_453, %rem3A_454 : i32
      %dma_start3A_456 = arith.constant 8 : i32
      %dma_start3A_457 = arith.constant 0 : i32
      %dma_start3A_458 = arith.constant 0 : i32
      %dma_start3A_459 = tpu.memref_slice %arg8[%dma_start3A_456, %dma_start3A_457, %dma_start3A_458] : memref<10x40x128xf32, #tpu.memory_space<vmem>> -> memref<1x40x128xf32, #tpu.memory_space<vmem>>
      %dma_start3A_460 = tpu.memref_squeeze %dma_start3A_459 : memref<1x40x128xf32, #tpu.memory_space<vmem>> -> memref<40x128xf32, #tpu.memory_space<vmem>>
      %dma_start3A_461 = arith.constant 0 : i32
      %dma_start3A_462 = tpu.memref_slice %arg7[%rem3A_455, %dma_start3A_461] : memref<256x128xf32, #tpu.memory_space<vmem_shared>> -> memref<40x128xf32, #tpu.memory_space<vmem_shared>>
      %dma_start3A_463 = arith.constant 0 : i32
      %dma_start3A_464 = arith.constant 0 : i32
      %dma_start3A_465 = tpu.memref_slice %arg8[%dma_start3A_456, %dma_start3A_463, %dma_start3A_464] : memref<10x40x128xf32, #tpu.memory_space<vmem>> -> memref<1x40x128xf32, #tpu.memory_space<vmem>>
      %dma_start3A_466 = tpu.memref_squeeze %dma_start3A_465 : memref<1x40x128xf32, #tpu.memory_space<vmem>> -> memref<40x128xf32, #tpu.memory_space<vmem>>
      %dma_start3A_467 = arith.constant 0 : i32
      %dma_start3A_468 = tpu.memref_slice %arg7[%rem3A_455, %dma_start3A_467] : memref<256x128xf32, #tpu.memory_space<vmem_shared>> -> memref<40x128xf32, #tpu.memory_space<vmem_shared>>
      tpu.enqueue_dma source(%dma_start3A_468 : memref<40x128xf32, #tpu.memory_space<vmem_shared>>) target(%dma_start3A_466 : memref<40x128xf32, #tpu.memory_space<vmem>>) target_semaphore(%arg37 : memref<!tpu.dma_semaphore, #tpu.memory_space<semaphore_mem>>)
      %mul3A_469 = arith.constant 10 : i32
      %mul3A_470 = arith.muli %scan3A_355, %mul3A_469 : i32
      %add3A_471 = arith.constant 5 : i32
      %add3A_472 = arith.addi %mul3A_470, %add3A_471 : i32
      %dma_wait3A_473 = arith.constant 5 : i32
      %dma_wait3A_474 = arith.constant 0 : i32
      %dma_wait3A_475 = arith.constant 0 : i32
      %dma_wait3A_476 = tpu.memref_slice %arg8[%dma_wait3A_473, %dma_wait3A_474, %dma_wait3A_475] : memref<10x40x128xf32, #tpu.memory_space<vmem>> -> memref<1x40x128xf32, #tpu.memory_space<vmem>>
      %dma_wait3A_477 = tpu.memref_squeeze %dma_wait3A_476 : memref<1x40x128xf32, #tpu.memory_space<vmem>> -> memref<40x128xf32, #tpu.memory_space<vmem>>
      %dma_wait3A_478 = arith.constant 0 : i32
      %dma_wait3A_479 = arith.constant 0 : i32
      %dma_wait3A_480 = tpu.memref_slice %arg7[%dma_wait3A_478, %dma_wait3A_479] : memref<256x128xf32, #tpu.memory_space<vmem_shared>> -> memref<40x128xf32, #tpu.memory_space<vmem_shared>>
      %dma_wait3A_481 = arith.constant 0 : i32
      %dma_wait3A_482 = arith.constant 0 : i32
      %dma_wait3A_483 = tpu.memref_slice %arg8[%dma_wait3A_473, %dma_wait3A_481, %dma_wait3A_482] : memref<10x40x128xf32, #tpu.memory_space<vmem>> -> memref<1x40x128xf32, #tpu.memory_space<vmem>>
      %dma_wait3A_484 = tpu.memref_squeeze %dma_wait3A_483 : memref<1x40x128xf32, #tpu.memory_space<vmem>> -> memref<40x128xf32, #tpu.memory_space<vmem>>
      %dma_wait3A_485 = arith.constant 0 : i32
      %dma_wait3A_486 = arith.constant 0 : i32
      %dma_wait3A_487 = tpu.memref_slice %arg7[%dma_wait3A_485, %dma_wait3A_486] : memref<256x128xf32, #tpu.memory_space<vmem_shared>> -> memref<40x128xf32, #tpu.memory_space<vmem_shared>>
      tpu.wait_dma2 semaphore(%arg34 : memref<!tpu.dma_semaphore, #tpu.memory_space<semaphore_mem>>) src(%dma_wait3A_487 : memref<40x128xf32, #tpu.memory_space<vmem_shared>>) dst(%dma_wait3A_484 : memref<40x128xf32, #tpu.memory_space<vmem>>)
      %mul3A_488 = arith.constant 40 : i32
      %mul3A_489 = arith.muli %add3A_472, %mul3A_488 : i32
      %dma_start3A_490 = arith.constant 5 : i32
      %dma_start3A_491 = arith.constant 0 : i32
      %dma_start3A_492 = arith.constant 0 : i32
      %dma_start3A_493 = tpu.memref_slice %arg8[%dma_start3A_490, %dma_start3A_491, %dma_start3A_492] : memref<10x40x128xf32, #tpu.memory_space<vmem>> -> memref<1x40x128xf32, #tpu.memory_space<vmem>>
      %dma_start3A_494 = tpu.memref_squeeze %dma_start3A_493 : memref<1x40x128xf32, #tpu.memory_space<vmem>> -> memref<40x128xf32, #tpu.memory_space<vmem>>
      %dma_start3A_495 = tpu.memref_slice %arg6[%mul3A_489] : memref<6400xi32, #tpu.memory_space<vmem>> -> memref<40xi32, #tpu.memory_space<vmem>>
      %dma_start3A_496 = arith.constant 0 : i32
      %dma_start3A_497 = arith.constant 0 : i32
      %dma_start3A_498 = tpu.memref_slice %arg4[%dma_start3A_496, %dma_start3A_497] : memref<100000x128xf32, #tpu.memory_space<hbm>> -> memref<100000x128xf32, #tpu.memory_space<hbm>>
      tpu.enqueue_indirect_dma source(%dma_start3A_498 : memref<100000x128xf32, #tpu.memory_space<hbm>>) target(%dma_start3A_494 : memref<40x128xf32, #tpu.memory_space<vmem>>) offsets(%dma_start3A_495 : memref<40xi32, #tpu.memory_space<vmem>>) semaphore(%arg14 : memref<!tpu.dma_semaphore, #tpu.memory_space<semaphore_mem>>) {add = true}
      %dma_wait3A_499 = arith.constant 1 : i32
      %dma_wait3A_500 = arith.constant 0 : i32
      %dma_wait3A_501 = arith.constant 0 : i32
      %dma_wait3A_502 = tpu.memref_slice %arg8[%dma_wait3A_499, %dma_wait3A_500, %dma_wait3A_501] : memref<10x40x128xf32, #tpu.memory_space<vmem>> -> memref<1x40x128xf32, #tpu.memory_space<vmem>>
      %dma_wait3A_503 = tpu.memref_squeeze %dma_wait3A_502 : memref<1x40x128xf32, #tpu.memory_space<vmem>> -> memref<40x128xf32, #tpu.memory_space<vmem>>
      %dma_wait3A_504 = arith.constant 0 : i32
      %dma_wait3A_505 = tpu.memref_slice %arg6[%dma_wait3A_504] : memref<6400xi32, #tpu.memory_space<vmem>> -> memref<40xi32, #tpu.memory_space<vmem>>
      %dma_wait3A_506 = arith.constant 0 : i32
      %dma_wait3A_507 = arith.constant 0 : i32
      %dma_wait3A_508 = tpu.memref_slice %arg4[%dma_wait3A_506, %dma_wait3A_507] : memref<100000x128xf32, #tpu.memory_space<hbm>> -> memref<100000x128xf32, #tpu.memory_space<hbm>>
      tpu.wait_indirect_dma semaphore(%arg10 : memref<!tpu.dma_semaphore, #tpu.memory_space<semaphore_mem>>) src(%dma_wait3A_508 : memref<100000x128xf32, #tpu.memory_space<hbm>>) dst(%dma_wait3A_503 : memref<40x128xf32, #tpu.memory_space<vmem>>)
      %mul3A_509 = arith.constant 40 : i32
      %mul3A_510 = arith.muli %add3A_442, %mul3A_509 : i32
      %add3A_511 = arith.addi %mul3A_2, %mul3A_510 : i32
      %dma_start3A_512 = arith.constant 1 : i32
      %dma_start3A_513 = arith.constant 0 : i32
      %dma_start3A_514 = arith.constant 0 : i32
      %dma_start3A_515 = tpu.memref_slice %arg8[%dma_start3A_512, %dma_start3A_513, %dma_start3A_514] : memref<10x40x128xf32, #tpu.memory_space<vmem>> -> memref<1x40x128xf32, #tpu.memory_space<vmem>>
      %dma_start3A_516 = tpu.memref_squeeze %dma_start3A_515 : memref<1x40x128xf32, #tpu.memory_space<vmem>> -> memref<40x128xf32, #tpu.memory_space<vmem>>
      %dma_start3A_517 = arith.constant 0 : i32
      %dma_start3A_518 = tpu.memref_slice %arg5[%add3A_511, %dma_start3A_517] : memref<204800x128xf32, #tpu.memory_space<hbm>> -> memref<40x128xf32, #tpu.memory_space<hbm>>
      %dma_start3A_519 = arith.constant 0 : i32
      %dma_start3A_520 = tpu.memref_slice %arg5[%add3A_511, %dma_start3A_519] : memref<204800x128xf32, #tpu.memory_space<hbm>> -> memref<40x128xf32, #tpu.memory_space<hbm>>
      %dma_start3A_521 = arith.constant 0 : i32
      %dma_start3A_522 = arith.constant 0 : i32
      %dma_start3A_523 = tpu.memref_slice %arg8[%dma_start3A_512, %dma_start3A_521, %dma_start3A_522] : memref<10x40x128xf32, #tpu.memory_space<vmem>> -> memref<1x40x128xf32, #tpu.memory_space<vmem>>
      %dma_start3A_524 = tpu.memref_squeeze %dma_start3A_523 : memref<1x40x128xf32, #tpu.memory_space<vmem>> -> memref<40x128xf32, #tpu.memory_space<vmem>>
      tpu.enqueue_dma source(%dma_start3A_524 : memref<40x128xf32, #tpu.memory_space<vmem>>) target(%dma_start3A_520 : memref<40x128xf32, #tpu.memory_space<hbm>>) target_semaphore(%arg20 : memref<!tpu.dma_semaphore, #tpu.memory_space<semaphore_mem>>)
      %mul3A_525 = arith.constant 10 : i32
      %mul3A_526 = arith.muli %scan3A_355, %mul3A_525 : i32
      %add3A_527 = arith.constant 2 : i32
      %add3A_528 = arith.addi %mul3A_526, %add3A_527 : i32
      %ge3A_529 = arith.constant 1 : i32
      %ge3A_530 = arith.cmpi sge, %scan3A_355, %ge3A_529 : i32
      %convert_element_type3A_531 = arith.extui %ge3A_530 : i1 to i32
      %cond3A_532 = arith.constant 0 : i32
      %cond3A_533 = arith.cmpi ne, %convert_element_type3A_531, %cond3A_532 : i32
      scf.if %cond3A_533 {
        %dma_wait3A_1000 = arith.constant 9 : i32
        %dma_wait3A_1001 = arith.constant 0 : i32
        %dma_wait3A_1002 = arith.constant 0 : i32
        %dma_wait3A_1003 = tpu.memref_slice %arg8[%dma_wait3A_1000, %dma_wait3A_1001, %dma_wait3A_1002] : memref<10x40x128xf32, #tpu.memory_space<vmem>> -> memref<1x40x128xf32, #tpu.memory_space<vmem>>
        %dma_wait3A_1004 = tpu.memref_squeeze %dma_wait3A_1003 : memref<1x40x128xf32, #tpu.memory_space<vmem>> -> memref<40x128xf32, #tpu.memory_space<vmem>>
        %dma_wait3A_1005 = arith.constant 0 : i32
        %dma_wait3A_1006 = tpu.memref_slice %arg5[%mul3A_2, %dma_wait3A_1005] : memref<204800x128xf32, #tpu.memory_space<hbm>> -> memref<40x128xf32, #tpu.memory_space<hbm>>
        %dma_wait3A_1007 = arith.constant 0 : i32
        %dma_wait3A_1008 = tpu.memref_slice %arg5[%mul3A_2, %dma_wait3A_1007] : memref<204800x128xf32, #tpu.memory_space<hbm>> -> memref<40x128xf32, #tpu.memory_space<hbm>>
        %dma_wait3A_1009 = arith.constant 0 : i32
        %dma_wait3A_1010 = arith.constant 0 : i32
        %dma_wait3A_1011 = tpu.memref_slice %arg8[%dma_wait3A_1000, %dma_wait3A_1009, %dma_wait3A_1010] : memref<10x40x128xf32, #tpu.memory_space<vmem>> -> memref<1x40x128xf32, #tpu.memory_space<vmem>>
        %dma_wait3A_1012 = tpu.memref_squeeze %dma_wait3A_1011 : memref<1x40x128xf32, #tpu.memory_space<vmem>> -> memref<40x128xf32, #tpu.memory_space<vmem>>
        tpu.wait_dma2 semaphore(%arg28 : memref<!tpu.dma_semaphore, #tpu.memory_space<semaphore_mem>>) src(%dma_wait3A_1012 : memref<40x128xf32, #tpu.memory_space<vmem>>) dst(%dma_wait3A_1008 : memref<40x128xf32, #tpu.memory_space<hbm>>)
      } else {
      }
      %mul3A_534 = arith.constant 10 : i32
      %mul3A_535 = arith.muli %scan3A_355, %mul3A_534 : i32
      %add3A_536 = arith.constant 9 : i32
      %add3A_537 = arith.addi %mul3A_535, %add3A_536 : i32
      %mul3A_538 = arith.constant 40 : i32
      %mul3A_539 = arith.muli %add3A_537, %mul3A_538 : i32
      %rem3A_540 = arith.constant 200 : i32
      %rem3A_541 = arith.remsi %mul3A_539, %rem3A_540 : i32
      %dma_start3A_542 = arith.constant 9 : i32
      %dma_start3A_543 = arith.constant 0 : i32
      %dma_start3A_544 = arith.constant 0 : i32
      %dma_start3A_545 = tpu.memref_slice %arg8[%dma_start3A_542, %dma_start3A_543, %dma_start3A_544] : memref<10x40x128xf32, #tpu.memory_space<vmem>> -> memref<1x40x128xf32, #tpu.memory_space<vmem>>
      %dma_start3A_546 = tpu.memref_squeeze %dma_start3A_545 : memref<1x40x128xf32, #tpu.memory_space<vmem>> -> memref<40x128xf32, #tpu.memory_space<vmem>>
      %dma_start3A_547 = arith.constant 0 : i32
      %dma_start3A_548 = tpu.memref_slice %arg7[%rem3A_541, %dma_start3A_547] : memref<256x128xf32, #tpu.memory_space<vmem_shared>> -> memref<40x128xf32, #tpu.memory_space<vmem_shared>>
      %dma_start3A_549 = arith.constant 0 : i32
      %dma_start3A_550 = arith.constant 0 : i32
      %dma_start3A_551 = tpu.memref_slice %arg8[%dma_start3A_542, %dma_start3A_549, %dma_start3A_550] : memref<10x40x128xf32, #tpu.memory_space<vmem>> -> memref<1x40x128xf32, #tpu.memory_space<vmem>>
      %dma_start3A_552 = tpu.memref_squeeze %dma_start3A_551 : memref<1x40x128xf32, #tpu.memory_space<vmem>> -> memref<40x128xf32, #tpu.memory_space<vmem>>
      %dma_start3A_553 = arith.constant 0 : i32
      %dma_start3A_554 = tpu.memref_slice %arg7[%rem3A_541, %dma_start3A_553] : memref<256x128xf32, #tpu.memory_space<vmem_shared>> -> memref<40x128xf32, #tpu.memory_space<vmem_shared>>
      tpu.enqueue_dma source(%dma_start3A_554 : memref<40x128xf32, #tpu.memory_space<vmem_shared>>) target(%dma_start3A_552 : memref<40x128xf32, #tpu.memory_space<vmem>>) target_semaphore(%arg38 : memref<!tpu.dma_semaphore, #tpu.memory_space<semaphore_mem>>)
      %mul3A_555 = arith.constant 10 : i32
      %mul3A_556 = arith.muli %scan3A_355, %mul3A_555 : i32
      %add3A_557 = arith.constant 6 : i32
      %add3A_558 = arith.addi %mul3A_556, %add3A_557 : i32
      %dma_wait3A_559 = arith.constant 6 : i32
      %dma_wait3A_560 = arith.constant 0 : i32
      %dma_wait3A_561 = arith.constant 0 : i32
      %dma_wait3A_562 = tpu.memref_slice %arg8[%dma_wait3A_559, %dma_wait3A_560, %dma_wait3A_561] : memref<10x40x128xf32, #tpu.memory_space<vmem>> -> memref<1x40x128xf32, #tpu.memory_space<vmem>>
      %dma_wait3A_563 = tpu.memref_squeeze %dma_wait3A_562 : memref<1x40x128xf32, #tpu.memory_space<vmem>> -> memref<40x128xf32, #tpu.memory_space<vmem>>
      %dma_wait3A_564 = arith.constant 0 : i32
      %dma_wait3A_565 = arith.constant 0 : i32
      %dma_wait3A_566 = tpu.memref_slice %arg7[%dma_wait3A_564, %dma_wait3A_565] : memref<256x128xf32, #tpu.memory_space<vmem_shared>> -> memref<40x128xf32, #tpu.memory_space<vmem_shared>>
      %dma_wait3A_567 = arith.constant 0 : i32
      %dma_wait3A_568 = arith.constant 0 : i32
      %dma_wait3A_569 = tpu.memref_slice %arg8[%dma_wait3A_559, %dma_wait3A_567, %dma_wait3A_568] : memref<10x40x128xf32, #tpu.memory_space<vmem>> -> memref<1x40x128xf32, #tpu.memory_space<vmem>>
      %dma_wait3A_570 = tpu.memref_squeeze %dma_wait3A_569 : memref<1x40x128xf32, #tpu.memory_space<vmem>> -> memref<40x128xf32, #tpu.memory_space<vmem>>
      %dma_wait3A_571 = arith.constant 0 : i32
      %dma_wait3A_572 = arith.constant 0 : i32
      %dma_wait3A_573 = tpu.memref_slice %arg7[%dma_wait3A_571, %dma_wait3A_572] : memref<256x128xf32, #tpu.memory_space<vmem_shared>> -> memref<40x128xf32, #tpu.memory_space<vmem_shared>>
      tpu.wait_dma2 semaphore(%arg35 : memref<!tpu.dma_semaphore, #tpu.memory_space<semaphore_mem>>) src(%dma_wait3A_573 : memref<40x128xf32, #tpu.memory_space<vmem_shared>>) dst(%dma_wait3A_570 : memref<40x128xf32, #tpu.memory_space<vmem>>)
      %mul3A_574 = arith.constant 40 : i32
      %mul3A_575 = arith.muli %add3A_558, %mul3A_574 : i32
      %dma_start3A_576 = arith.constant 6 : i32
      %dma_start3A_577 = arith.constant 0 : i32
      %dma_start3A_578 = arith.constant 0 : i32
      %dma_start3A_579 = tpu.memref_slice %arg8[%dma_start3A_576, %dma_start3A_577, %dma_start3A_578] : memref<10x40x128xf32, #tpu.memory_space<vmem>> -> memref<1x40x128xf32, #tpu.memory_space<vmem>>
      %dma_start3A_580 = tpu.memref_squeeze %dma_start3A_579 : memref<1x40x128xf32, #tpu.memory_space<vmem>> -> memref<40x128xf32, #tpu.memory_space<vmem>>
      %dma_start3A_581 = tpu.memref_slice %arg6[%mul3A_575] : memref<6400xi32, #tpu.memory_space<vmem>> -> memref<40xi32, #tpu.memory_space<vmem>>
      %dma_start3A_582 = arith.constant 0 : i32
      %dma_start3A_583 = arith.constant 0 : i32
      %dma_start3A_584 = tpu.memref_slice %arg4[%dma_start3A_582, %dma_start3A_583] : memref<100000x128xf32, #tpu.memory_space<hbm>> -> memref<100000x128xf32, #tpu.memory_space<hbm>>
      tpu.enqueue_indirect_dma source(%dma_start3A_584 : memref<100000x128xf32, #tpu.memory_space<hbm>>) target(%dma_start3A_580 : memref<40x128xf32, #tpu.memory_space<vmem>>) offsets(%dma_start3A_581 : memref<40xi32, #tpu.memory_space<vmem>>) semaphore(%arg15 : memref<!tpu.dma_semaphore, #tpu.memory_space<semaphore_mem>>) {add = true}
      %dma_wait3A_585 = arith.constant 2 : i32
      %dma_wait3A_586 = arith.constant 0 : i32
      %dma_wait3A_587 = arith.constant 0 : i32
      %dma_wait3A_588 = tpu.memref_slice %arg8[%dma_wait3A_585, %dma_wait3A_586, %dma_wait3A_587] : memref<10x40x128xf32, #tpu.memory_space<vmem>> -> memref<1x40x128xf32, #tpu.memory_space<vmem>>
      %dma_wait3A_589 = tpu.memref_squeeze %dma_wait3A_588 : memref<1x40x128xf32, #tpu.memory_space<vmem>> -> memref<40x128xf32, #tpu.memory_space<vmem>>
      %dma_wait3A_590 = arith.constant 0 : i32
      %dma_wait3A_591 = tpu.memref_slice %arg6[%dma_wait3A_590] : memref<6400xi32, #tpu.memory_space<vmem>> -> memref<40xi32, #tpu.memory_space<vmem>>
      %dma_wait3A_592 = arith.constant 0 : i32
      %dma_wait3A_593 = arith.constant 0 : i32
      %dma_wait3A_594 = tpu.memref_slice %arg4[%dma_wait3A_592, %dma_wait3A_593] : memref<100000x128xf32, #tpu.memory_space<hbm>> -> memref<100000x128xf32, #tpu.memory_space<hbm>>
      tpu.wait_indirect_dma semaphore(%arg11 : memref<!tpu.dma_semaphore, #tpu.memory_space<semaphore_mem>>) src(%dma_wait3A_594 : memref<100000x128xf32, #tpu.memory_space<hbm>>) dst(%dma_wait3A_589 : memref<40x128xf32, #tpu.memory_space<vmem>>)
      %mul3A_595 = arith.constant 40 : i32
      %mul3A_596 = arith.muli %add3A_528, %mul3A_595 : i32
      %add3A_597 = arith.addi %mul3A_2, %mul3A_596 : i32
      %dma_start3A_598 = arith.constant 2 : i32
      %dma_start3A_599 = arith.constant 0 : i32
      %dma_start3A_600 = arith.constant 0 : i32
      %dma_start3A_601 = tpu.memref_slice %arg8[%dma_start3A_598, %dma_start3A_599, %dma_start3A_600] : memref<10x40x128xf32, #tpu.memory_space<vmem>> -> memref<1x40x128xf32, #tpu.memory_space<vmem>>
      %dma_start3A_602 = tpu.memref_squeeze %dma_start3A_601 : memref<1x40x128xf32, #tpu.memory_space<vmem>> -> memref<40x128xf32, #tpu.memory_space<vmem>>
      %dma_start3A_603 = arith.constant 0 : i32
      %dma_start3A_604 = tpu.memref_slice %arg5[%add3A_597, %dma_start3A_603] : memref<204800x128xf32, #tpu.memory_space<hbm>> -> memref<40x128xf32, #tpu.memory_space<hbm>>
      %dma_start3A_605 = arith.constant 0 : i32
      %dma_start3A_606 = tpu.memref_slice %arg5[%add3A_597, %dma_start3A_605] : memref<204800x128xf32, #tpu.memory_space<hbm>> -> memref<40x128xf32, #tpu.memory_space<hbm>>
      %dma_start3A_607 = arith.constant 0 : i32
      %dma_start3A_608 = arith.constant 0 : i32
      %dma_start3A_609 = tpu.memref_slice %arg8[%dma_start3A_598, %dma_start3A_607, %dma_start3A_608] : memref<10x40x128xf32, #tpu.memory_space<vmem>> -> memref<1x40x128xf32, #tpu.memory_space<vmem>>
      %dma_start3A_610 = tpu.memref_squeeze %dma_start3A_609 : memref<1x40x128xf32, #tpu.memory_space<vmem>> -> memref<40x128xf32, #tpu.memory_space<vmem>>
      tpu.enqueue_dma source(%dma_start3A_610 : memref<40x128xf32, #tpu.memory_space<vmem>>) target(%dma_start3A_606 : memref<40x128xf32, #tpu.memory_space<hbm>>) target_semaphore(%arg21 : memref<!tpu.dma_semaphore, #tpu.memory_space<semaphore_mem>>)
      %mul3A_611 = arith.constant 10 : i32
      %mul3A_612 = arith.muli %scan3A_355, %mul3A_611 : i32
      %add3A_613 = arith.constant 3 : i32
      %add3A_614 = arith.addi %mul3A_612, %add3A_613 : i32
      %le3A = arith.constant 14 : i32
      %le3A_615 = arith.cmpi sle, %scan3A_355, %le3A : i32
      %convert_element_type3A_616 = arith.extui %le3A_615 : i1 to i32
      %cond3A_617 = arith.constant 0 : i32
      %cond3A_618 = arith.cmpi ne, %convert_element_type3A_616, %cond3A_617 : i32
      scf.if %cond3A_618 {
        %dma_wait3A_1000 = arith.constant 0 : i32
        %dma_wait3A_1001 = arith.constant 0 : i32
        %dma_wait3A_1002 = arith.constant 0 : i32
        %dma_wait3A_1003 = tpu.memref_slice %arg8[%dma_wait3A_1000, %dma_wait3A_1001, %dma_wait3A_1002] : memref<10x40x128xf32, #tpu.memory_space<vmem>> -> memref<1x40x128xf32, #tpu.memory_space<vmem>>
        %dma_wait3A_1004 = tpu.memref_squeeze %dma_wait3A_1003 : memref<1x40x128xf32, #tpu.memory_space<vmem>> -> memref<40x128xf32, #tpu.memory_space<vmem>>
        %dma_wait3A_1005 = arith.constant 0 : i32
        %dma_wait3A_1006 = tpu.memref_slice %arg5[%mul3A_2, %dma_wait3A_1005] : memref<204800x128xf32, #tpu.memory_space<hbm>> -> memref<40x128xf32, #tpu.memory_space<hbm>>
        %dma_wait3A_1007 = arith.constant 0 : i32
        %dma_wait3A_1008 = tpu.memref_slice %arg5[%mul3A_2, %dma_wait3A_1007] : memref<204800x128xf32, #tpu.memory_space<hbm>> -> memref<40x128xf32, #tpu.memory_space<hbm>>
        %dma_wait3A_1009 = arith.constant 0 : i32
        %dma_wait3A_1010 = arith.constant 0 : i32
        %dma_wait3A_1011 = tpu.memref_slice %arg8[%dma_wait3A_1000, %dma_wait3A_1009, %dma_wait3A_1010] : memref<10x40x128xf32, #tpu.memory_space<vmem>> -> memref<1x40x128xf32, #tpu.memory_space<vmem>>
        %dma_wait3A_1012 = tpu.memref_squeeze %dma_wait3A_1011 : memref<1x40x128xf32, #tpu.memory_space<vmem>> -> memref<40x128xf32, #tpu.memory_space<vmem>>
        tpu.wait_dma2 semaphore(%arg19 : memref<!tpu.dma_semaphore, #tpu.memory_space<semaphore_mem>>) src(%dma_wait3A_1012 : memref<40x128xf32, #tpu.memory_space<vmem>>) dst(%dma_wait3A_1008 : memref<40x128xf32, #tpu.memory_space<hbm>>)
      } else {
      }
      %le3A_619 = arith.constant 14 : i32
      %le3A_620 = arith.cmpi sle, %scan3A_355, %le3A_619 : i32
      %convert_element_type3A_621 = arith.extui %le3A_620 : i1 to i32
      %cond3A_622 = arith.constant 0 : i32
      %cond3A_623 = arith.cmpi ne, %convert_element_type3A_621, %cond3A_622 : i32
      scf.if %cond3A_623 {
        %mul3A_1000 = arith.constant 10 : i32
        %mul3A_1001 = arith.muli %scan3A_355, %mul3A_1000 : i32
        %add3A_1002 = arith.constant 10 : i32
        %add3A_1003 = arith.addi %mul3A_1001, %add3A_1002 : i32
        %mul3A_1004 = arith.constant 40 : i32
        %mul3A_1005 = arith.muli %add3A_1003, %mul3A_1004 : i32
        %rem3A_1006 = arith.constant 200 : i32
        %rem3A_1007 = arith.remsi %mul3A_1005, %rem3A_1006 : i32
        %dma_start3A_1008 = arith.constant 0 : i32
        %dma_start3A_1009 = arith.constant 0 : i32
        %dma_start3A_1010 = arith.constant 0 : i32
        %dma_start3A_1011 = tpu.memref_slice %arg8[%dma_start3A_1008, %dma_start3A_1009, %dma_start3A_1010] : memref<10x40x128xf32, #tpu.memory_space<vmem>> -> memref<1x40x128xf32, #tpu.memory_space<vmem>>
        %dma_start3A_1012 = tpu.memref_squeeze %dma_start3A_1011 : memref<1x40x128xf32, #tpu.memory_space<vmem>> -> memref<40x128xf32, #tpu.memory_space<vmem>>
        %dma_start3A_1013 = arith.constant 0 : i32
        %dma_start3A_1014 = tpu.memref_slice %arg7[%rem3A_1007, %dma_start3A_1013] : memref<256x128xf32, #tpu.memory_space<vmem_shared>> -> memref<40x128xf32, #tpu.memory_space<vmem_shared>>
        %dma_start3A_1015 = arith.constant 0 : i32
        %dma_start3A_1016 = arith.constant 0 : i32
        %dma_start3A_1017 = tpu.memref_slice %arg8[%dma_start3A_1008, %dma_start3A_1015, %dma_start3A_1016] : memref<10x40x128xf32, #tpu.memory_space<vmem>> -> memref<1x40x128xf32, #tpu.memory_space<vmem>>
        %dma_start3A_1018 = tpu.memref_squeeze %dma_start3A_1017 : memref<1x40x128xf32, #tpu.memory_space<vmem>> -> memref<40x128xf32, #tpu.memory_space<vmem>>
        %dma_start3A_1019 = arith.constant 0 : i32
        %dma_start3A_1020 = tpu.memref_slice %arg7[%rem3A_1007, %dma_start3A_1019] : memref<256x128xf32, #tpu.memory_space<vmem_shared>> -> memref<40x128xf32, #tpu.memory_space<vmem_shared>>
        tpu.enqueue_dma source(%dma_start3A_1020 : memref<40x128xf32, #tpu.memory_space<vmem_shared>>) target(%dma_start3A_1018 : memref<40x128xf32, #tpu.memory_space<vmem>>) target_semaphore(%arg29 : memref<!tpu.dma_semaphore, #tpu.memory_space<semaphore_mem>>)
      } else {
      }
      %mul3A_624 = arith.constant 10 : i32
      %mul3A_625 = arith.muli %scan3A_355, %mul3A_624 : i32
      %add3A_626 = arith.constant 7 : i32
      %add3A_627 = arith.addi %mul3A_625, %add3A_626 : i32
      %dma_wait3A_628 = arith.constant 7 : i32
      %dma_wait3A_629 = arith.constant 0 : i32
      %dma_wait3A_630 = arith.constant 0 : i32
      %dma_wait3A_631 = tpu.memref_slice %arg8[%dma_wait3A_628, %dma_wait3A_629, %dma_wait3A_630] : memref<10x40x128xf32, #tpu.memory_space<vmem>> -> memref<1x40x128xf32, #tpu.memory_space<vmem>>
      %dma_wait3A_632 = tpu.memref_squeeze %dma_wait3A_631 : memref<1x40x128xf32, #tpu.memory_space<vmem>> -> memref<40x128xf32, #tpu.memory_space<vmem>>
      %dma_wait3A_633 = arith.constant 0 : i32
      %dma_wait3A_634 = arith.constant 0 : i32
      %dma_wait3A_635 = tpu.memref_slice %arg7[%dma_wait3A_633, %dma_wait3A_634] : memref<256x128xf32, #tpu.memory_space<vmem_shared>> -> memref<40x128xf32, #tpu.memory_space<vmem_shared>>
      %dma_wait3A_636 = arith.constant 0 : i32
      %dma_wait3A_637 = arith.constant 0 : i32
      %dma_wait3A_638 = tpu.memref_slice %arg8[%dma_wait3A_628, %dma_wait3A_636, %dma_wait3A_637] : memref<10x40x128xf32, #tpu.memory_space<vmem>> -> memref<1x40x128xf32, #tpu.memory_space<vmem>>
      %dma_wait3A_639 = tpu.memref_squeeze %dma_wait3A_638 : memref<1x40x128xf32, #tpu.memory_space<vmem>> -> memref<40x128xf32, #tpu.memory_space<vmem>>
      %dma_wait3A_640 = arith.constant 0 : i32
      %dma_wait3A_641 = arith.constant 0 : i32
      %dma_wait3A_642 = tpu.memref_slice %arg7[%dma_wait3A_640, %dma_wait3A_641] : memref<256x128xf32, #tpu.memory_space<vmem_shared>> -> memref<40x128xf32, #tpu.memory_space<vmem_shared>>
      tpu.wait_dma2 semaphore(%arg36 : memref<!tpu.dma_semaphore, #tpu.memory_space<semaphore_mem>>) src(%dma_wait3A_642 : memref<40x128xf32, #tpu.memory_space<vmem_shared>>) dst(%dma_wait3A_639 : memref<40x128xf32, #tpu.memory_space<vmem>>)
      %mul3A_643 = arith.constant 40 : i32
      %mul3A_644 = arith.muli %add3A_627, %mul3A_643 : i32
      %dma_start3A_645 = arith.constant 7 : i32
      %dma_start3A_646 = arith.constant 0 : i32
      %dma_start3A_647 = arith.constant 0 : i32
      %dma_start3A_648 = tpu.memref_slice %arg8[%dma_start3A_645, %dma_start3A_646, %dma_start3A_647] : memref<10x40x128xf32, #tpu.memory_space<vmem>> -> memref<1x40x128xf32, #tpu.memory_space<vmem>>
      %dma_start3A_649 = tpu.memref_squeeze %dma_start3A_648 : memref<1x40x128xf32, #tpu.memory_space<vmem>> -> memref<40x128xf32, #tpu.memory_space<vmem>>
      %dma_start3A_650 = tpu.memref_slice %arg6[%mul3A_644] : memref<6400xi32, #tpu.memory_space<vmem>> -> memref<40xi32, #tpu.memory_space<vmem>>
      %dma_start3A_651 = arith.constant 0 : i32
      %dma_start3A_652 = arith.constant 0 : i32
      %dma_start3A_653 = tpu.memref_slice %arg4[%dma_start3A_651, %dma_start3A_652] : memref<100000x128xf32, #tpu.memory_space<hbm>> -> memref<100000x128xf32, #tpu.memory_space<hbm>>
      tpu.enqueue_indirect_dma source(%dma_start3A_653 : memref<100000x128xf32, #tpu.memory_space<hbm>>) target(%dma_start3A_649 : memref<40x128xf32, #tpu.memory_space<vmem>>) offsets(%dma_start3A_650 : memref<40xi32, #tpu.memory_space<vmem>>) semaphore(%arg16 : memref<!tpu.dma_semaphore, #tpu.memory_space<semaphore_mem>>) {add = true}
      %dma_wait3A_654 = arith.constant 3 : i32
      %dma_wait3A_655 = arith.constant 0 : i32
      %dma_wait3A_656 = arith.constant 0 : i32
      %dma_wait3A_657 = tpu.memref_slice %arg8[%dma_wait3A_654, %dma_wait3A_655, %dma_wait3A_656] : memref<10x40x128xf32, #tpu.memory_space<vmem>> -> memref<1x40x128xf32, #tpu.memory_space<vmem>>
      %dma_wait3A_658 = tpu.memref_squeeze %dma_wait3A_657 : memref<1x40x128xf32, #tpu.memory_space<vmem>> -> memref<40x128xf32, #tpu.memory_space<vmem>>
      %dma_wait3A_659 = arith.constant 0 : i32
      %dma_wait3A_660 = tpu.memref_slice %arg6[%dma_wait3A_659] : memref<6400xi32, #tpu.memory_space<vmem>> -> memref<40xi32, #tpu.memory_space<vmem>>
      %dma_wait3A_661 = arith.constant 0 : i32
      %dma_wait3A_662 = arith.constant 0 : i32
      %dma_wait3A_663 = tpu.memref_slice %arg4[%dma_wait3A_661, %dma_wait3A_662] : memref<100000x128xf32, #tpu.memory_space<hbm>> -> memref<100000x128xf32, #tpu.memory_space<hbm>>
      tpu.wait_indirect_dma semaphore(%arg12 : memref<!tpu.dma_semaphore, #tpu.memory_space<semaphore_mem>>) src(%dma_wait3A_663 : memref<100000x128xf32, #tpu.memory_space<hbm>>) dst(%dma_wait3A_658 : memref<40x128xf32, #tpu.memory_space<vmem>>)
      %mul3A_664 = arith.constant 40 : i32
      %mul3A_665 = arith.muli %add3A_614, %mul3A_664 : i32
      %add3A_666 = arith.addi %mul3A_2, %mul3A_665 : i32
      %dma_start3A_667 = arith.constant 3 : i32
      %dma_start3A_668 = arith.constant 0 : i32
      %dma_start3A_669 = arith.constant 0 : i32
      %dma_start3A_670 = tpu.memref_slice %arg8[%dma_start3A_667, %dma_start3A_668, %dma_start3A_669] : memref<10x40x128xf32, #tpu.memory_space<vmem>> -> memref<1x40x128xf32, #tpu.memory_space<vmem>>
      %dma_start3A_671 = tpu.memref_squeeze %dma_start3A_670 : memref<1x40x128xf32, #tpu.memory_space<vmem>> -> memref<40x128xf32, #tpu.memory_space<vmem>>
      %dma_start3A_672 = arith.constant 0 : i32
      %dma_start3A_673 = tpu.memref_slice %arg5[%add3A_666, %dma_start3A_672] : memref<204800x128xf32, #tpu.memory_space<hbm>> -> memref<40x128xf32, #tpu.memory_space<hbm>>
      %dma_start3A_674 = arith.constant 0 : i32
      %dma_start3A_675 = tpu.memref_slice %arg5[%add3A_666, %dma_start3A_674] : memref<204800x128xf32, #tpu.memory_space<hbm>> -> memref<40x128xf32, #tpu.memory_space<hbm>>
      %dma_start3A_676 = arith.constant 0 : i32
      %dma_start3A_677 = arith.constant 0 : i32
      %dma_start3A_678 = tpu.memref_slice %arg8[%dma_start3A_667, %dma_start3A_676, %dma_start3A_677] : memref<10x40x128xf32, #tpu.memory_space<vmem>> -> memref<1x40x128xf32, #tpu.memory_space<vmem>>
      %dma_start3A_679 = tpu.memref_squeeze %dma_start3A_678 : memref<1x40x128xf32, #tpu.memory_space<vmem>> -> memref<40x128xf32, #tpu.memory_space<vmem>>
      tpu.enqueue_dma source(%dma_start3A_679 : memref<40x128xf32, #tpu.memory_space<vmem>>) target(%dma_start3A_675 : memref<40x128xf32, #tpu.memory_space<hbm>>) target_semaphore(%arg22 : memref<!tpu.dma_semaphore, #tpu.memory_space<semaphore_mem>>)
      %mul3A_680 = arith.constant 10 : i32
      %mul3A_681 = arith.muli %scan3A_355, %mul3A_680 : i32
      %add3A_682 = arith.constant 4 : i32
      %add3A_683 = arith.addi %mul3A_681, %add3A_682 : i32
      %le3A_684 = arith.constant 14 : i32
      %le3A_685 = arith.cmpi sle, %scan3A_355, %le3A_684 : i32
      %convert_element_type3A_686 = arith.extui %le3A_685 : i1 to i32
      %cond3A_687 = arith.constant 0 : i32
      %cond3A_688 = arith.cmpi ne, %convert_element_type3A_686, %cond3A_687 : i32
      scf.if %cond3A_688 {
        %dma_wait3A_1000 = arith.constant 1 : i32
        %dma_wait3A_1001 = arith.constant 0 : i32
        %dma_wait3A_1002 = arith.constant 0 : i32
        %dma_wait3A_1003 = tpu.memref_slice %arg8[%dma_wait3A_1000, %dma_wait3A_1001, %dma_wait3A_1002] : memref<10x40x128xf32, #tpu.memory_space<vmem>> -> memref<1x40x128xf32, #tpu.memory_space<vmem>>
        %dma_wait3A_1004 = tpu.memref_squeeze %dma_wait3A_1003 : memref<1x40x128xf32, #tpu.memory_space<vmem>> -> memref<40x128xf32, #tpu.memory_space<vmem>>
        %dma_wait3A_1005 = arith.constant 0 : i32
        %dma_wait3A_1006 = tpu.memref_slice %arg5[%mul3A_2, %dma_wait3A_1005] : memref<204800x128xf32, #tpu.memory_space<hbm>> -> memref<40x128xf32, #tpu.memory_space<hbm>>
        %dma_wait3A_1007 = arith.constant 0 : i32
        %dma_wait3A_1008 = tpu.memref_slice %arg5[%mul3A_2, %dma_wait3A_1007] : memref<204800x128xf32, #tpu.memory_space<hbm>> -> memref<40x128xf32, #tpu.memory_space<hbm>>
        %dma_wait3A_1009 = arith.constant 0 : i32
        %dma_wait3A_1010 = arith.constant 0 : i32
        %dma_wait3A_1011 = tpu.memref_slice %arg8[%dma_wait3A_1000, %dma_wait3A_1009, %dma_wait3A_1010] : memref<10x40x128xf32, #tpu.memory_space<vmem>> -> memref<1x40x128xf32, #tpu.memory_space<vmem>>
        %dma_wait3A_1012 = tpu.memref_squeeze %dma_wait3A_1011 : memref<1x40x128xf32, #tpu.memory_space<vmem>> -> memref<40x128xf32, #tpu.memory_space<vmem>>
        tpu.wait_dma2 semaphore(%arg20 : memref<!tpu.dma_semaphore, #tpu.memory_space<semaphore_mem>>) src(%dma_wait3A_1012 : memref<40x128xf32, #tpu.memory_space<vmem>>) dst(%dma_wait3A_1008 : memref<40x128xf32, #tpu.memory_space<hbm>>)
      } else {
      }
      %le3A_689 = arith.constant 14 : i32
      %le3A_690 = arith.cmpi sle, %scan3A_355, %le3A_689 : i32
      %convert_element_type3A_691 = arith.extui %le3A_690 : i1 to i32
      %cond3A_692 = arith.constant 0 : i32
      %cond3A_693 = arith.cmpi ne, %convert_element_type3A_691, %cond3A_692 : i32
      scf.if %cond3A_693 {
        %mul3A_1000 = arith.constant 10 : i32
        %mul3A_1001 = arith.muli %scan3A_355, %mul3A_1000 : i32
        %add3A_1002 = arith.constant 11 : i32
        %add3A_1003 = arith.addi %mul3A_1001, %add3A_1002 : i32
        %mul3A_1004 = arith.constant 40 : i32
        %mul3A_1005 = arith.muli %add3A_1003, %mul3A_1004 : i32
        %rem3A_1006 = arith.constant 200 : i32
        %rem3A_1007 = arith.remsi %mul3A_1005, %rem3A_1006 : i32
        %dma_start3A_1008 = arith.constant 1 : i32
        %dma_start3A_1009 = arith.constant 0 : i32
        %dma_start3A_1010 = arith.constant 0 : i32
        %dma_start3A_1011 = tpu.memref_slice %arg8[%dma_start3A_1008, %dma_start3A_1009, %dma_start3A_1010] : memref<10x40x128xf32, #tpu.memory_space<vmem>> -> memref<1x40x128xf32, #tpu.memory_space<vmem>>
        %dma_start3A_1012 = tpu.memref_squeeze %dma_start3A_1011 : memref<1x40x128xf32, #tpu.memory_space<vmem>> -> memref<40x128xf32, #tpu.memory_space<vmem>>
        %dma_start3A_1013 = arith.constant 0 : i32
        %dma_start3A_1014 = tpu.memref_slice %arg7[%rem3A_1007, %dma_start3A_1013] : memref<256x128xf32, #tpu.memory_space<vmem_shared>> -> memref<40x128xf32, #tpu.memory_space<vmem_shared>>
        %dma_start3A_1015 = arith.constant 0 : i32
        %dma_start3A_1016 = arith.constant 0 : i32
        %dma_start3A_1017 = tpu.memref_slice %arg8[%dma_start3A_1008, %dma_start3A_1015, %dma_start3A_1016] : memref<10x40x128xf32, #tpu.memory_space<vmem>> -> memref<1x40x128xf32, #tpu.memory_space<vmem>>
        %dma_start3A_1018 = tpu.memref_squeeze %dma_start3A_1017 : memref<1x40x128xf32, #tpu.memory_space<vmem>> -> memref<40x128xf32, #tpu.memory_space<vmem>>
        %dma_start3A_1019 = arith.constant 0 : i32
        %dma_start3A_1020 = tpu.memref_slice %arg7[%rem3A_1007, %dma_start3A_1019] : memref<256x128xf32, #tpu.memory_space<vmem_shared>> -> memref<40x128xf32, #tpu.memory_space<vmem_shared>>
        tpu.enqueue_dma source(%dma_start3A_1020 : memref<40x128xf32, #tpu.memory_space<vmem_shared>>) target(%dma_start3A_1018 : memref<40x128xf32, #tpu.memory_space<vmem>>) target_semaphore(%arg30 : memref<!tpu.dma_semaphore, #tpu.memory_space<semaphore_mem>>)
      } else {
      }
      %mul3A_694 = arith.constant 10 : i32
      %mul3A_695 = arith.muli %scan3A_355, %mul3A_694 : i32
      %add3A_696 = arith.constant 8 : i32
      %add3A_697 = arith.addi %mul3A_695, %add3A_696 : i32
      %dma_wait3A_698 = arith.constant 8 : i32
      %dma_wait3A_699 = arith.constant 0 : i32
      %dma_wait3A_700 = arith.constant 0 : i32
      %dma_wait3A_701 = tpu.memref_slice %arg8[%dma_wait3A_698, %dma_wait3A_699, %dma_wait3A_700] : memref<10x40x128xf32, #tpu.memory_space<vmem>> -> memref<1x40x128xf32, #tpu.memory_space<vmem>>
      %dma_wait3A_702 = tpu.memref_squeeze %dma_wait3A_701 : memref<1x40x128xf32, #tpu.memory_space<vmem>> -> memref<40x128xf32, #tpu.memory_space<vmem>>
      %dma_wait3A_703 = arith.constant 0 : i32
      %dma_wait3A_704 = arith.constant 0 : i32
      %dma_wait3A_705 = tpu.memref_slice %arg7[%dma_wait3A_703, %dma_wait3A_704] : memref<256x128xf32, #tpu.memory_space<vmem_shared>> -> memref<40x128xf32, #tpu.memory_space<vmem_shared>>
      %dma_wait3A_706 = arith.constant 0 : i32
      %dma_wait3A_707 = arith.constant 0 : i32
      %dma_wait3A_708 = tpu.memref_slice %arg8[%dma_wait3A_698, %dma_wait3A_706, %dma_wait3A_707] : memref<10x40x128xf32, #tpu.memory_space<vmem>> -> memref<1x40x128xf32, #tpu.memory_space<vmem>>
      %dma_wait3A_709 = tpu.memref_squeeze %dma_wait3A_708 : memref<1x40x128xf32, #tpu.memory_space<vmem>> -> memref<40x128xf32, #tpu.memory_space<vmem>>
      %dma_wait3A_710 = arith.constant 0 : i32
      %dma_wait3A_711 = arith.constant 0 : i32
      %dma_wait3A_712 = tpu.memref_slice %arg7[%dma_wait3A_710, %dma_wait3A_711] : memref<256x128xf32, #tpu.memory_space<vmem_shared>> -> memref<40x128xf32, #tpu.memory_space<vmem_shared>>
      tpu.wait_dma2 semaphore(%arg37 : memref<!tpu.dma_semaphore, #tpu.memory_space<semaphore_mem>>) src(%dma_wait3A_712 : memref<40x128xf32, #tpu.memory_space<vmem_shared>>) dst(%dma_wait3A_709 : memref<40x128xf32, #tpu.memory_space<vmem>>)
      %mul3A_713 = arith.constant 40 : i32
      %mul3A_714 = arith.muli %add3A_697, %mul3A_713 : i32
      %dma_start3A_715 = arith.constant 8 : i32
      %dma_start3A_716 = arith.constant 0 : i32
      %dma_start3A_717 = arith.constant 0 : i32
      %dma_start3A_718 = tpu.memref_slice %arg8[%dma_start3A_715, %dma_start3A_716, %dma_start3A_717] : memref<10x40x128xf32, #tpu.memory_space<vmem>> -> memref<1x40x128xf32, #tpu.memory_space<vmem>>
      %dma_start3A_719 = tpu.memref_squeeze %dma_start3A_718 : memref<1x40x128xf32, #tpu.memory_space<vmem>> -> memref<40x128xf32, #tpu.memory_space<vmem>>
      %dma_start3A_720 = tpu.memref_slice %arg6[%mul3A_714] : memref<6400xi32, #tpu.memory_space<vmem>> -> memref<40xi32, #tpu.memory_space<vmem>>
      %dma_start3A_721 = arith.constant 0 : i32
      %dma_start3A_722 = arith.constant 0 : i32
      %dma_start3A_723 = tpu.memref_slice %arg4[%dma_start3A_721, %dma_start3A_722] : memref<100000x128xf32, #tpu.memory_space<hbm>> -> memref<100000x128xf32, #tpu.memory_space<hbm>>
      tpu.enqueue_indirect_dma source(%dma_start3A_723 : memref<100000x128xf32, #tpu.memory_space<hbm>>) target(%dma_start3A_719 : memref<40x128xf32, #tpu.memory_space<vmem>>) offsets(%dma_start3A_720 : memref<40xi32, #tpu.memory_space<vmem>>) semaphore(%arg17 : memref<!tpu.dma_semaphore, #tpu.memory_space<semaphore_mem>>) {add = true}
      %dma_wait3A_724 = arith.constant 4 : i32
      %dma_wait3A_725 = arith.constant 0 : i32
      %dma_wait3A_726 = arith.constant 0 : i32
      %dma_wait3A_727 = tpu.memref_slice %arg8[%dma_wait3A_724, %dma_wait3A_725, %dma_wait3A_726] : memref<10x40x128xf32, #tpu.memory_space<vmem>> -> memref<1x40x128xf32, #tpu.memory_space<vmem>>
      %dma_wait3A_728 = tpu.memref_squeeze %dma_wait3A_727 : memref<1x40x128xf32, #tpu.memory_space<vmem>> -> memref<40x128xf32, #tpu.memory_space<vmem>>
      %dma_wait3A_729 = arith.constant 0 : i32
      %dma_wait3A_730 = tpu.memref_slice %arg6[%dma_wait3A_729] : memref<6400xi32, #tpu.memory_space<vmem>> -> memref<40xi32, #tpu.memory_space<vmem>>
      %dma_wait3A_731 = arith.constant 0 : i32
      %dma_wait3A_732 = arith.constant 0 : i32
      %dma_wait3A_733 = tpu.memref_slice %arg4[%dma_wait3A_731, %dma_wait3A_732] : memref<100000x128xf32, #tpu.memory_space<hbm>> -> memref<100000x128xf32, #tpu.memory_space<hbm>>
      tpu.wait_indirect_dma semaphore(%arg13 : memref<!tpu.dma_semaphore, #tpu.memory_space<semaphore_mem>>) src(%dma_wait3A_733 : memref<100000x128xf32, #tpu.memory_space<hbm>>) dst(%dma_wait3A_728 : memref<40x128xf32, #tpu.memory_space<vmem>>)
      %mul3A_734 = arith.constant 40 : i32
      %mul3A_735 = arith.muli %add3A_683, %mul3A_734 : i32
      %add3A_736 = arith.addi %mul3A_2, %mul3A_735 : i32
      %dma_start3A_737 = arith.constant 4 : i32
      %dma_start3A_738 = arith.constant 0 : i32
      %dma_start3A_739 = arith.constant 0 : i32
      %dma_start3A_740 = tpu.memref_slice %arg8[%dma_start3A_737, %dma_start3A_738, %dma_start3A_739] : memref<10x40x128xf32, #tpu.memory_space<vmem>> -> memref<1x40x128xf32, #tpu.memory_space<vmem>>
      %dma_start3A_741 = tpu.memref_squeeze %dma_start3A_740 : memref<1x40x128xf32, #tpu.memory_space<vmem>> -> memref<40x128xf32, #tpu.memory_space<vmem>>
      %dma_start3A_742 = arith.constant 0 : i32
      %dma_start3A_743 = tpu.memref_slice %arg5[%add3A_736, %dma_start3A_742] : memref<204800x128xf32, #tpu.memory_space<hbm>> -> memref<40x128xf32, #tpu.memory_space<hbm>>
      %dma_start3A_744 = arith.constant 0 : i32
      %dma_start3A_745 = tpu.memref_slice %arg5[%add3A_736, %dma_start3A_744] : memref<204800x128xf32, #tpu.memory_space<hbm>> -> memref<40x128xf32, #tpu.memory_space<hbm>>
      %dma_start3A_746 = arith.constant 0 : i32
      %dma_start3A_747 = arith.constant 0 : i32
      %dma_start3A_748 = tpu.memref_slice %arg8[%dma_start3A_737, %dma_start3A_746, %dma_start3A_747] : memref<10x40x128xf32, #tpu.memory_space<vmem>> -> memref<1x40x128xf32, #tpu.memory_space<vmem>>
      %dma_start3A_749 = tpu.memref_squeeze %dma_start3A_748 : memref<1x40x128xf32, #tpu.memory_space<vmem>> -> memref<40x128xf32, #tpu.memory_space<vmem>>
      tpu.enqueue_dma source(%dma_start3A_749 : memref<40x128xf32, #tpu.memory_space<vmem>>) target(%dma_start3A_745 : memref<40x128xf32, #tpu.memory_space<hbm>>) target_semaphore(%arg23 : memref<!tpu.dma_semaphore, #tpu.memory_space<semaphore_mem>>)
      %mul3A_750 = arith.constant 10 : i32
      %mul3A_751 = arith.muli %scan3A_355, %mul3A_750 : i32
      %add3A_752 = arith.constant 5 : i32
      %add3A_753 = arith.addi %mul3A_751, %add3A_752 : i32
      %le3A_754 = arith.constant 14 : i32
      %le3A_755 = arith.cmpi sle, %scan3A_355, %le3A_754 : i32
      %convert_element_type3A_756 = arith.extui %le3A_755 : i1 to i32
      %cond3A_757 = arith.constant 0 : i32
      %cond3A_758 = arith.cmpi ne, %convert_element_type3A_756, %cond3A_757 : i32
      scf.if %cond3A_758 {
        %dma_wait3A_1000 = arith.constant 2 : i32
        %dma_wait3A_1001 = arith.constant 0 : i32
        %dma_wait3A_1002 = arith.constant 0 : i32
        %dma_wait3A_1003 = tpu.memref_slice %arg8[%dma_wait3A_1000, %dma_wait3A_1001, %dma_wait3A_1002] : memref<10x40x128xf32, #tpu.memory_space<vmem>> -> memref<1x40x128xf32, #tpu.memory_space<vmem>>
        %dma_wait3A_1004 = tpu.memref_squeeze %dma_wait3A_1003 : memref<1x40x128xf32, #tpu.memory_space<vmem>> -> memref<40x128xf32, #tpu.memory_space<vmem>>
        %dma_wait3A_1005 = arith.constant 0 : i32
        %dma_wait3A_1006 = tpu.memref_slice %arg5[%mul3A_2, %dma_wait3A_1005] : memref<204800x128xf32, #tpu.memory_space<hbm>> -> memref<40x128xf32, #tpu.memory_space<hbm>>
        %dma_wait3A_1007 = arith.constant 0 : i32
        %dma_wait3A_1008 = tpu.memref_slice %arg5[%mul3A_2, %dma_wait3A_1007] : memref<204800x128xf32, #tpu.memory_space<hbm>> -> memref<40x128xf32, #tpu.memory_space<hbm>>
        %dma_wait3A_1009 = arith.constant 0 : i32
        %dma_wait3A_1010 = arith.constant 0 : i32
        %dma_wait3A_1011 = tpu.memref_slice %arg8[%dma_wait3A_1000, %dma_wait3A_1009, %dma_wait3A_1010] : memref<10x40x128xf32, #tpu.memory_space<vmem>> -> memref<1x40x128xf32, #tpu.memory_space<vmem>>
        %dma_wait3A_1012 = tpu.memref_squeeze %dma_wait3A_1011 : memref<1x40x128xf32, #tpu.memory_space<vmem>> -> memref<40x128xf32, #tpu.memory_space<vmem>>
        tpu.wait_dma2 semaphore(%arg21 : memref<!tpu.dma_semaphore, #tpu.memory_space<semaphore_mem>>) src(%dma_wait3A_1012 : memref<40x128xf32, #tpu.memory_space<vmem>>) dst(%dma_wait3A_1008 : memref<40x128xf32, #tpu.memory_space<hbm>>)
      } else {
      }
      %le3A_759 = arith.constant 14 : i32
      %le3A_760 = arith.cmpi sle, %scan3A_355, %le3A_759 : i32
      %convert_element_type3A_761 = arith.extui %le3A_760 : i1 to i32
      %cond3A_762 = arith.constant 0 : i32
      %cond3A_763 = arith.cmpi ne, %convert_element_type3A_761, %cond3A_762 : i32
      scf.if %cond3A_763 {
        %mul3A_1000 = arith.constant 10 : i32
        %mul3A_1001 = arith.muli %scan3A_355, %mul3A_1000 : i32
        %add3A_1002 = arith.constant 12 : i32
        %add3A_1003 = arith.addi %mul3A_1001, %add3A_1002 : i32
        %mul3A_1004 = arith.constant 40 : i32
        %mul3A_1005 = arith.muli %add3A_1003, %mul3A_1004 : i32
        %rem3A_1006 = arith.constant 200 : i32
        %rem3A_1007 = arith.remsi %mul3A_1005, %rem3A_1006 : i32
        %dma_start3A_1008 = arith.constant 2 : i32
        %dma_start3A_1009 = arith.constant 0 : i32
        %dma_start3A_1010 = arith.constant 0 : i32
        %dma_start3A_1011 = tpu.memref_slice %arg8[%dma_start3A_1008, %dma_start3A_1009, %dma_start3A_1010] : memref<10x40x128xf32, #tpu.memory_space<vmem>> -> memref<1x40x128xf32, #tpu.memory_space<vmem>>
        %dma_start3A_1012 = tpu.memref_squeeze %dma_start3A_1011 : memref<1x40x128xf32, #tpu.memory_space<vmem>> -> memref<40x128xf32, #tpu.memory_space<vmem>>
        %dma_start3A_1013 = arith.constant 0 : i32
        %dma_start3A_1014 = tpu.memref_slice %arg7[%rem3A_1007, %dma_start3A_1013] : memref<256x128xf32, #tpu.memory_space<vmem_shared>> -> memref<40x128xf32, #tpu.memory_space<vmem_shared>>
        %dma_start3A_1015 = arith.constant 0 : i32
        %dma_start3A_1016 = arith.constant 0 : i32
        %dma_start3A_1017 = tpu.memref_slice %arg8[%dma_start3A_1008, %dma_start3A_1015, %dma_start3A_1016] : memref<10x40x128xf32, #tpu.memory_space<vmem>> -> memref<1x40x128xf32, #tpu.memory_space<vmem>>
        %dma_start3A_1018 = tpu.memref_squeeze %dma_start3A_1017 : memref<1x40x128xf32, #tpu.memory_space<vmem>> -> memref<40x128xf32, #tpu.memory_space<vmem>>
        %dma_start3A_1019 = arith.constant 0 : i32
        %dma_start3A_1020 = tpu.memref_slice %arg7[%rem3A_1007, %dma_start3A_1019] : memref<256x128xf32, #tpu.memory_space<vmem_shared>> -> memref<40x128xf32, #tpu.memory_space<vmem_shared>>
        tpu.enqueue_dma source(%dma_start3A_1020 : memref<40x128xf32, #tpu.memory_space<vmem_shared>>) target(%dma_start3A_1018 : memref<40x128xf32, #tpu.memory_space<vmem>>) target_semaphore(%arg31 : memref<!tpu.dma_semaphore, #tpu.memory_space<semaphore_mem>>)
      } else {
      }
      %mul3A_764 = arith.constant 10 : i32
      %mul3A_765 = arith.muli %scan3A_355, %mul3A_764 : i32
      %add3A_766 = arith.constant 9 : i32
      %add3A_767 = arith.addi %mul3A_765, %add3A_766 : i32
      %dma_wait3A_768 = arith.constant 9 : i32
      %dma_wait3A_769 = arith.constant 0 : i32
      %dma_wait3A_770 = arith.constant 0 : i32
      %dma_wait3A_771 = tpu.memref_slice %arg8[%dma_wait3A_768, %dma_wait3A_769, %dma_wait3A_770] : memref<10x40x128xf32, #tpu.memory_space<vmem>> -> memref<1x40x128xf32, #tpu.memory_space<vmem>>
      %dma_wait3A_772 = tpu.memref_squeeze %dma_wait3A_771 : memref<1x40x128xf32, #tpu.memory_space<vmem>> -> memref<40x128xf32, #tpu.memory_space<vmem>>
      %dma_wait3A_773 = arith.constant 0 : i32
      %dma_wait3A_774 = arith.constant 0 : i32
      %dma_wait3A_775 = tpu.memref_slice %arg7[%dma_wait3A_773, %dma_wait3A_774] : memref<256x128xf32, #tpu.memory_space<vmem_shared>> -> memref<40x128xf32, #tpu.memory_space<vmem_shared>>
      %dma_wait3A_776 = arith.constant 0 : i32
      %dma_wait3A_777 = arith.constant 0 : i32
      %dma_wait3A_778 = tpu.memref_slice %arg8[%dma_wait3A_768, %dma_wait3A_776, %dma_wait3A_777] : memref<10x40x128xf32, #tpu.memory_space<vmem>> -> memref<1x40x128xf32, #tpu.memory_space<vmem>>
      %dma_wait3A_779 = tpu.memref_squeeze %dma_wait3A_778 : memref<1x40x128xf32, #tpu.memory_space<vmem>> -> memref<40x128xf32, #tpu.memory_space<vmem>>
      %dma_wait3A_780 = arith.constant 0 : i32
      %dma_wait3A_781 = arith.constant 0 : i32
      %dma_wait3A_782 = tpu.memref_slice %arg7[%dma_wait3A_780, %dma_wait3A_781] : memref<256x128xf32, #tpu.memory_space<vmem_shared>> -> memref<40x128xf32, #tpu.memory_space<vmem_shared>>
      tpu.wait_dma2 semaphore(%arg38 : memref<!tpu.dma_semaphore, #tpu.memory_space<semaphore_mem>>) src(%dma_wait3A_782 : memref<40x128xf32, #tpu.memory_space<vmem_shared>>) dst(%dma_wait3A_779 : memref<40x128xf32, #tpu.memory_space<vmem>>)
      %mul3A_783 = arith.constant 40 : i32
      %mul3A_784 = arith.muli %add3A_767, %mul3A_783 : i32
      %dma_start3A_785 = arith.constant 9 : i32
      %dma_start3A_786 = arith.constant 0 : i32
      %dma_start3A_787 = arith.constant 0 : i32
      %dma_start3A_788 = tpu.memref_slice %arg8[%dma_start3A_785, %dma_start3A_786, %dma_start3A_787] : memref<10x40x128xf32, #tpu.memory_space<vmem>> -> memref<1x40x128xf32, #tpu.memory_space<vmem>>
      %dma_start3A_789 = tpu.memref_squeeze %dma_start3A_788 : memref<1x40x128xf32, #tpu.memory_space<vmem>> -> memref<40x128xf32, #tpu.memory_space<vmem>>
      %dma_start3A_790 = tpu.memref_slice %arg6[%mul3A_784] : memref<6400xi32, #tpu.memory_space<vmem>> -> memref<40xi32, #tpu.memory_space<vmem>>
      %dma_start3A_791 = arith.constant 0 : i32
      %dma_start3A_792 = arith.constant 0 : i32
      %dma_start3A_793 = tpu.memref_slice %arg4[%dma_start3A_791, %dma_start3A_792] : memref<100000x128xf32, #tpu.memory_space<hbm>> -> memref<100000x128xf32, #tpu.memory_space<hbm>>
      tpu.enqueue_indirect_dma source(%dma_start3A_793 : memref<100000x128xf32, #tpu.memory_space<hbm>>) target(%dma_start3A_789 : memref<40x128xf32, #tpu.memory_space<vmem>>) offsets(%dma_start3A_790 : memref<40xi32, #tpu.memory_space<vmem>>) semaphore(%arg18 : memref<!tpu.dma_semaphore, #tpu.memory_space<semaphore_mem>>) {add = true}
      %dma_wait3A_794 = arith.constant 5 : i32
      %dma_wait3A_795 = arith.constant 0 : i32
      %dma_wait3A_796 = arith.constant 0 : i32
      %dma_wait3A_797 = tpu.memref_slice %arg8[%dma_wait3A_794, %dma_wait3A_795, %dma_wait3A_796] : memref<10x40x128xf32, #tpu.memory_space<vmem>> -> memref<1x40x128xf32, #tpu.memory_space<vmem>>
      %dma_wait3A_798 = tpu.memref_squeeze %dma_wait3A_797 : memref<1x40x128xf32, #tpu.memory_space<vmem>> -> memref<40x128xf32, #tpu.memory_space<vmem>>
      %dma_wait3A_799 = arith.constant 0 : i32
      %dma_wait3A_800 = tpu.memref_slice %arg6[%dma_wait3A_799] : memref<6400xi32, #tpu.memory_space<vmem>> -> memref<40xi32, #tpu.memory_space<vmem>>
      %dma_wait3A_801 = arith.constant 0 : i32
      %dma_wait3A_802 = arith.constant 0 : i32
      %dma_wait3A_803 = tpu.memref_slice %arg4[%dma_wait3A_801, %dma_wait3A_802] : memref<100000x128xf32, #tpu.memory_space<hbm>> -> memref<100000x128xf32, #tpu.memory_space<hbm>>
      tpu.wait_indirect_dma semaphore(%arg14 : memref<!tpu.dma_semaphore, #tpu.memory_space<semaphore_mem>>) src(%dma_wait3A_803 : memref<100000x128xf32, #tpu.memory_space<hbm>>) dst(%dma_wait3A_798 : memref<40x128xf32, #tpu.memory_space<vmem>>)
      %mul3A_804 = arith.constant 40 : i32
      %mul3A_805 = arith.muli %add3A_753, %mul3A_804 : i32
      %add3A_806 = arith.addi %mul3A_2, %mul3A_805 : i32
      %dma_start3A_807 = arith.constant 5 : i32
      %dma_start3A_808 = arith.constant 0 : i32
      %dma_start3A_809 = arith.constant 0 : i32
      %dma_start3A_810 = tpu.memref_slice %arg8[%dma_start3A_807, %dma_start3A_808, %dma_start3A_809] : memref<10x40x128xf32, #tpu.memory_space<vmem>> -> memref<1x40x128xf32, #tpu.memory_space<vmem>>
      %dma_start3A_811 = tpu.memref_squeeze %dma_start3A_810 : memref<1x40x128xf32, #tpu.memory_space<vmem>> -> memref<40x128xf32, #tpu.memory_space<vmem>>
      %dma_start3A_812 = arith.constant 0 : i32
      %dma_start3A_813 = tpu.memref_slice %arg5[%add3A_806, %dma_start3A_812] : memref<204800x128xf32, #tpu.memory_space<hbm>> -> memref<40x128xf32, #tpu.memory_space<hbm>>
      %dma_start3A_814 = arith.constant 0 : i32
      %dma_start3A_815 = tpu.memref_slice %arg5[%add3A_806, %dma_start3A_814] : memref<204800x128xf32, #tpu.memory_space<hbm>> -> memref<40x128xf32, #tpu.memory_space<hbm>>
      %dma_start3A_816 = arith.constant 0 : i32
      %dma_start3A_817 = arith.constant 0 : i32
      %dma_start3A_818 = tpu.memref_slice %arg8[%dma_start3A_807, %dma_start3A_816, %dma_start3A_817] : memref<10x40x128xf32, #tpu.memory_space<vmem>> -> memref<1x40x128xf32, #tpu.memory_space<vmem>>
      %dma_start3A_819 = tpu.memref_squeeze %dma_start3A_818 : memref<1x40x128xf32, #tpu.memory_space<vmem>> -> memref<40x128xf32, #tpu.memory_space<vmem>>
      tpu.enqueue_dma source(%dma_start3A_819 : memref<40x128xf32, #tpu.memory_space<vmem>>) target(%dma_start3A_815 : memref<40x128xf32, #tpu.memory_space<hbm>>) target_semaphore(%arg24 : memref<!tpu.dma_semaphore, #tpu.memory_space<semaphore_mem>>)
      %mul3A_820 = arith.constant 10 : i32
      %mul3A_821 = arith.muli %scan3A_355, %mul3A_820 : i32
      %add3A_822 = arith.constant 6 : i32
      %add3A_823 = arith.addi %mul3A_821, %add3A_822 : i32
      %le3A_824 = arith.constant 14 : i32
      %le3A_825 = arith.cmpi sle, %scan3A_355, %le3A_824 : i32
      %convert_element_type3A_826 = arith.extui %le3A_825 : i1 to i32
      %cond3A_827 = arith.constant 0 : i32
      %cond3A_828 = arith.cmpi ne, %convert_element_type3A_826, %cond3A_827 : i32
      scf.if %cond3A_828 {
        %dma_wait3A_1000 = arith.constant 3 : i32
        %dma_wait3A_1001 = arith.constant 0 : i32
        %dma_wait3A_1002 = arith.constant 0 : i32
        %dma_wait3A_1003 = tpu.memref_slice %arg8[%dma_wait3A_1000, %dma_wait3A_1001, %dma_wait3A_1002] : memref<10x40x128xf32, #tpu.memory_space<vmem>> -> memref<1x40x128xf32, #tpu.memory_space<vmem>>
        %dma_wait3A_1004 = tpu.memref_squeeze %dma_wait3A_1003 : memref<1x40x128xf32, #tpu.memory_space<vmem>> -> memref<40x128xf32, #tpu.memory_space<vmem>>
        %dma_wait3A_1005 = arith.constant 0 : i32
        %dma_wait3A_1006 = tpu.memref_slice %arg5[%mul3A_2, %dma_wait3A_1005] : memref<204800x128xf32, #tpu.memory_space<hbm>> -> memref<40x128xf32, #tpu.memory_space<hbm>>
        %dma_wait3A_1007 = arith.constant 0 : i32
        %dma_wait3A_1008 = tpu.memref_slice %arg5[%mul3A_2, %dma_wait3A_1007] : memref<204800x128xf32, #tpu.memory_space<hbm>> -> memref<40x128xf32, #tpu.memory_space<hbm>>
        %dma_wait3A_1009 = arith.constant 0 : i32
        %dma_wait3A_1010 = arith.constant 0 : i32
        %dma_wait3A_1011 = tpu.memref_slice %arg8[%dma_wait3A_1000, %dma_wait3A_1009, %dma_wait3A_1010] : memref<10x40x128xf32, #tpu.memory_space<vmem>> -> memref<1x40x128xf32, #tpu.memory_space<vmem>>
        %dma_wait3A_1012 = tpu.memref_squeeze %dma_wait3A_1011 : memref<1x40x128xf32, #tpu.memory_space<vmem>> -> memref<40x128xf32, #tpu.memory_space<vmem>>
        tpu.wait_dma2 semaphore(%arg22 : memref<!tpu.dma_semaphore, #tpu.memory_space<semaphore_mem>>) src(%dma_wait3A_1012 : memref<40x128xf32, #tpu.memory_space<vmem>>) dst(%dma_wait3A_1008 : memref<40x128xf32, #tpu.memory_space<hbm>>)
      } else {
      }
      %le3A_829 = arith.constant 14 : i32
      %le3A_830 = arith.cmpi sle, %scan3A_355, %le3A_829 : i32
      %convert_element_type3A_831 = arith.extui %le3A_830 : i1 to i32
      %cond3A_832 = arith.constant 0 : i32
      %cond3A_833 = arith.cmpi ne, %convert_element_type3A_831, %cond3A_832 : i32
      scf.if %cond3A_833 {
        %mul3A_1000 = arith.constant 10 : i32
        %mul3A_1001 = arith.muli %scan3A_355, %mul3A_1000 : i32
        %add3A_1002 = arith.constant 13 : i32
        %add3A_1003 = arith.addi %mul3A_1001, %add3A_1002 : i32
        %mul3A_1004 = arith.constant 40 : i32
        %mul3A_1005 = arith.muli %add3A_1003, %mul3A_1004 : i32
        %rem3A_1006 = arith.constant 200 : i32
        %rem3A_1007 = arith.remsi %mul3A_1005, %rem3A_1006 : i32
        %dma_start3A_1008 = arith.constant 3 : i32
        %dma_start3A_1009 = arith.constant 0 : i32
        %dma_start3A_1010 = arith.constant 0 : i32
        %dma_start3A_1011 = tpu.memref_slice %arg8[%dma_start3A_1008, %dma_start3A_1009, %dma_start3A_1010] : memref<10x40x128xf32, #tpu.memory_space<vmem>> -> memref<1x40x128xf32, #tpu.memory_space<vmem>>
        %dma_start3A_1012 = tpu.memref_squeeze %dma_start3A_1011 : memref<1x40x128xf32, #tpu.memory_space<vmem>> -> memref<40x128xf32, #tpu.memory_space<vmem>>
        %dma_start3A_1013 = arith.constant 0 : i32
        %dma_start3A_1014 = tpu.memref_slice %arg7[%rem3A_1007, %dma_start3A_1013] : memref<256x128xf32, #tpu.memory_space<vmem_shared>> -> memref<40x128xf32, #tpu.memory_space<vmem_shared>>
        %dma_start3A_1015 = arith.constant 0 : i32
        %dma_start3A_1016 = arith.constant 0 : i32
        %dma_start3A_1017 = tpu.memref_slice %arg8[%dma_start3A_1008, %dma_start3A_1015, %dma_start3A_1016] : memref<10x40x128xf32, #tpu.memory_space<vmem>> -> memref<1x40x128xf32, #tpu.memory_space<vmem>>
        %dma_start3A_1018 = tpu.memref_squeeze %dma_start3A_1017 : memref<1x40x128xf32, #tpu.memory_space<vmem>> -> memref<40x128xf32, #tpu.memory_space<vmem>>
        %dma_start3A_1019 = arith.constant 0 : i32
        %dma_start3A_1020 = tpu.memref_slice %arg7[%rem3A_1007, %dma_start3A_1019] : memref<256x128xf32, #tpu.memory_space<vmem_shared>> -> memref<40x128xf32, #tpu.memory_space<vmem_shared>>
        tpu.enqueue_dma source(%dma_start3A_1020 : memref<40x128xf32, #tpu.memory_space<vmem_shared>>) target(%dma_start3A_1018 : memref<40x128xf32, #tpu.memory_space<vmem>>) target_semaphore(%arg32 : memref<!tpu.dma_semaphore, #tpu.memory_space<semaphore_mem>>)
      } else {
      }
      %le3A_834 = arith.constant 14 : i32
      %le3A_835 = arith.cmpi sle, %scan3A_355, %le3A_834 : i32
      %convert_element_type3A_836 = arith.extui %le3A_835 : i1 to i32
      %cond3A_837 = arith.constant 0 : i32
      %cond3A_838 = arith.cmpi ne, %convert_element_type3A_836, %cond3A_837 : i32
      scf.if %cond3A_838 {
        %mul3A_1000 = arith.constant 10 : i32
        %mul3A_1001 = arith.muli %scan3A_355, %mul3A_1000 : i32
        %add3A_1002 = arith.constant 10 : i32
        %add3A_1003 = arith.addi %mul3A_1001, %add3A_1002 : i32
        %dma_wait3A_1004 = arith.constant 0 : i32
        %dma_wait3A_1005 = arith.constant 0 : i32
        %dma_wait3A_1006 = arith.constant 0 : i32
        %dma_wait3A_1007 = tpu.memref_slice %arg8[%dma_wait3A_1004, %dma_wait3A_1005, %dma_wait3A_1006] : memref<10x40x128xf32, #tpu.memory_space<vmem>> -> memref<1x40x128xf32, #tpu.memory_space<vmem>>
        %dma_wait3A_1008 = tpu.memref_squeeze %dma_wait3A_1007 : memref<1x40x128xf32, #tpu.memory_space<vmem>> -> memref<40x128xf32, #tpu.memory_space<vmem>>
        %dma_wait3A_1009 = arith.constant 0 : i32
        %dma_wait3A_1010 = arith.constant 0 : i32
        %dma_wait3A_1011 = tpu.memref_slice %arg7[%dma_wait3A_1009, %dma_wait3A_1010] : memref<256x128xf32, #tpu.memory_space<vmem_shared>> -> memref<40x128xf32, #tpu.memory_space<vmem_shared>>
        %dma_wait3A_1012 = arith.constant 0 : i32
        %dma_wait3A_1013 = arith.constant 0 : i32
        %dma_wait3A_1014 = tpu.memref_slice %arg8[%dma_wait3A_1004, %dma_wait3A_1012, %dma_wait3A_1013] : memref<10x40x128xf32, #tpu.memory_space<vmem>> -> memref<1x40x128xf32, #tpu.memory_space<vmem>>
        %dma_wait3A_1015 = tpu.memref_squeeze %dma_wait3A_1014 : memref<1x40x128xf32, #tpu.memory_space<vmem>> -> memref<40x128xf32, #tpu.memory_space<vmem>>
        %dma_wait3A_1016 = arith.constant 0 : i32
        %dma_wait3A_1017 = arith.constant 0 : i32
        %dma_wait3A_1018 = tpu.memref_slice %arg7[%dma_wait3A_1016, %dma_wait3A_1017] : memref<256x128xf32, #tpu.memory_space<vmem_shared>> -> memref<40x128xf32, #tpu.memory_space<vmem_shared>>
        tpu.wait_dma2 semaphore(%arg29 : memref<!tpu.dma_semaphore, #tpu.memory_space<semaphore_mem>>) src(%dma_wait3A_1018 : memref<40x128xf32, #tpu.memory_space<vmem_shared>>) dst(%dma_wait3A_1015 : memref<40x128xf32, #tpu.memory_space<vmem>>)
        %mul3A_1019 = arith.constant 40 : i32
        %mul3A_1020 = arith.muli %add3A_1003, %mul3A_1019 : i32
        %dma_start3A_1021 = arith.constant 0 : i32
        %dma_start3A_1022 = arith.constant 0 : i32
        %dma_start3A_1023 = arith.constant 0 : i32
        %dma_start3A_1024 = tpu.memref_slice %arg8[%dma_start3A_1021, %dma_start3A_1022, %dma_start3A_1023] : memref<10x40x128xf32, #tpu.memory_space<vmem>> -> memref<1x40x128xf32, #tpu.memory_space<vmem>>
        %dma_start3A_1025 = tpu.memref_squeeze %dma_start3A_1024 : memref<1x40x128xf32, #tpu.memory_space<vmem>> -> memref<40x128xf32, #tpu.memory_space<vmem>>
        %dma_start3A_1026 = tpu.memref_slice %arg6[%mul3A_1020] : memref<6400xi32, #tpu.memory_space<vmem>> -> memref<40xi32, #tpu.memory_space<vmem>>
        %dma_start3A_1027 = arith.constant 0 : i32
        %dma_start3A_1028 = arith.constant 0 : i32
        %dma_start3A_1029 = tpu.memref_slice %arg4[%dma_start3A_1027, %dma_start3A_1028] : memref<100000x128xf32, #tpu.memory_space<hbm>> -> memref<100000x128xf32, #tpu.memory_space<hbm>>
        tpu.enqueue_indirect_dma source(%dma_start3A_1029 : memref<100000x128xf32, #tpu.memory_space<hbm>>) target(%dma_start3A_1025 : memref<40x128xf32, #tpu.memory_space<vmem>>) offsets(%dma_start3A_1026 : memref<40xi32, #tpu.memory_space<vmem>>) semaphore(%arg9 : memref<!tpu.dma_semaphore, #tpu.memory_space<semaphore_mem>>) {add = true}
      } else {
      }
      %dma_wait3A_839 = arith.constant 6 : i32
      %dma_wait3A_840 = arith.constant 0 : i32
      %dma_wait3A_841 = arith.constant 0 : i32
      %dma_wait3A_842 = tpu.memref_slice %arg8[%dma_wait3A_839, %dma_wait3A_840, %dma_wait3A_841] : memref<10x40x128xf32, #tpu.memory_space<vmem>> -> memref<1x40x128xf32, #tpu.memory_space<vmem>>
      %dma_wait3A_843 = tpu.memref_squeeze %dma_wait3A_842 : memref<1x40x128xf32, #tpu.memory_space<vmem>> -> memref<40x128xf32, #tpu.memory_space<vmem>>
      %dma_wait3A_844 = arith.constant 0 : i32
      %dma_wait3A_845 = tpu.memref_slice %arg6[%dma_wait3A_844] : memref<6400xi32, #tpu.memory_space<vmem>> -> memref<40xi32, #tpu.memory_space<vmem>>
      %dma_wait3A_846 = arith.constant 0 : i32
      %dma_wait3A_847 = arith.constant 0 : i32
      %dma_wait3A_848 = tpu.memref_slice %arg4[%dma_wait3A_846, %dma_wait3A_847] : memref<100000x128xf32, #tpu.memory_space<hbm>> -> memref<100000x128xf32, #tpu.memory_space<hbm>>
      tpu.wait_indirect_dma semaphore(%arg15 : memref<!tpu.dma_semaphore, #tpu.memory_space<semaphore_mem>>) src(%dma_wait3A_848 : memref<100000x128xf32, #tpu.memory_space<hbm>>) dst(%dma_wait3A_843 : memref<40x128xf32, #tpu.memory_space<vmem>>)
      %mul3A_849 = arith.constant 40 : i32
      %mul3A_850 = arith.muli %add3A_823, %mul3A_849 : i32
      %add3A_851 = arith.addi %mul3A_2, %mul3A_850 : i32
      %dma_start3A_852 = arith.constant 6 : i32
      %dma_start3A_853 = arith.constant 0 : i32
      %dma_start3A_854 = arith.constant 0 : i32
      %dma_start3A_855 = tpu.memref_slice %arg8[%dma_start3A_852, %dma_start3A_853, %dma_start3A_854] : memref<10x40x128xf32, #tpu.memory_space<vmem>> -> memref<1x40x128xf32, #tpu.memory_space<vmem>>
      %dma_start3A_856 = tpu.memref_squeeze %dma_start3A_855 : memref<1x40x128xf32, #tpu.memory_space<vmem>> -> memref<40x128xf32, #tpu.memory_space<vmem>>
      %dma_start3A_857 = arith.constant 0 : i32
      %dma_start3A_858 = tpu.memref_slice %arg5[%add3A_851, %dma_start3A_857] : memref<204800x128xf32, #tpu.memory_space<hbm>> -> memref<40x128xf32, #tpu.memory_space<hbm>>
      %dma_start3A_859 = arith.constant 0 : i32
      %dma_start3A_860 = tpu.memref_slice %arg5[%add3A_851, %dma_start3A_859] : memref<204800x128xf32, #tpu.memory_space<hbm>> -> memref<40x128xf32, #tpu.memory_space<hbm>>
      %dma_start3A_861 = arith.constant 0 : i32
      %dma_start3A_862 = arith.constant 0 : i32
      %dma_start3A_863 = tpu.memref_slice %arg8[%dma_start3A_852, %dma_start3A_861, %dma_start3A_862] : memref<10x40x128xf32, #tpu.memory_space<vmem>> -> memref<1x40x128xf32, #tpu.memory_space<vmem>>
      %dma_start3A_864 = tpu.memref_squeeze %dma_start3A_863 : memref<1x40x128xf32, #tpu.memory_space<vmem>> -> memref<40x128xf32, #tpu.memory_space<vmem>>
      tpu.enqueue_dma source(%dma_start3A_864 : memref<40x128xf32, #tpu.memory_space<vmem>>) target(%dma_start3A_860 : memref<40x128xf32, #tpu.memory_space<hbm>>) target_semaphore(%arg25 : memref<!tpu.dma_semaphore, #tpu.memory_space<semaphore_mem>>)
      %mul3A_865 = arith.constant 10 : i32
      %mul3A_866 = arith.muli %scan3A_355, %mul3A_865 : i32
      %add3A_867 = arith.constant 7 : i32
      %add3A_868 = arith.addi %mul3A_866, %add3A_867 : i32
      %le3A_869 = arith.constant 14 : i32
      %le3A_870 = arith.cmpi sle, %scan3A_355, %le3A_869 : i32
      %convert_element_type3A_871 = arith.extui %le3A_870 : i1 to i32
      %cond3A_872 = arith.constant 0 : i32
      %cond3A_873 = arith.cmpi ne, %convert_element_type3A_871, %cond3A_872 : i32
      scf.if %cond3A_873 {
        %dma_wait3A_1000 = arith.constant 4 : i32
        %dma_wait3A_1001 = arith.constant 0 : i32
        %dma_wait3A_1002 = arith.constant 0 : i32
        %dma_wait3A_1003 = tpu.memref_slice %arg8[%dma_wait3A_1000, %dma_wait3A_1001, %dma_wait3A_1002] : memref<10x40x128xf32, #tpu.memory_space<vmem>> -> memref<1x40x128xf32, #tpu.memory_space<vmem>>
        %dma_wait3A_1004 = tpu.memref_squeeze %dma_wait3A_1003 : memref<1x40x128xf32, #tpu.memory_space<vmem>> -> memref<40x128xf32, #tpu.memory_space<vmem>>
        %dma_wait3A_1005 = arith.constant 0 : i32
        %dma_wait3A_1006 = tpu.memref_slice %arg5[%mul3A_2, %dma_wait3A_1005] : memref<204800x128xf32, #tpu.memory_space<hbm>> -> memref<40x128xf32, #tpu.memory_space<hbm>>
        %dma_wait3A_1007 = arith.constant 0 : i32
        %dma_wait3A_1008 = tpu.memref_slice %arg5[%mul3A_2, %dma_wait3A_1007] : memref<204800x128xf32, #tpu.memory_space<hbm>> -> memref<40x128xf32, #tpu.memory_space<hbm>>
        %dma_wait3A_1009 = arith.constant 0 : i32
        %dma_wait3A_1010 = arith.constant 0 : i32
        %dma_wait3A_1011 = tpu.memref_slice %arg8[%dma_wait3A_1000, %dma_wait3A_1009, %dma_wait3A_1010] : memref<10x40x128xf32, #tpu.memory_space<vmem>> -> memref<1x40x128xf32, #tpu.memory_space<vmem>>
        %dma_wait3A_1012 = tpu.memref_squeeze %dma_wait3A_1011 : memref<1x40x128xf32, #tpu.memory_space<vmem>> -> memref<40x128xf32, #tpu.memory_space<vmem>>
        tpu.wait_dma2 semaphore(%arg23 : memref<!tpu.dma_semaphore, #tpu.memory_space<semaphore_mem>>) src(%dma_wait3A_1012 : memref<40x128xf32, #tpu.memory_space<vmem>>) dst(%dma_wait3A_1008 : memref<40x128xf32, #tpu.memory_space<hbm>>)
      } else {
      }
      %le3A_874 = arith.constant 14 : i32
      %le3A_875 = arith.cmpi sle, %scan3A_355, %le3A_874 : i32
      %convert_element_type3A_876 = arith.extui %le3A_875 : i1 to i32
      %cond3A_877 = arith.constant 0 : i32
      %cond3A_878 = arith.cmpi ne, %convert_element_type3A_876, %cond3A_877 : i32
      scf.if %cond3A_878 {
        %mul3A_1000 = arith.constant 10 : i32
        %mul3A_1001 = arith.muli %scan3A_355, %mul3A_1000 : i32
        %add3A_1002 = arith.constant 14 : i32
        %add3A_1003 = arith.addi %mul3A_1001, %add3A_1002 : i32
        %mul3A_1004 = arith.constant 40 : i32
        %mul3A_1005 = arith.muli %add3A_1003, %mul3A_1004 : i32
        %rem3A_1006 = arith.constant 200 : i32
        %rem3A_1007 = arith.remsi %mul3A_1005, %rem3A_1006 : i32
        %dma_start3A_1008 = arith.constant 4 : i32
        %dma_start3A_1009 = arith.constant 0 : i32
        %dma_start3A_1010 = arith.constant 0 : i32
        %dma_start3A_1011 = tpu.memref_slice %arg8[%dma_start3A_1008, %dma_start3A_1009, %dma_start3A_1010] : memref<10x40x128xf32, #tpu.memory_space<vmem>> -> memref<1x40x128xf32, #tpu.memory_space<vmem>>
        %dma_start3A_1012 = tpu.memref_squeeze %dma_start3A_1011 : memref<1x40x128xf32, #tpu.memory_space<vmem>> -> memref<40x128xf32, #tpu.memory_space<vmem>>
        %dma_start3A_1013 = arith.constant 0 : i32
        %dma_start3A_1014 = tpu.memref_slice %arg7[%rem3A_1007, %dma_start3A_1013] : memref<256x128xf32, #tpu.memory_space<vmem_shared>> -> memref<40x128xf32, #tpu.memory_space<vmem_shared>>
        %dma_start3A_1015 = arith.constant 0 : i32
        %dma_start3A_1016 = arith.constant 0 : i32
        %dma_start3A_1017 = tpu.memref_slice %arg8[%dma_start3A_1008, %dma_start3A_1015, %dma_start3A_1016] : memref<10x40x128xf32, #tpu.memory_space<vmem>> -> memref<1x40x128xf32, #tpu.memory_space<vmem>>
        %dma_start3A_1018 = tpu.memref_squeeze %dma_start3A_1017 : memref<1x40x128xf32, #tpu.memory_space<vmem>> -> memref<40x128xf32, #tpu.memory_space<vmem>>
        %dma_start3A_1019 = arith.constant 0 : i32
        %dma_start3A_1020 = tpu.memref_slice %arg7[%rem3A_1007, %dma_start3A_1019] : memref<256x128xf32, #tpu.memory_space<vmem_shared>> -> memref<40x128xf32, #tpu.memory_space<vmem_shared>>
        tpu.enqueue_dma source(%dma_start3A_1020 : memref<40x128xf32, #tpu.memory_space<vmem_shared>>) target(%dma_start3A_1018 : memref<40x128xf32, #tpu.memory_space<vmem>>) target_semaphore(%arg33 : memref<!tpu.dma_semaphore, #tpu.memory_space<semaphore_mem>>)
      } else {
      }
      %le3A_879 = arith.constant 14 : i32
      %le3A_880 = arith.cmpi sle, %scan3A_355, %le3A_879 : i32
      %convert_element_type3A_881 = arith.extui %le3A_880 : i1 to i32
      %cond3A_882 = arith.constant 0 : i32
      %cond3A_883 = arith.cmpi ne, %convert_element_type3A_881, %cond3A_882 : i32
      scf.if %cond3A_883 {
        %mul3A_1000 = arith.constant 10 : i32
        %mul3A_1001 = arith.muli %scan3A_355, %mul3A_1000 : i32
        %add3A_1002 = arith.constant 11 : i32
        %add3A_1003 = arith.addi %mul3A_1001, %add3A_1002 : i32
        %dma_wait3A_1004 = arith.constant 1 : i32
        %dma_wait3A_1005 = arith.constant 0 : i32
        %dma_wait3A_1006 = arith.constant 0 : i32
        %dma_wait3A_1007 = tpu.memref_slice %arg8[%dma_wait3A_1004, %dma_wait3A_1005, %dma_wait3A_1006] : memref<10x40x128xf32, #tpu.memory_space<vmem>> -> memref<1x40x128xf32, #tpu.memory_space<vmem>>
        %dma_wait3A_1008 = tpu.memref_squeeze %dma_wait3A_1007 : memref<1x40x128xf32, #tpu.memory_space<vmem>> -> memref<40x128xf32, #tpu.memory_space<vmem>>
        %dma_wait3A_1009 = arith.constant 0 : i32
        %dma_wait3A_1010 = arith.constant 0 : i32
        %dma_wait3A_1011 = tpu.memref_slice %arg7[%dma_wait3A_1009, %dma_wait3A_1010] : memref<256x128xf32, #tpu.memory_space<vmem_shared>> -> memref<40x128xf32, #tpu.memory_space<vmem_shared>>
        %dma_wait3A_1012 = arith.constant 0 : i32
        %dma_wait3A_1013 = arith.constant 0 : i32
        %dma_wait3A_1014 = tpu.memref_slice %arg8[%dma_wait3A_1004, %dma_wait3A_1012, %dma_wait3A_1013] : memref<10x40x128xf32, #tpu.memory_space<vmem>> -> memref<1x40x128xf32, #tpu.memory_space<vmem>>
        %dma_wait3A_1015 = tpu.memref_squeeze %dma_wait3A_1014 : memref<1x40x128xf32, #tpu.memory_space<vmem>> -> memref<40x128xf32, #tpu.memory_space<vmem>>
        %dma_wait3A_1016 = arith.constant 0 : i32
        %dma_wait3A_1017 = arith.constant 0 : i32
        %dma_wait3A_1018 = tpu.memref_slice %arg7[%dma_wait3A_1016, %dma_wait3A_1017] : memref<256x128xf32, #tpu.memory_space<vmem_shared>> -> memref<40x128xf32, #tpu.memory_space<vmem_shared>>
        tpu.wait_dma2 semaphore(%arg30 : memref<!tpu.dma_semaphore, #tpu.memory_space<semaphore_mem>>) src(%dma_wait3A_1018 : memref<40x128xf32, #tpu.memory_space<vmem_shared>>) dst(%dma_wait3A_1015 : memref<40x128xf32, #tpu.memory_space<vmem>>)
        %mul3A_1019 = arith.constant 40 : i32
        %mul3A_1020 = arith.muli %add3A_1003, %mul3A_1019 : i32
        %dma_start3A_1021 = arith.constant 1 : i32
        %dma_start3A_1022 = arith.constant 0 : i32
        %dma_start3A_1023 = arith.constant 0 : i32
        %dma_start3A_1024 = tpu.memref_slice %arg8[%dma_start3A_1021, %dma_start3A_1022, %dma_start3A_1023] : memref<10x40x128xf32, #tpu.memory_space<vmem>> -> memref<1x40x128xf32, #tpu.memory_space<vmem>>
        %dma_start3A_1025 = tpu.memref_squeeze %dma_start3A_1024 : memref<1x40x128xf32, #tpu.memory_space<vmem>> -> memref<40x128xf32, #tpu.memory_space<vmem>>
        %dma_start3A_1026 = tpu.memref_slice %arg6[%mul3A_1020] : memref<6400xi32, #tpu.memory_space<vmem>> -> memref<40xi32, #tpu.memory_space<vmem>>
        %dma_start3A_1027 = arith.constant 0 : i32
        %dma_start3A_1028 = arith.constant 0 : i32
        %dma_start3A_1029 = tpu.memref_slice %arg4[%dma_start3A_1027, %dma_start3A_1028] : memref<100000x128xf32, #tpu.memory_space<hbm>> -> memref<100000x128xf32, #tpu.memory_space<hbm>>
        tpu.enqueue_indirect_dma source(%dma_start3A_1029 : memref<100000x128xf32, #tpu.memory_space<hbm>>) target(%dma_start3A_1025 : memref<40x128xf32, #tpu.memory_space<vmem>>) offsets(%dma_start3A_1026 : memref<40xi32, #tpu.memory_space<vmem>>) semaphore(%arg10 : memref<!tpu.dma_semaphore, #tpu.memory_space<semaphore_mem>>) {add = true}
      } else {
      }
      %dma_wait3A_884 = arith.constant 7 : i32
      %dma_wait3A_885 = arith.constant 0 : i32
      %dma_wait3A_886 = arith.constant 0 : i32
      %dma_wait3A_887 = tpu.memref_slice %arg8[%dma_wait3A_884, %dma_wait3A_885, %dma_wait3A_886] : memref<10x40x128xf32, #tpu.memory_space<vmem>> -> memref<1x40x128xf32, #tpu.memory_space<vmem>>
      %dma_wait3A_888 = tpu.memref_squeeze %dma_wait3A_887 : memref<1x40x128xf32, #tpu.memory_space<vmem>> -> memref<40x128xf32, #tpu.memory_space<vmem>>
      %dma_wait3A_889 = arith.constant 0 : i32
      %dma_wait3A_890 = tpu.memref_slice %arg6[%dma_wait3A_889] : memref<6400xi32, #tpu.memory_space<vmem>> -> memref<40xi32, #tpu.memory_space<vmem>>
      %dma_wait3A_891 = arith.constant 0 : i32
      %dma_wait3A_892 = arith.constant 0 : i32
      %dma_wait3A_893 = tpu.memref_slice %arg4[%dma_wait3A_891, %dma_wait3A_892] : memref<100000x128xf32, #tpu.memory_space<hbm>> -> memref<100000x128xf32, #tpu.memory_space<hbm>>
      tpu.wait_indirect_dma semaphore(%arg16 : memref<!tpu.dma_semaphore, #tpu.memory_space<semaphore_mem>>) src(%dma_wait3A_893 : memref<100000x128xf32, #tpu.memory_space<hbm>>) dst(%dma_wait3A_888 : memref<40x128xf32, #tpu.memory_space<vmem>>)
      %mul3A_894 = arith.constant 40 : i32
      %mul3A_895 = arith.muli %add3A_868, %mul3A_894 : i32
      %add3A_896 = arith.addi %mul3A_2, %mul3A_895 : i32
      %dma_start3A_897 = arith.constant 7 : i32
      %dma_start3A_898 = arith.constant 0 : i32
      %dma_start3A_899 = arith.constant 0 : i32
      %dma_start3A_900 = tpu.memref_slice %arg8[%dma_start3A_897, %dma_start3A_898, %dma_start3A_899] : memref<10x40x128xf32, #tpu.memory_space<vmem>> -> memref<1x40x128xf32, #tpu.memory_space<vmem>>
      %dma_start3A_901 = tpu.memref_squeeze %dma_start3A_900 : memref<1x40x128xf32, #tpu.memory_space<vmem>> -> memref<40x128xf32, #tpu.memory_space<vmem>>
      %dma_start3A_902 = arith.constant 0 : i32
      %dma_start3A_903 = tpu.memref_slice %arg5[%add3A_896, %dma_start3A_902] : memref<204800x128xf32, #tpu.memory_space<hbm>> -> memref<40x128xf32, #tpu.memory_space<hbm>>
      %dma_start3A_904 = arith.constant 0 : i32
      %dma_start3A_905 = tpu.memref_slice %arg5[%add3A_896, %dma_start3A_904] : memref<204800x128xf32, #tpu.memory_space<hbm>> -> memref<40x128xf32, #tpu.memory_space<hbm>>
      %dma_start3A_906 = arith.constant 0 : i32
      %dma_start3A_907 = arith.constant 0 : i32
      %dma_start3A_908 = tpu.memref_slice %arg8[%dma_start3A_897, %dma_start3A_906, %dma_start3A_907] : memref<10x40x128xf32, #tpu.memory_space<vmem>> -> memref<1x40x128xf32, #tpu.memory_space<vmem>>
      %dma_start3A_909 = tpu.memref_squeeze %dma_start3A_908 : memref<1x40x128xf32, #tpu.memory_space<vmem>> -> memref<40x128xf32, #tpu.memory_space<vmem>>
      tpu.enqueue_dma source(%dma_start3A_909 : memref<40x128xf32, #tpu.memory_space<vmem>>) target(%dma_start3A_905 : memref<40x128xf32, #tpu.memory_space<hbm>>) target_semaphore(%arg26 : memref<!tpu.dma_semaphore, #tpu.memory_space<semaphore_mem>>)
      %mul3A_910 = arith.constant 10 : i32
      %mul3A_911 = arith.muli %scan3A_355, %mul3A_910 : i32
      %add3A_912 = arith.constant 8 : i32
      %add3A_913 = arith.addi %mul3A_911, %add3A_912 : i32
      %le3A_914 = arith.constant 14 : i32
      %le3A_915 = arith.cmpi sle, %scan3A_355, %le3A_914 : i32
      %convert_element_type3A_916 = arith.extui %le3A_915 : i1 to i32
      %cond3A_917 = arith.constant 0 : i32
      %cond3A_918 = arith.cmpi ne, %convert_element_type3A_916, %cond3A_917 : i32
      scf.if %cond3A_918 {
        %dma_wait3A_1000 = arith.constant 5 : i32
        %dma_wait3A_1001 = arith.constant 0 : i32
        %dma_wait3A_1002 = arith.constant 0 : i32
        %dma_wait3A_1003 = tpu.memref_slice %arg8[%dma_wait3A_1000, %dma_wait3A_1001, %dma_wait3A_1002] : memref<10x40x128xf32, #tpu.memory_space<vmem>> -> memref<1x40x128xf32, #tpu.memory_space<vmem>>
        %dma_wait3A_1004 = tpu.memref_squeeze %dma_wait3A_1003 : memref<1x40x128xf32, #tpu.memory_space<vmem>> -> memref<40x128xf32, #tpu.memory_space<vmem>>
        %dma_wait3A_1005 = arith.constant 0 : i32
        %dma_wait3A_1006 = tpu.memref_slice %arg5[%mul3A_2, %dma_wait3A_1005] : memref<204800x128xf32, #tpu.memory_space<hbm>> -> memref<40x128xf32, #tpu.memory_space<hbm>>
        %dma_wait3A_1007 = arith.constant 0 : i32
        %dma_wait3A_1008 = tpu.memref_slice %arg5[%mul3A_2, %dma_wait3A_1007] : memref<204800x128xf32, #tpu.memory_space<hbm>> -> memref<40x128xf32, #tpu.memory_space<hbm>>
        %dma_wait3A_1009 = arith.constant 0 : i32
        %dma_wait3A_1010 = arith.constant 0 : i32
        %dma_wait3A_1011 = tpu.memref_slice %arg8[%dma_wait3A_1000, %dma_wait3A_1009, %dma_wait3A_1010] : memref<10x40x128xf32, #tpu.memory_space<vmem>> -> memref<1x40x128xf32, #tpu.memory_space<vmem>>
        %dma_wait3A_1012 = tpu.memref_squeeze %dma_wait3A_1011 : memref<1x40x128xf32, #tpu.memory_space<vmem>> -> memref<40x128xf32, #tpu.memory_space<vmem>>
        tpu.wait_dma2 semaphore(%arg24 : memref<!tpu.dma_semaphore, #tpu.memory_space<semaphore_mem>>) src(%dma_wait3A_1012 : memref<40x128xf32, #tpu.memory_space<vmem>>) dst(%dma_wait3A_1008 : memref<40x128xf32, #tpu.memory_space<hbm>>)
      } else {
      }
      %le3A_919 = arith.constant 14 : i32
      %le3A_920 = arith.cmpi sle, %scan3A_355, %le3A_919 : i32
      %convert_element_type3A_921 = arith.extui %le3A_920 : i1 to i32
      %cond3A_922 = arith.constant 0 : i32
      %cond3A_923 = arith.cmpi ne, %convert_element_type3A_921, %cond3A_922 : i32
      scf.if %cond3A_923 {
        %mul3A_1000 = arith.constant 10 : i32
        %mul3A_1001 = arith.muli %scan3A_355, %mul3A_1000 : i32
        %add3A_1002 = arith.constant 15 : i32
        %add3A_1003 = arith.addi %mul3A_1001, %add3A_1002 : i32
        %mul3A_1004 = arith.constant 40 : i32
        %mul3A_1005 = arith.muli %add3A_1003, %mul3A_1004 : i32
        %rem3A_1006 = arith.constant 200 : i32
        %rem3A_1007 = arith.remsi %mul3A_1005, %rem3A_1006 : i32
        %dma_start3A_1008 = arith.constant 5 : i32
        %dma_start3A_1009 = arith.constant 0 : i32
        %dma_start3A_1010 = arith.constant 0 : i32
        %dma_start3A_1011 = tpu.memref_slice %arg8[%dma_start3A_1008, %dma_start3A_1009, %dma_start3A_1010] : memref<10x40x128xf32, #tpu.memory_space<vmem>> -> memref<1x40x128xf32, #tpu.memory_space<vmem>>
        %dma_start3A_1012 = tpu.memref_squeeze %dma_start3A_1011 : memref<1x40x128xf32, #tpu.memory_space<vmem>> -> memref<40x128xf32, #tpu.memory_space<vmem>>
        %dma_start3A_1013 = arith.constant 0 : i32
        %dma_start3A_1014 = tpu.memref_slice %arg7[%rem3A_1007, %dma_start3A_1013] : memref<256x128xf32, #tpu.memory_space<vmem_shared>> -> memref<40x128xf32, #tpu.memory_space<vmem_shared>>
        %dma_start3A_1015 = arith.constant 0 : i32
        %dma_start3A_1016 = arith.constant 0 : i32
        %dma_start3A_1017 = tpu.memref_slice %arg8[%dma_start3A_1008, %dma_start3A_1015, %dma_start3A_1016] : memref<10x40x128xf32, #tpu.memory_space<vmem>> -> memref<1x40x128xf32, #tpu.memory_space<vmem>>
        %dma_start3A_1018 = tpu.memref_squeeze %dma_start3A_1017 : memref<1x40x128xf32, #tpu.memory_space<vmem>> -> memref<40x128xf32, #tpu.memory_space<vmem>>
        %dma_start3A_1019 = arith.constant 0 : i32
        %dma_start3A_1020 = tpu.memref_slice %arg7[%rem3A_1007, %dma_start3A_1019] : memref<256x128xf32, #tpu.memory_space<vmem_shared>> -> memref<40x128xf32, #tpu.memory_space<vmem_shared>>
        tpu.enqueue_dma source(%dma_start3A_1020 : memref<40x128xf32, #tpu.memory_space<vmem_shared>>) target(%dma_start3A_1018 : memref<40x128xf32, #tpu.memory_space<vmem>>) target_semaphore(%arg34 : memref<!tpu.dma_semaphore, #tpu.memory_space<semaphore_mem>>)
      } else {
      }
      %le3A_924 = arith.constant 14 : i32
      %le3A_925 = arith.cmpi sle, %scan3A_355, %le3A_924 : i32
      %convert_element_type3A_926 = arith.extui %le3A_925 : i1 to i32
      %cond3A_927 = arith.constant 0 : i32
      %cond3A_928 = arith.cmpi ne, %convert_element_type3A_926, %cond3A_927 : i32
      scf.if %cond3A_928 {
        %mul3A_1000 = arith.constant 10 : i32
        %mul3A_1001 = arith.muli %scan3A_355, %mul3A_1000 : i32
        %add3A_1002 = arith.constant 12 : i32
        %add3A_1003 = arith.addi %mul3A_1001, %add3A_1002 : i32
        %dma_wait3A_1004 = arith.constant 2 : i32
        %dma_wait3A_1005 = arith.constant 0 : i32
        %dma_wait3A_1006 = arith.constant 0 : i32
        %dma_wait3A_1007 = tpu.memref_slice %arg8[%dma_wait3A_1004, %dma_wait3A_1005, %dma_wait3A_1006] : memref<10x40x128xf32, #tpu.memory_space<vmem>> -> memref<1x40x128xf32, #tpu.memory_space<vmem>>
        %dma_wait3A_1008 = tpu.memref_squeeze %dma_wait3A_1007 : memref<1x40x128xf32, #tpu.memory_space<vmem>> -> memref<40x128xf32, #tpu.memory_space<vmem>>
        %dma_wait3A_1009 = arith.constant 0 : i32
        %dma_wait3A_1010 = arith.constant 0 : i32
        %dma_wait3A_1011 = tpu.memref_slice %arg7[%dma_wait3A_1009, %dma_wait3A_1010] : memref<256x128xf32, #tpu.memory_space<vmem_shared>> -> memref<40x128xf32, #tpu.memory_space<vmem_shared>>
        %dma_wait3A_1012 = arith.constant 0 : i32
        %dma_wait3A_1013 = arith.constant 0 : i32
        %dma_wait3A_1014 = tpu.memref_slice %arg8[%dma_wait3A_1004, %dma_wait3A_1012, %dma_wait3A_1013] : memref<10x40x128xf32, #tpu.memory_space<vmem>> -> memref<1x40x128xf32, #tpu.memory_space<vmem>>
        %dma_wait3A_1015 = tpu.memref_squeeze %dma_wait3A_1014 : memref<1x40x128xf32, #tpu.memory_space<vmem>> -> memref<40x128xf32, #tpu.memory_space<vmem>>
        %dma_wait3A_1016 = arith.constant 0 : i32
        %dma_wait3A_1017 = arith.constant 0 : i32
        %dma_wait3A_1018 = tpu.memref_slice %arg7[%dma_wait3A_1016, %dma_wait3A_1017] : memref<256x128xf32, #tpu.memory_space<vmem_shared>> -> memref<40x128xf32, #tpu.memory_space<vmem_shared>>
        tpu.wait_dma2 semaphore(%arg31 : memref<!tpu.dma_semaphore, #tpu.memory_space<semaphore_mem>>) src(%dma_wait3A_1018 : memref<40x128xf32, #tpu.memory_space<vmem_shared>>) dst(%dma_wait3A_1015 : memref<40x128xf32, #tpu.memory_space<vmem>>)
        %mul3A_1019 = arith.constant 40 : i32
        %mul3A_1020 = arith.muli %add3A_1003, %mul3A_1019 : i32
        %dma_start3A_1021 = arith.constant 2 : i32
        %dma_start3A_1022 = arith.constant 0 : i32
        %dma_start3A_1023 = arith.constant 0 : i32
        %dma_start3A_1024 = tpu.memref_slice %arg8[%dma_start3A_1021, %dma_start3A_1022, %dma_start3A_1023] : memref<10x40x128xf32, #tpu.memory_space<vmem>> -> memref<1x40x128xf32, #tpu.memory_space<vmem>>
        %dma_start3A_1025 = tpu.memref_squeeze %dma_start3A_1024 : memref<1x40x128xf32, #tpu.memory_space<vmem>> -> memref<40x128xf32, #tpu.memory_space<vmem>>
        %dma_start3A_1026 = tpu.memref_slice %arg6[%mul3A_1020] : memref<6400xi32, #tpu.memory_space<vmem>> -> memref<40xi32, #tpu.memory_space<vmem>>
        %dma_start3A_1027 = arith.constant 0 : i32
        %dma_start3A_1028 = arith.constant 0 : i32
        %dma_start3A_1029 = tpu.memref_slice %arg4[%dma_start3A_1027, %dma_start3A_1028] : memref<100000x128xf32, #tpu.memory_space<hbm>> -> memref<100000x128xf32, #tpu.memory_space<hbm>>
        tpu.enqueue_indirect_dma source(%dma_start3A_1029 : memref<100000x128xf32, #tpu.memory_space<hbm>>) target(%dma_start3A_1025 : memref<40x128xf32, #tpu.memory_space<vmem>>) offsets(%dma_start3A_1026 : memref<40xi32, #tpu.memory_space<vmem>>) semaphore(%arg11 : memref<!tpu.dma_semaphore, #tpu.memory_space<semaphore_mem>>) {add = true}
      } else {
      }
      %dma_wait3A_929 = arith.constant 8 : i32
      %dma_wait3A_930 = arith.constant 0 : i32
      %dma_wait3A_931 = arith.constant 0 : i32
      %dma_wait3A_932 = tpu.memref_slice %arg8[%dma_wait3A_929, %dma_wait3A_930, %dma_wait3A_931] : memref<10x40x128xf32, #tpu.memory_space<vmem>> -> memref<1x40x128xf32, #tpu.memory_space<vmem>>
      %dma_wait3A_933 = tpu.memref_squeeze %dma_wait3A_932 : memref<1x40x128xf32, #tpu.memory_space<vmem>> -> memref<40x128xf32, #tpu.memory_space<vmem>>
      %dma_wait3A_934 = arith.constant 0 : i32
      %dma_wait3A_935 = tpu.memref_slice %arg6[%dma_wait3A_934] : memref<6400xi32, #tpu.memory_space<vmem>> -> memref<40xi32, #tpu.memory_space<vmem>>
      %dma_wait3A_936 = arith.constant 0 : i32
      %dma_wait3A_937 = arith.constant 0 : i32
      %dma_wait3A_938 = tpu.memref_slice %arg4[%dma_wait3A_936, %dma_wait3A_937] : memref<100000x128xf32, #tpu.memory_space<hbm>> -> memref<100000x128xf32, #tpu.memory_space<hbm>>
      tpu.wait_indirect_dma semaphore(%arg17 : memref<!tpu.dma_semaphore, #tpu.memory_space<semaphore_mem>>) src(%dma_wait3A_938 : memref<100000x128xf32, #tpu.memory_space<hbm>>) dst(%dma_wait3A_933 : memref<40x128xf32, #tpu.memory_space<vmem>>)
      %mul3A_939 = arith.constant 40 : i32
      %mul3A_940 = arith.muli %add3A_913, %mul3A_939 : i32
      %add3A_941 = arith.addi %mul3A_2, %mul3A_940 : i32
      %dma_start3A_942 = arith.constant 8 : i32
      %dma_start3A_943 = arith.constant 0 : i32
      %dma_start3A_944 = arith.constant 0 : i32
      %dma_start3A_945 = tpu.memref_slice %arg8[%dma_start3A_942, %dma_start3A_943, %dma_start3A_944] : memref<10x40x128xf32, #tpu.memory_space<vmem>> -> memref<1x40x128xf32, #tpu.memory_space<vmem>>
      %dma_start3A_946 = tpu.memref_squeeze %dma_start3A_945 : memref<1x40x128xf32, #tpu.memory_space<vmem>> -> memref<40x128xf32, #tpu.memory_space<vmem>>
      %dma_start3A_947 = arith.constant 0 : i32
      %dma_start3A_948 = tpu.memref_slice %arg5[%add3A_941, %dma_start3A_947] : memref<204800x128xf32, #tpu.memory_space<hbm>> -> memref<40x128xf32, #tpu.memory_space<hbm>>
      %dma_start3A_949 = arith.constant 0 : i32
      %dma_start3A_950 = tpu.memref_slice %arg5[%add3A_941, %dma_start3A_949] : memref<204800x128xf32, #tpu.memory_space<hbm>> -> memref<40x128xf32, #tpu.memory_space<hbm>>
      %dma_start3A_951 = arith.constant 0 : i32
      %dma_start3A_952 = arith.constant 0 : i32
      %dma_start3A_953 = tpu.memref_slice %arg8[%dma_start3A_942, %dma_start3A_951, %dma_start3A_952] : memref<10x40x128xf32, #tpu.memory_space<vmem>> -> memref<1x40x128xf32, #tpu.memory_space<vmem>>
      %dma_start3A_954 = tpu.memref_squeeze %dma_start3A_953 : memref<1x40x128xf32, #tpu.memory_space<vmem>> -> memref<40x128xf32, #tpu.memory_space<vmem>>
      tpu.enqueue_dma source(%dma_start3A_954 : memref<40x128xf32, #tpu.memory_space<vmem>>) target(%dma_start3A_950 : memref<40x128xf32, #tpu.memory_space<hbm>>) target_semaphore(%arg27 : memref<!tpu.dma_semaphore, #tpu.memory_space<semaphore_mem>>)
      %mul3A_955 = arith.constant 10 : i32
      %mul3A_956 = arith.muli %scan3A_355, %mul3A_955 : i32
      %add3A_957 = arith.constant 9 : i32
      %add3A_958 = arith.addi %mul3A_956, %add3A_957 : i32
      %le3A_959 = arith.constant 14 : i32
      %le3A_960 = arith.cmpi sle, %scan3A_355, %le3A_959 : i32
      %convert_element_type3A_961 = arith.extui %le3A_960 : i1 to i32
      %cond3A_962 = arith.constant 0 : i32
      %cond3A_963 = arith.cmpi ne, %convert_element_type3A_961, %cond3A_962 : i32
      scf.if %cond3A_963 {
        %dma_wait3A_1000 = arith.constant 6 : i32
        %dma_wait3A_1001 = arith.constant 0 : i32
        %dma_wait3A_1002 = arith.constant 0 : i32
        %dma_wait3A_1003 = tpu.memref_slice %arg8[%dma_wait3A_1000, %dma_wait3A_1001, %dma_wait3A_1002] : memref<10x40x128xf32, #tpu.memory_space<vmem>> -> memref<1x40x128xf32, #tpu.memory_space<vmem>>
        %dma_wait3A_1004 = tpu.memref_squeeze %dma_wait3A_1003 : memref<1x40x128xf32, #tpu.memory_space<vmem>> -> memref<40x128xf32, #tpu.memory_space<vmem>>
        %dma_wait3A_1005 = arith.constant 0 : i32
        %dma_wait3A_1006 = tpu.memref_slice %arg5[%mul3A_2, %dma_wait3A_1005] : memref<204800x128xf32, #tpu.memory_space<hbm>> -> memref<40x128xf32, #tpu.memory_space<hbm>>
        %dma_wait3A_1007 = arith.constant 0 : i32
        %dma_wait3A_1008 = tpu.memref_slice %arg5[%mul3A_2, %dma_wait3A_1007] : memref<204800x128xf32, #tpu.memory_space<hbm>> -> memref<40x128xf32, #tpu.memory_space<hbm>>
        %dma_wait3A_1009 = arith.constant 0 : i32
        %dma_wait3A_1010 = arith.constant 0 : i32
        %dma_wait3A_1011 = tpu.memref_slice %arg8[%dma_wait3A_1000, %dma_wait3A_1009, %dma_wait3A_1010] : memref<10x40x128xf32, #tpu.memory_space<vmem>> -> memref<1x40x128xf32, #tpu.memory_space<vmem>>
        %dma_wait3A_1012 = tpu.memref_squeeze %dma_wait3A_1011 : memref<1x40x128xf32, #tpu.memory_space<vmem>> -> memref<40x128xf32, #tpu.memory_space<vmem>>
        tpu.wait_dma2 semaphore(%arg25 : memref<!tpu.dma_semaphore, #tpu.memory_space<semaphore_mem>>) src(%dma_wait3A_1012 : memref<40x128xf32, #tpu.memory_space<vmem>>) dst(%dma_wait3A_1008 : memref<40x128xf32, #tpu.memory_space<hbm>>)
      } else {
      }
      %le3A_964 = arith.constant 14 : i32
      %le3A_965 = arith.cmpi sle, %scan3A_355, %le3A_964 : i32
      %convert_element_type3A_966 = arith.extui %le3A_965 : i1 to i32
      %cond3A_967 = arith.constant 0 : i32
      %cond3A_968 = arith.cmpi ne, %convert_element_type3A_966, %cond3A_967 : i32
      scf.if %cond3A_968 {
        %mul3A_1000 = arith.constant 10 : i32
        %mul3A_1001 = arith.muli %scan3A_355, %mul3A_1000 : i32
        %add3A_1002 = arith.constant 16 : i32
        %add3A_1003 = arith.addi %mul3A_1001, %add3A_1002 : i32
        %mul3A_1004 = arith.constant 40 : i32
        %mul3A_1005 = arith.muli %add3A_1003, %mul3A_1004 : i32
        %rem3A_1006 = arith.constant 200 : i32
        %rem3A_1007 = arith.remsi %mul3A_1005, %rem3A_1006 : i32
        %dma_start3A_1008 = arith.constant 6 : i32
        %dma_start3A_1009 = arith.constant 0 : i32
        %dma_start3A_1010 = arith.constant 0 : i32
        %dma_start3A_1011 = tpu.memref_slice %arg8[%dma_start3A_1008, %dma_start3A_1009, %dma_start3A_1010] : memref<10x40x128xf32, #tpu.memory_space<vmem>> -> memref<1x40x128xf32, #tpu.memory_space<vmem>>
        %dma_start3A_1012 = tpu.memref_squeeze %dma_start3A_1011 : memref<1x40x128xf32, #tpu.memory_space<vmem>> -> memref<40x128xf32, #tpu.memory_space<vmem>>
        %dma_start3A_1013 = arith.constant 0 : i32
        %dma_start3A_1014 = tpu.memref_slice %arg7[%rem3A_1007, %dma_start3A_1013] : memref<256x128xf32, #tpu.memory_space<vmem_shared>> -> memref<40x128xf32, #tpu.memory_space<vmem_shared>>
        %dma_start3A_1015 = arith.constant 0 : i32
        %dma_start3A_1016 = arith.constant 0 : i32
        %dma_start3A_1017 = tpu.memref_slice %arg8[%dma_start3A_1008, %dma_start3A_1015, %dma_start3A_1016] : memref<10x40x128xf32, #tpu.memory_space<vmem>> -> memref<1x40x128xf32, #tpu.memory_space<vmem>>
        %dma_start3A_1018 = tpu.memref_squeeze %dma_start3A_1017 : memref<1x40x128xf32, #tpu.memory_space<vmem>> -> memref<40x128xf32, #tpu.memory_space<vmem>>
        %dma_start3A_1019 = arith.constant 0 : i32
        %dma_start3A_1020 = tpu.memref_slice %arg7[%rem3A_1007, %dma_start3A_1019] : memref<256x128xf32, #tpu.memory_space<vmem_shared>> -> memref<40x128xf32, #tpu.memory_space<vmem_shared>>
        tpu.enqueue_dma source(%dma_start3A_1020 : memref<40x128xf32, #tpu.memory_space<vmem_shared>>) target(%dma_start3A_1018 : memref<40x128xf32, #tpu.memory_space<vmem>>) target_semaphore(%arg35 : memref<!tpu.dma_semaphore, #tpu.memory_space<semaphore_mem>>)
      } else {
      }
      %le3A_969 = arith.constant 14 : i32
      %le3A_970 = arith.cmpi sle, %scan3A_355, %le3A_969 : i32
      %convert_element_type3A_971 = arith.extui %le3A_970 : i1 to i32
      %cond3A_972 = arith.constant 0 : i32
      %cond3A_973 = arith.cmpi ne, %convert_element_type3A_971, %cond3A_972 : i32
      scf.if %cond3A_973 {
        %mul3A_1000 = arith.constant 10 : i32
        %mul3A_1001 = arith.muli %scan3A_355, %mul3A_1000 : i32
        %add3A_1002 = arith.constant 13 : i32
        %add3A_1003 = arith.addi %mul3A_1001, %add3A_1002 : i32
        %dma_wait3A_1004 = arith.constant 3 : i32
        %dma_wait3A_1005 = arith.constant 0 : i32
        %dma_wait3A_1006 = arith.constant 0 : i32
        %dma_wait3A_1007 = tpu.memref_slice %arg8[%dma_wait3A_1004, %dma_wait3A_1005, %dma_wait3A_1006] : memref<10x40x128xf32, #tpu.memory_space<vmem>> -> memref<1x40x128xf32, #tpu.memory_space<vmem>>
        %dma_wait3A_1008 = tpu.memref_squeeze %dma_wait3A_1007 : memref<1x40x128xf32, #tpu.memory_space<vmem>> -> memref<40x128xf32, #tpu.memory_space<vmem>>
        %dma_wait3A_1009 = arith.constant 0 : i32
        %dma_wait3A_1010 = arith.constant 0 : i32
        %dma_wait3A_1011 = tpu.memref_slice %arg7[%dma_wait3A_1009, %dma_wait3A_1010] : memref<256x128xf32, #tpu.memory_space<vmem_shared>> -> memref<40x128xf32, #tpu.memory_space<vmem_shared>>
        %dma_wait3A_1012 = arith.constant 0 : i32
        %dma_wait3A_1013 = arith.constant 0 : i32
        %dma_wait3A_1014 = tpu.memref_slice %arg8[%dma_wait3A_1004, %dma_wait3A_1012, %dma_wait3A_1013] : memref<10x40x128xf32, #tpu.memory_space<vmem>> -> memref<1x40x128xf32, #tpu.memory_space<vmem>>
        %dma_wait3A_1015 = tpu.memref_squeeze %dma_wait3A_1014 : memref<1x40x128xf32, #tpu.memory_space<vmem>> -> memref<40x128xf32, #tpu.memory_space<vmem>>
        %dma_wait3A_1016 = arith.constant 0 : i32
        %dma_wait3A_1017 = arith.constant 0 : i32
        %dma_wait3A_1018 = tpu.memref_slice %arg7[%dma_wait3A_1016, %dma_wait3A_1017] : memref<256x128xf32, #tpu.memory_space<vmem_shared>> -> memref<40x128xf32, #tpu.memory_space<vmem_shared>>
        tpu.wait_dma2 semaphore(%arg32 : memref<!tpu.dma_semaphore, #tpu.memory_space<semaphore_mem>>) src(%dma_wait3A_1018 : memref<40x128xf32, #tpu.memory_space<vmem_shared>>) dst(%dma_wait3A_1015 : memref<40x128xf32, #tpu.memory_space<vmem>>)
        %mul3A_1019 = arith.constant 40 : i32
        %mul3A_1020 = arith.muli %add3A_1003, %mul3A_1019 : i32
        %dma_start3A_1021 = arith.constant 3 : i32
        %dma_start3A_1022 = arith.constant 0 : i32
        %dma_start3A_1023 = arith.constant 0 : i32
        %dma_start3A_1024 = tpu.memref_slice %arg8[%dma_start3A_1021, %dma_start3A_1022, %dma_start3A_1023] : memref<10x40x128xf32, #tpu.memory_space<vmem>> -> memref<1x40x128xf32, #tpu.memory_space<vmem>>
        %dma_start3A_1025 = tpu.memref_squeeze %dma_start3A_1024 : memref<1x40x128xf32, #tpu.memory_space<vmem>> -> memref<40x128xf32, #tpu.memory_space<vmem>>
        %dma_start3A_1026 = tpu.memref_slice %arg6[%mul3A_1020] : memref<6400xi32, #tpu.memory_space<vmem>> -> memref<40xi32, #tpu.memory_space<vmem>>
        %dma_start3A_1027 = arith.constant 0 : i32
        %dma_start3A_1028 = arith.constant 0 : i32
        %dma_start3A_1029 = tpu.memref_slice %arg4[%dma_start3A_1027, %dma_start3A_1028] : memref<100000x128xf32, #tpu.memory_space<hbm>> -> memref<100000x128xf32, #tpu.memory_space<hbm>>
        tpu.enqueue_indirect_dma source(%dma_start3A_1029 : memref<100000x128xf32, #tpu.memory_space<hbm>>) target(%dma_start3A_1025 : memref<40x128xf32, #tpu.memory_space<vmem>>) offsets(%dma_start3A_1026 : memref<40xi32, #tpu.memory_space<vmem>>) semaphore(%arg12 : memref<!tpu.dma_semaphore, #tpu.memory_space<semaphore_mem>>) {add = true}
      } else {
      }
      %dma_wait3A_974 = arith.constant 9 : i32
      %dma_wait3A_975 = arith.constant 0 : i32
      %dma_wait3A_976 = arith.constant 0 : i32
      %dma_wait3A_977 = tpu.memref_slice %arg8[%dma_wait3A_974, %dma_wait3A_975, %dma_wait3A_976] : memref<10x40x128xf32, #tpu.memory_space<vmem>> -> memref<1x40x128xf32, #tpu.memory_space<vmem>>
      %dma_wait3A_978 = tpu.memref_squeeze %dma_wait3A_977 : memref<1x40x128xf32, #tpu.memory_space<vmem>> -> memref<40x128xf32, #tpu.memory_space<vmem>>
      %dma_wait3A_979 = arith.constant 0 : i32
      %dma_wait3A_980 = tpu.memref_slice %arg6[%dma_wait3A_979] : memref<6400xi32, #tpu.memory_space<vmem>> -> memref<40xi32, #tpu.memory_space<vmem>>
      %dma_wait3A_981 = arith.constant 0 : i32
      %dma_wait3A_982 = arith.constant 0 : i32
      %dma_wait3A_983 = tpu.memref_slice %arg4[%dma_wait3A_981, %dma_wait3A_982] : memref<100000x128xf32, #tpu.memory_space<hbm>> -> memref<100000x128xf32, #tpu.memory_space<hbm>>
      tpu.wait_indirect_dma semaphore(%arg18 : memref<!tpu.dma_semaphore, #tpu.memory_space<semaphore_mem>>) src(%dma_wait3A_983 : memref<100000x128xf32, #tpu.memory_space<hbm>>) dst(%dma_wait3A_978 : memref<40x128xf32, #tpu.memory_space<vmem>>)
      %mul3A_984 = arith.constant 40 : i32
      %mul3A_985 = arith.muli %add3A_958, %mul3A_984 : i32
      %add3A_986 = arith.addi %mul3A_2, %mul3A_985 : i32
      %dma_start3A_987 = arith.constant 9 : i32
      %dma_start3A_988 = arith.constant 0 : i32
      %dma_start3A_989 = arith.constant 0 : i32
      %dma_start3A_990 = tpu.memref_slice %arg8[%dma_start3A_987, %dma_start3A_988, %dma_start3A_989] : memref<10x40x128xf32, #tpu.memory_space<vmem>> -> memref<1x40x128xf32, #tpu.memory_space<vmem>>
      %dma_start3A_991 = tpu.memref_squeeze %dma_start3A_990 : memref<1x40x128xf32, #tpu.memory_space<vmem>> -> memref<40x128xf32, #tpu.memory_space<vmem>>
      %dma_start3A_992 = arith.constant 0 : i32
      %dma_start3A_993 = tpu.memref_slice %arg5[%add3A_986, %dma_start3A_992] : memref<204800x128xf32, #tpu.memory_space<hbm>> -> memref<40x128xf32, #tpu.memory_space<hbm>>
      %dma_start3A_994 = arith.constant 0 : i32
      %dma_start3A_995 = tpu.memref_slice %arg5[%add3A_986, %dma_start3A_994] : memref<204800x128xf32, #tpu.memory_space<hbm>> -> memref<40x128xf32, #tpu.memory_space<hbm>>
      %dma_start3A_996 = arith.constant 0 : i32
      %dma_start3A_997 = arith.constant 0 : i32
      %dma_start3A_998 = tpu.memref_slice %arg8[%dma_start3A_987, %dma_start3A_996, %dma_start3A_997] : memref<10x40x128xf32, #tpu.memory_space<vmem>> -> memref<1x40x128xf32, #tpu.memory_space<vmem>>
      %dma_start3A_999 = tpu.memref_squeeze %dma_start3A_998 : memref<1x40x128xf32, #tpu.memory_space<vmem>> -> memref<40x128xf32, #tpu.memory_space<vmem>>
      tpu.enqueue_dma source(%dma_start3A_999 : memref<40x128xf32, #tpu.memory_space<vmem>>) target(%dma_start3A_995 : memref<40x128xf32, #tpu.memory_space<hbm>>) target_semaphore(%arg28 : memref<!tpu.dma_semaphore, #tpu.memory_space<semaphore_mem>>)
    }
    %scan3A_224 = arith.constant 16 : i32
    %dma_wait3A_225 = arith.constant 0 : i32
    %dma_wait3A_226 = arith.constant 0 : i32
    %dma_wait3A_227 = arith.constant 0 : i32
    %dma_wait3A_228 = tpu.memref_slice %arg8[%dma_wait3A_225, %dma_wait3A_226, %dma_wait3A_227] : memref<10x40x128xf32, #tpu.memory_space<vmem>> -> memref<1x40x128xf32, #tpu.memory_space<vmem>>
    %dma_wait3A_229 = tpu.memref_squeeze %dma_wait3A_228 : memref<1x40x128xf32, #tpu.memory_space<vmem>> -> memref<40x128xf32, #tpu.memory_space<vmem>>
    %dma_wait3A_230 = arith.constant 0 : i32
    %dma_wait3A_231 = tpu.memref_slice %arg5[%mul3A_2, %dma_wait3A_230] : memref<204800x128xf32, #tpu.memory_space<hbm>> -> memref<40x128xf32, #tpu.memory_space<hbm>>
    %dma_wait3A_232 = arith.constant 0 : i32
    %dma_wait3A_233 = tpu.memref_slice %arg5[%mul3A_2, %dma_wait3A_232] : memref<204800x128xf32, #tpu.memory_space<hbm>> -> memref<40x128xf32, #tpu.memory_space<hbm>>
    %dma_wait3A_234 = arith.constant 0 : i32
    %dma_wait3A_235 = arith.constant 0 : i32
    %dma_wait3A_236 = tpu.memref_slice %arg8[%dma_wait3A_225, %dma_wait3A_234, %dma_wait3A_235] : memref<10x40x128xf32, #tpu.memory_space<vmem>> -> memref<1x40x128xf32, #tpu.memory_space<vmem>>
    %dma_wait3A_237 = tpu.memref_squeeze %dma_wait3A_236 : memref<1x40x128xf32, #tpu.memory_space<vmem>> -> memref<40x128xf32, #tpu.memory_space<vmem>>
    tpu.wait_dma2 semaphore(%arg19 : memref<!tpu.dma_semaphore, #tpu.memory_space<semaphore_mem>>) src(%dma_wait3A_237 : memref<40x128xf32, #tpu.memory_space<vmem>>) dst(%dma_wait3A_233 : memref<40x128xf32, #tpu.memory_space<hbm>>)
    %dma_wait3A_238 = arith.constant 1 : i32
    %dma_wait3A_239 = arith.constant 0 : i32
    %dma_wait3A_240 = arith.constant 0 : i32
    %dma_wait3A_241 = tpu.memref_slice %arg8[%dma_wait3A_238, %dma_wait3A_239, %dma_wait3A_240] : memref<10x40x128xf32, #tpu.memory_space<vmem>> -> memref<1x40x128xf32, #tpu.memory_space<vmem>>
    %dma_wait3A_242 = tpu.memref_squeeze %dma_wait3A_241 : memref<1x40x128xf32, #tpu.memory_space<vmem>> -> memref<40x128xf32, #tpu.memory_space<vmem>>
    %dma_wait3A_243 = arith.constant 0 : i32
    %dma_wait3A_244 = tpu.memref_slice %arg5[%mul3A_2, %dma_wait3A_243] : memref<204800x128xf32, #tpu.memory_space<hbm>> -> memref<40x128xf32, #tpu.memory_space<hbm>>
    %dma_wait3A_245 = arith.constant 0 : i32
    %dma_wait3A_246 = tpu.memref_slice %arg5[%mul3A_2, %dma_wait3A_245] : memref<204800x128xf32, #tpu.memory_space<hbm>> -> memref<40x128xf32, #tpu.memory_space<hbm>>
    %dma_wait3A_247 = arith.constant 0 : i32
    %dma_wait3A_248 = arith.constant 0 : i32
    %dma_wait3A_249 = tpu.memref_slice %arg8[%dma_wait3A_238, %dma_wait3A_247, %dma_wait3A_248] : memref<10x40x128xf32, #tpu.memory_space<vmem>> -> memref<1x40x128xf32, #tpu.memory_space<vmem>>
    %dma_wait3A_250 = tpu.memref_squeeze %dma_wait3A_249 : memref<1x40x128xf32, #tpu.memory_space<vmem>> -> memref<40x128xf32, #tpu.memory_space<vmem>>
    tpu.wait_dma2 semaphore(%arg20 : memref<!tpu.dma_semaphore, #tpu.memory_space<semaphore_mem>>) src(%dma_wait3A_250 : memref<40x128xf32, #tpu.memory_space<vmem>>) dst(%dma_wait3A_246 : memref<40x128xf32, #tpu.memory_space<hbm>>)
    %dma_wait3A_251 = arith.constant 2 : i32
    %dma_wait3A_252 = arith.constant 0 : i32
    %dma_wait3A_253 = arith.constant 0 : i32
    %dma_wait3A_254 = tpu.memref_slice %arg8[%dma_wait3A_251, %dma_wait3A_252, %dma_wait3A_253] : memref<10x40x128xf32, #tpu.memory_space<vmem>> -> memref<1x40x128xf32, #tpu.memory_space<vmem>>
    %dma_wait3A_255 = tpu.memref_squeeze %dma_wait3A_254 : memref<1x40x128xf32, #tpu.memory_space<vmem>> -> memref<40x128xf32, #tpu.memory_space<vmem>>
    %dma_wait3A_256 = arith.constant 0 : i32
    %dma_wait3A_257 = tpu.memref_slice %arg5[%mul3A_2, %dma_wait3A_256] : memref<204800x128xf32, #tpu.memory_space<hbm>> -> memref<40x128xf32, #tpu.memory_space<hbm>>
    %dma_wait3A_258 = arith.constant 0 : i32
    %dma_wait3A_259 = tpu.memref_slice %arg5[%mul3A_2, %dma_wait3A_258] : memref<204800x128xf32, #tpu.memory_space<hbm>> -> memref<40x128xf32, #tpu.memory_space<hbm>>
    %dma_wait3A_260 = arith.constant 0 : i32
    %dma_wait3A_261 = arith.constant 0 : i32
    %dma_wait3A_262 = tpu.memref_slice %arg8[%dma_wait3A_251, %dma_wait3A_260, %dma_wait3A_261] : memref<10x40x128xf32, #tpu.memory_space<vmem>> -> memref<1x40x128xf32, #tpu.memory_space<vmem>>
    %dma_wait3A_263 = tpu.memref_squeeze %dma_wait3A_262 : memref<1x40x128xf32, #tpu.memory_space<vmem>> -> memref<40x128xf32, #tpu.memory_space<vmem>>
    tpu.wait_dma2 semaphore(%arg21 : memref<!tpu.dma_semaphore, #tpu.memory_space<semaphore_mem>>) src(%dma_wait3A_263 : memref<40x128xf32, #tpu.memory_space<vmem>>) dst(%dma_wait3A_259 : memref<40x128xf32, #tpu.memory_space<hbm>>)
    %dma_wait3A_264 = arith.constant 3 : i32
    %dma_wait3A_265 = arith.constant 0 : i32
    %dma_wait3A_266 = arith.constant 0 : i32
    %dma_wait3A_267 = tpu.memref_slice %arg8[%dma_wait3A_264, %dma_wait3A_265, %dma_wait3A_266] : memref<10x40x128xf32, #tpu.memory_space<vmem>> -> memref<1x40x128xf32, #tpu.memory_space<vmem>>
    %dma_wait3A_268 = tpu.memref_squeeze %dma_wait3A_267 : memref<1x40x128xf32, #tpu.memory_space<vmem>> -> memref<40x128xf32, #tpu.memory_space<vmem>>
    %dma_wait3A_269 = arith.constant 0 : i32
    %dma_wait3A_270 = tpu.memref_slice %arg5[%mul3A_2, %dma_wait3A_269] : memref<204800x128xf32, #tpu.memory_space<hbm>> -> memref<40x128xf32, #tpu.memory_space<hbm>>
    %dma_wait3A_271 = arith.constant 0 : i32
    %dma_wait3A_272 = tpu.memref_slice %arg5[%mul3A_2, %dma_wait3A_271] : memref<204800x128xf32, #tpu.memory_space<hbm>> -> memref<40x128xf32, #tpu.memory_space<hbm>>
    %dma_wait3A_273 = arith.constant 0 : i32
    %dma_wait3A_274 = arith.constant 0 : i32
    %dma_wait3A_275 = tpu.memref_slice %arg8[%dma_wait3A_264, %dma_wait3A_273, %dma_wait3A_274] : memref<10x40x128xf32, #tpu.memory_space<vmem>> -> memref<1x40x128xf32, #tpu.memory_space<vmem>>
    %dma_wait3A_276 = tpu.memref_squeeze %dma_wait3A_275 : memref<1x40x128xf32, #tpu.memory_space<vmem>> -> memref<40x128xf32, #tpu.memory_space<vmem>>
    tpu.wait_dma2 semaphore(%arg22 : memref<!tpu.dma_semaphore, #tpu.memory_space<semaphore_mem>>) src(%dma_wait3A_276 : memref<40x128xf32, #tpu.memory_space<vmem>>) dst(%dma_wait3A_272 : memref<40x128xf32, #tpu.memory_space<hbm>>)
    %dma_wait3A_277 = arith.constant 4 : i32
    %dma_wait3A_278 = arith.constant 0 : i32
    %dma_wait3A_279 = arith.constant 0 : i32
    %dma_wait3A_280 = tpu.memref_slice %arg8[%dma_wait3A_277, %dma_wait3A_278, %dma_wait3A_279] : memref<10x40x128xf32, #tpu.memory_space<vmem>> -> memref<1x40x128xf32, #tpu.memory_space<vmem>>
    %dma_wait3A_281 = tpu.memref_squeeze %dma_wait3A_280 : memref<1x40x128xf32, #tpu.memory_space<vmem>> -> memref<40x128xf32, #tpu.memory_space<vmem>>
    %dma_wait3A_282 = arith.constant 0 : i32
    %dma_wait3A_283 = tpu.memref_slice %arg5[%mul3A_2, %dma_wait3A_282] : memref<204800x128xf32, #tpu.memory_space<hbm>> -> memref<40x128xf32, #tpu.memory_space<hbm>>
    %dma_wait3A_284 = arith.constant 0 : i32
    %dma_wait3A_285 = tpu.memref_slice %arg5[%mul3A_2, %dma_wait3A_284] : memref<204800x128xf32, #tpu.memory_space<hbm>> -> memref<40x128xf32, #tpu.memory_space<hbm>>
    %dma_wait3A_286 = arith.constant 0 : i32
    %dma_wait3A_287 = arith.constant 0 : i32
    %dma_wait3A_288 = tpu.memref_slice %arg8[%dma_wait3A_277, %dma_wait3A_286, %dma_wait3A_287] : memref<10x40x128xf32, #tpu.memory_space<vmem>> -> memref<1x40x128xf32, #tpu.memory_space<vmem>>
    %dma_wait3A_289 = tpu.memref_squeeze %dma_wait3A_288 : memref<1x40x128xf32, #tpu.memory_space<vmem>> -> memref<40x128xf32, #tpu.memory_space<vmem>>
    tpu.wait_dma2 semaphore(%arg23 : memref<!tpu.dma_semaphore, #tpu.memory_space<semaphore_mem>>) src(%dma_wait3A_289 : memref<40x128xf32, #tpu.memory_space<vmem>>) dst(%dma_wait3A_285 : memref<40x128xf32, #tpu.memory_space<hbm>>)
    %dma_wait3A_290 = arith.constant 5 : i32
    %dma_wait3A_291 = arith.constant 0 : i32
    %dma_wait3A_292 = arith.constant 0 : i32
    %dma_wait3A_293 = tpu.memref_slice %arg8[%dma_wait3A_290, %dma_wait3A_291, %dma_wait3A_292] : memref<10x40x128xf32, #tpu.memory_space<vmem>> -> memref<1x40x128xf32, #tpu.memory_space<vmem>>
    %dma_wait3A_294 = tpu.memref_squeeze %dma_wait3A_293 : memref<1x40x128xf32, #tpu.memory_space<vmem>> -> memref<40x128xf32, #tpu.memory_space<vmem>>
    %dma_wait3A_295 = arith.constant 0 : i32
    %dma_wait3A_296 = tpu.memref_slice %arg5[%mul3A_2, %dma_wait3A_295] : memref<204800x128xf32, #tpu.memory_space<hbm>> -> memref<40x128xf32, #tpu.memory_space<hbm>>
    %dma_wait3A_297 = arith.constant 0 : i32
    %dma_wait3A_298 = tpu.memref_slice %arg5[%mul3A_2, %dma_wait3A_297] : memref<204800x128xf32, #tpu.memory_space<hbm>> -> memref<40x128xf32, #tpu.memory_space<hbm>>
    %dma_wait3A_299 = arith.constant 0 : i32
    %dma_wait3A_300 = arith.constant 0 : i32
    %dma_wait3A_301 = tpu.memref_slice %arg8[%dma_wait3A_290, %dma_wait3A_299, %dma_wait3A_300] : memref<10x40x128xf32, #tpu.memory_space<vmem>> -> memref<1x40x128xf32, #tpu.memory_space<vmem>>
    %dma_wait3A_302 = tpu.memref_squeeze %dma_wait3A_301 : memref<1x40x128xf32, #tpu.memory_space<vmem>> -> memref<40x128xf32, #tpu.memory_space<vmem>>
    tpu.wait_dma2 semaphore(%arg24 : memref<!tpu.dma_semaphore, #tpu.memory_space<semaphore_mem>>) src(%dma_wait3A_302 : memref<40x128xf32, #tpu.memory_space<vmem>>) dst(%dma_wait3A_298 : memref<40x128xf32, #tpu.memory_space<hbm>>)
    %dma_wait3A_303 = arith.constant 6 : i32
    %dma_wait3A_304 = arith.constant 0 : i32
    %dma_wait3A_305 = arith.constant 0 : i32
    %dma_wait3A_306 = tpu.memref_slice %arg8[%dma_wait3A_303, %dma_wait3A_304, %dma_wait3A_305] : memref<10x40x128xf32, #tpu.memory_space<vmem>> -> memref<1x40x128xf32, #tpu.memory_space<vmem>>
    %dma_wait3A_307 = tpu.memref_squeeze %dma_wait3A_306 : memref<1x40x128xf32, #tpu.memory_space<vmem>> -> memref<40x128xf32, #tpu.memory_space<vmem>>
    %dma_wait3A_308 = arith.constant 0 : i32
    %dma_wait3A_309 = tpu.memref_slice %arg5[%mul3A_2, %dma_wait3A_308] : memref<204800x128xf32, #tpu.memory_space<hbm>> -> memref<40x128xf32, #tpu.memory_space<hbm>>
    %dma_wait3A_310 = arith.constant 0 : i32
    %dma_wait3A_311 = tpu.memref_slice %arg5[%mul3A_2, %dma_wait3A_310] : memref<204800x128xf32, #tpu.memory_space<hbm>> -> memref<40x128xf32, #tpu.memory_space<hbm>>
    %dma_wait3A_312 = arith.constant 0 : i32
    %dma_wait3A_313 = arith.constant 0 : i32
    %dma_wait3A_314 = tpu.memref_slice %arg8[%dma_wait3A_303, %dma_wait3A_312, %dma_wait3A_313] : memref<10x40x128xf32, #tpu.memory_space<vmem>> -> memref<1x40x128xf32, #tpu.memory_space<vmem>>
    %dma_wait3A_315 = tpu.memref_squeeze %dma_wait3A_314 : memref<1x40x128xf32, #tpu.memory_space<vmem>> -> memref<40x128xf32, #tpu.memory_space<vmem>>
    tpu.wait_dma2 semaphore(%arg25 : memref<!tpu.dma_semaphore, #tpu.memory_space<semaphore_mem>>) src(%dma_wait3A_315 : memref<40x128xf32, #tpu.memory_space<vmem>>) dst(%dma_wait3A_311 : memref<40x128xf32, #tpu.memory_space<hbm>>)
    %dma_wait3A_316 = arith.constant 7 : i32
    %dma_wait3A_317 = arith.constant 0 : i32
    %dma_wait3A_318 = arith.constant 0 : i32
    %dma_wait3A_319 = tpu.memref_slice %arg8[%dma_wait3A_316, %dma_wait3A_317, %dma_wait3A_318] : memref<10x40x128xf32, #tpu.memory_space<vmem>> -> memref<1x40x128xf32, #tpu.memory_space<vmem>>
    %dma_wait3A_320 = tpu.memref_squeeze %dma_wait3A_319 : memref<1x40x128xf32, #tpu.memory_space<vmem>> -> memref<40x128xf32, #tpu.memory_space<vmem>>
    %dma_wait3A_321 = arith.constant 0 : i32
    %dma_wait3A_322 = tpu.memref_slice %arg5[%mul3A_2, %dma_wait3A_321] : memref<204800x128xf32, #tpu.memory_space<hbm>> -> memref<40x128xf32, #tpu.memory_space<hbm>>
    %dma_wait3A_323 = arith.constant 0 : i32
    %dma_wait3A_324 = tpu.memref_slice %arg5[%mul3A_2, %dma_wait3A_323] : memref<204800x128xf32, #tpu.memory_space<hbm>> -> memref<40x128xf32, #tpu.memory_space<hbm>>
    %dma_wait3A_325 = arith.constant 0 : i32
    %dma_wait3A_326 = arith.constant 0 : i32
    %dma_wait3A_327 = tpu.memref_slice %arg8[%dma_wait3A_316, %dma_wait3A_325, %dma_wait3A_326] : memref<10x40x128xf32, #tpu.memory_space<vmem>> -> memref<1x40x128xf32, #tpu.memory_space<vmem>>
    %dma_wait3A_328 = tpu.memref_squeeze %dma_wait3A_327 : memref<1x40x128xf32, #tpu.memory_space<vmem>> -> memref<40x128xf32, #tpu.memory_space<vmem>>
    tpu.wait_dma2 semaphore(%arg26 : memref<!tpu.dma_semaphore, #tpu.memory_space<semaphore_mem>>) src(%dma_wait3A_328 : memref<40x128xf32, #tpu.memory_space<vmem>>) dst(%dma_wait3A_324 : memref<40x128xf32, #tpu.memory_space<hbm>>)
    %dma_wait3A_329 = arith.constant 8 : i32
    %dma_wait3A_330 = arith.constant 0 : i32
    %dma_wait3A_331 = arith.constant 0 : i32
    %dma_wait3A_332 = tpu.memref_slice %arg8[%dma_wait3A_329, %dma_wait3A_330, %dma_wait3A_331] : memref<10x40x128xf32, #tpu.memory_space<vmem>> -> memref<1x40x128xf32, #tpu.memory_space<vmem>>
    %dma_wait3A_333 = tpu.memref_squeeze %dma_wait3A_332 : memref<1x40x128xf32, #tpu.memory_space<vmem>> -> memref<40x128xf32, #tpu.memory_space<vmem>>
    %dma_wait3A_334 = arith.constant 0 : i32
    %dma_wait3A_335 = tpu.memref_slice %arg5[%mul3A_2, %dma_wait3A_334] : memref<204800x128xf32, #tpu.memory_space<hbm>> -> memref<40x128xf32, #tpu.memory_space<hbm>>
    %dma_wait3A_336 = arith.constant 0 : i32
    %dma_wait3A_337 = tpu.memref_slice %arg5[%mul3A_2, %dma_wait3A_336] : memref<204800x128xf32, #tpu.memory_space<hbm>> -> memref<40x128xf32, #tpu.memory_space<hbm>>
    %dma_wait3A_338 = arith.constant 0 : i32
    %dma_wait3A_339 = arith.constant 0 : i32
    %dma_wait3A_340 = tpu.memref_slice %arg8[%dma_wait3A_329, %dma_wait3A_338, %dma_wait3A_339] : memref<10x40x128xf32, #tpu.memory_space<vmem>> -> memref<1x40x128xf32, #tpu.memory_space<vmem>>
    %dma_wait3A_341 = tpu.memref_squeeze %dma_wait3A_340 : memref<1x40x128xf32, #tpu.memory_space<vmem>> -> memref<40x128xf32, #tpu.memory_space<vmem>>
    tpu.wait_dma2 semaphore(%arg27 : memref<!tpu.dma_semaphore, #tpu.memory_space<semaphore_mem>>) src(%dma_wait3A_341 : memref<40x128xf32, #tpu.memory_space<vmem>>) dst(%dma_wait3A_337 : memref<40x128xf32, #tpu.memory_space<hbm>>)
    %dma_wait3A_342 = arith.constant 9 : i32
    %dma_wait3A_343 = arith.constant 0 : i32
    %dma_wait3A_344 = arith.constant 0 : i32
    %dma_wait3A_345 = tpu.memref_slice %arg8[%dma_wait3A_342, %dma_wait3A_343, %dma_wait3A_344] : memref<10x40x128xf32, #tpu.memory_space<vmem>> -> memref<1x40x128xf32, #tpu.memory_space<vmem>>
    %dma_wait3A_346 = tpu.memref_squeeze %dma_wait3A_345 : memref<1x40x128xf32, #tpu.memory_space<vmem>> -> memref<40x128xf32, #tpu.memory_space<vmem>>
    %dma_wait3A_347 = arith.constant 0 : i32
    %dma_wait3A_348 = tpu.memref_slice %arg5[%mul3A_2, %dma_wait3A_347] : memref<204800x128xf32, #tpu.memory_space<hbm>> -> memref<40x128xf32, #tpu.memory_space<hbm>>
    %dma_wait3A_349 = arith.constant 0 : i32
    %dma_wait3A_350 = tpu.memref_slice %arg5[%mul3A_2, %dma_wait3A_349] : memref<204800x128xf32, #tpu.memory_space<hbm>> -> memref<40x128xf32, #tpu.memory_space<hbm>>
    %dma_wait3A_351 = arith.constant 0 : i32
    %dma_wait3A_352 = arith.constant 0 : i32
    %dma_wait3A_353 = tpu.memref_slice %arg8[%dma_wait3A_342, %dma_wait3A_351, %dma_wait3A_352] : memref<10x40x128xf32, #tpu.memory_space<vmem>> -> memref<1x40x128xf32, #tpu.memory_space<vmem>>
    %dma_wait3A_354 = tpu.memref_squeeze %dma_wait3A_353 : memref<1x40x128xf32, #tpu.memory_space<vmem>> -> memref<40x128xf32, #tpu.memory_space<vmem>>
    tpu.wait_dma2 semaphore(%arg28 : memref<!tpu.dma_semaphore, #tpu.memory_space<semaphore_mem>>) src(%dma_wait3A_354 : memref<40x128xf32, #tpu.memory_space<vmem>>) dst(%dma_wait3A_350 : memref<40x128xf32, #tpu.memory_space<hbm>>)
    return
  }
}

</mosaic_0001>

<sc_bundles>
// kernel: kernel.3.cloned.1.call-start
scs
__scs_entry_jumppad:
0x0: {  	(pc) =	sbr.rel $0x88, $3  }
0x1: {  	(tag) =	ssettag $0x0;
	lr =	simm.s32 $0x1  }
0x2: {  	[smem:$0x3F9F] =	sst lr;
	_ =	strace $0xD0000000  }
0x3: {  	_ = 	snop  }
0x4: {  	_ = 	snop  }
0x5: {  	_ = 	snop  }
0x6: {  	_ = 	snop  }
0x7: {  	_ = 	snop  }
__scs_overlays_trampoline_lowered:
0x8: {  	[smem:$0x3FAE] =	sst s0  }
0x9: {  	[smem:$0x3FAF] =	sst s1  }
0xa: {  	[smem:$0x3FB0] =	sst s2  }
0xb: {  	[smem:$0x3FB1] =	sst s3  }
0xc: {  	[smem:$0x3FB2] =	sst s4  }
0xd: {  	[smem:$0x3FB3] =	sst s5  }
0xe: {  	[smem:$0x3FB4] =	sst s6  }
0xf: {  	[smem:$0x3FB5] =	sst s7  }
0x10: {  	[smem:$0x3FB6] =	sst s8  }
0x11: {  	[smem:$0x3FB7] =	sst s9;
	s0 =	simm.s32 @!p0 $0x0  }
0x12: {  	s1 =	sld [smem:$0x3F9D];
	s0 =	simm.s32 @p0 $0x1  }
0x13: {  	[smem:$0x3FB8] =	sst s0;
	s0 =	simm.s32 @!p1 $0x0  }
0x14: {  	s2 =	sld [smem:$0x3F9C];
	s0 =	simm.s32 @p1 $0x1  }
0x15: {  	[smem:$0x3FB9] =	sst s0;
	s0 =	simm.s32 @!p2 $0x0  }
0x16: {  	s3 =	sld [smem:$0x3FDB];
	s0 =	simm.s32 @p2 $0x1  }
0x17: {  	s4 =	simm.s32 $0x1BF5;
	[smem:$0x3FBB] =	sst s0  }
0x18: {  	s0 =	sld [smem:$0x3F9E];
	_ =	swait.ge [sflag:s4], $0x0  }
0x19: {  	s7 =	sld [smem:$0x3F9F]  }
0x1a: {  	s8 =	sadd.s32 $0xFFFFE003, lr  }
0x1b: {  	s9 =	sadd.s32 $0xFFFFFEF7, lr;
	s5 =	simm.s32 $0xFFFFFFFF;
	p2 =	slt.u32 s8, $0xFFFFF086  }
0x1c: {  	p1 =	slt.u32 s9, $0xF7A;
	s5 =	simm.s32 @!p2 $0x0  }
0x1d: {  	s5 =	simm.s32 @p1 $0x1;
	p0 =	seq.s32 s7, s2  }
0x1e: {  	s7 =	smul.u32 @!p0 $0xF7A, s2;
	p2 =	seq.s32 @!p0 s5, $0x0  }
0x1f: {  	s9 =	smul.u32 $0xF7A, s1;
	s8 =	simm.s32 @!p0 $0x1BF5;
	p2 =	por !p2, p0  }
0x20: {  	[sflag:s8] =	ssyncset.s32 @!p0 $0xFFFFF086;
	s6 =	sadd.s32 @!p0 s3, s7;
	s7 =	simm.s32 @!p0 $0x108  }
0x21: {  	s3 =	sadd.s32 s3, s9;
	s6 =	sadd.s32 @!p0 $0x88, s6;
	s7 =	simm.s32 @p2 $0x1082  }
0x22: {  	[simem:s7], [sflag:s8] =	dma.local @!p0 [hbm:s6], $0xF7A  }
0x23: {  	s9 =	sor.u32 $0xD0000000, s2;
	s6 =	simm.s32 $0x108;
	_ =	swait.ge @!p0 [sflag:s8], $0x0  }
0x24: {  	s3 =	sadd.s32 $0x88, s3;
	s6 =	simm.s32 @!p1 $0x1082;
	[sflag:s4] =	ssyncset.s32 $0xFFFFF086  }
0x25: {  	[simem:s6], [sflag:s4] =	dma.local [hbm:s3], $0xF7A  }
0x26: {  	[smem:$0x3F9F] =	sst s1;
	(tag) =	ssettag s2;
	_ =	strace s9  }
0x27: {  	s1 =	sld [smem:$0x3FAF]  }
0x28: {  	s2 =	sld [smem:$0x3FB0]  }
0x29: {  	s4 =	sld [smem:$0x3FB2]  }
0x2a: {  	p0 =	seq.s32 s5, $0x0;
	s5 =	sld [smem:$0x3FB3]  }
0x2b: {  	s6 =	sld [smem:$0x3FB4]  }
0x2c: {  	s7 =	sld [smem:$0x3FB5]  }
0x2d: {  	s3 =	simm.s32 $0x108;
	s8 =	sld [smem:$0x3FB6]  }
0x2e: {  	s3 =	simm.s32 @!p0 $0x1082;
	s9 =	sld [smem:$0x3FB7]  }
0x2f: {  	lr =	sadd.s32 s0, s3;
	s0 =	sld [smem:$0x3FAE]  }
0x30: {  	s3 =	sld [smem:$0x3FB1]  }
0x31: {  	[smem:$0x3FBA] =	sst s10  }
0x32: {  	s10 =	sld [smem:$0x3FB8];
	_ =	sdelay $0x3  }
0x33: {  	p0 =	seq.s32 s10, $0x1;
	s10 =	sld [smem:$0x3FBA];
	_ =	sdelay $0x3  }
0x34: {  	[smem:$0x3FBA] =	sst s10  }
0x35: {  	s10 =	sld [smem:$0x3FB9];
	_ =	sdelay $0x3  }
0x36: {  	p1 =	seq.s32 s10, $0x1;
	s10 =	sld [smem:$0x3FBA];
	_ =	sdelay $0x3  }
0x37: {  	[smem:$0x3FBA] =	sst s10  }
0x38: {  	s10 =	sld [smem:$0x3FBB]  }
0x39: {  	_ = 	snop;
	(pc) =	sbr.ind lr, $3  }
0x3a: {  	_ = 	snop  }
0x3b: {  	_ = 	snop  }
0x3c: {  	p2 =	seq.s32 s10, $0x1;
	s10 =	sld [smem:$0x3FBA]  }
0x3d: {  	_ =	shalt  }
0x3e: {  	_ =	shalt  }
0x3f: {  	_ =	shalt  }
0x40: {  	_ =	shalt  }
0x41: {  	_ =	shalt  }
0x42: {  	_ =	shalt  }
0x43: {  	_ =	shalt  }
0x44: {  	_ =	shalt  }
0x45: {  	_ =	shalt  }
0x46: {  	_ =	shalt  }
0x47: {  	_ =	shalt  }
0x48: {  	_ =	shalt  }
0x49: {  	_ =	shalt  }
0x4a: {  	_ =	shalt  }
0x4b: {  	_ =	shalt  }
0x4c: {  	_ =	shalt  }
0x4d: {  	_ =	shalt  }
0x4e: {  	_ =	shalt  }
0x4f: {  	_ =	shalt  }
0x50: {  	_ =	shalt  }
0x51: {  	_ =	shalt  }
0x52: {  	_ =	shalt  }
0x53: {  	_ =	shalt  }
0x54: {  	_ =	shalt  }
0x55: {  	_ =	shalt  }
0x56: {  	_ =	shalt  }
0x57: {  	_ =	shalt  }
0x58: {  	_ =	shalt  }
0x59: {  	_ =	shalt  }
0x5a: {  	_ =	shalt  }
0x5b: {  	_ =	shalt  }
0x5c: {  	_ =	shalt  }
0x5d: {  	_ =	shalt  }
0x5e: {  	_ =	shalt  }
0x5f: {  	_ =	shalt  }
0x60: {  	_ =	shalt  }
0x61: {  	_ =	shalt  }
0x62: {  	_ =	shalt  }
0x63: {  	_ =	shalt  }
0x64: {  	_ =	shalt  }
0x65: {  	_ =	shalt  }
0x66: {  	_ =	shalt  }
0x67: {  	_ =	shalt  }
0x68: {  	_ =	shalt  }
0x69: {  	_ =	shalt  }
0x6a: {  	_ =	shalt  }
0x6b: {  	_ =	shalt  }
0x6c: {  	_ =	shalt  }
0x6d: {  	_ =	shalt  }
0x6e: {  	_ =	shalt  }
0x6f: {  	_ =	shalt  }
0x70: {  	_ =	shalt  }
0x71: {  	_ =	shalt  }
0x72: {  	_ =	shalt  }
0x73: {  	_ =	shalt  }
0x74: {  	_ =	shalt  }
0x75: {  	_ =	shalt  }
0x76: {  	_ =	shalt  }
0x77: {  	_ =	shalt  }
0x78: {  	_ =	shalt  }
0x79: {  	_ =	shalt  }
0x7a: {  	_ =	shalt  }
0x7b: {  	_ =	shalt  }
0x7c: {  	_ =	shalt  }
0x7d: {  	_ =	shalt  }
0x7e: {  	_ =	shalt  }
0x7f: {  	_ =	shalt  }
0x80: {  	_ =	shalt  }
0x81: {  	_ =	shalt  }
0x82: {  	_ =	shalt  }
0x83: {  	_ =	shalt  }
0x84: {  	_ =	shalt  }
0x85: {  	_ =	shalt  }
0x86: {  	_ =	shalt  }
0x87: {  	_ =	shalt  }
.Lfunc_end0:
.L_simem_size_0:
called_computation_lowered:
.L_overlay_start_0:
0x88: {  	s2 =	sld [smem:$0x3FD9]  }
0x89: {  	s3 =	sld [smem:$0x3FFE];
	_ =	sdelay $0x1  }
0x8a: {  	s1 =	srdreg.scid  }
0x8b: {  	s0 =	sand.u32 $0x1, s1  }
0x8c: {  	s17 =	sshll.u32 s0, $0xA;
	s2 =	sadd.s32 s3, s2  }
0x8d: {  	s2 =	sadd.s32 s2, s17  }
0x8e: {  	[smem:$0x3FC6] =	sst s2  }
0x8f: {  	_ = 	snop  }
0x90: {  	s2 =	sld [smem:$0x3FC8]  }
0x91: {  	s18 =	sld [smem:$0x3FD0];
	(tm) =	ssettm $0x1  }
0x92: {  	s4 =	sld [smem:$0x3FFB];
	_ =	sdelay $0x3  }
0x93: {  	_ =	strace s4  }
0x94: {  	s4 =	sld [smem:$0x3FFC];
	_ =	sdelay $0x3  }
0x95: {  	_ =	strace s4  }
0x96: {  	s4 =	sld [smem:$0x3FFD];
	_ =	sdelay $0x3  }
0x97: {  	_ =	strace s4  }
0x98: {  	_ =	strace $0x8FFFFFFF  }
0x99: {  	s19 =	sld [smem:$0x3FDB];
	_ =	sdelay $0x1  }
0x9a: {  	s5 =	simm.s32 $_scs_section_size  }
0x9b: {  	s6 =	simm.s32 $_size__tile_overlayer_lowered;
	s7 =	simm.s32 $_tile_overlayer_lowered  }
0x9c: {  	s22 =	simm.s32 $0x1BFF;
	s21 =	sshll.u32 s7, $0x1;
	s4 =	sadd.s32 s5, s19  }
0x9d: {  	s8 =	simm.s32 $0x0;
	s20 =	sshll.u32 s6, $0x1;
	s6 =	sadd.s32 s21, s4  }
0x9e: {  	[timem:s8], [sflag:s22] =	dma.local [hbm:s6], s20  }
0x9f: {  	_ =	swait.ge [sflag:s22], s20  }
0xa0: {  	s5 =	ssub.s32 $0x0, s20;
	[sflag:s22] =	ssyncset.done $0x0  }
0xa1: {  	[sflag:s22] =	ssyncadd.s32 s5;
	_ =	sdelay $0x1  }
0xa2: {  	s23 =	simm.s32 $0x1B8B  }
0xa3: {  	_ =	swait.ge [sflag:s23], $0x1  }
0xa4: {  	[sflag:s23] =	ssyncset.done $0x0  }
0xa5: {  	s25 =	simm.s32 $0x1B8E;
	s24 =	sld [smem:$0x3FFE];
	[sflag:s23] =	ssyncadd.s32 $0xFFFFFFFF  }
0xa6: {  	s26 =	simm.s32 $execute0_lowered;
	[smem:$0x3FD2] =	sst s25  }
0xa7: {  	s6 =	sshll.u32 s26, $0x1;
	_ =	strace $0x80000046;
	[dreg:$0x1] =	wrdreg $0xFFFFFFFF  }
0xa8: {  	s28 =	simm.s32 $_size_execute0_lowered;
	s4 =	sadd.s32 s4, s6;
	[dreg:$0x0] =	wrdreg $0x0  }
0xa9: {  	s6 =	sshll.u32 s28, $0x1;
	[dreg:$0x2] =	wrdreg s4  }
0xaa: {  	[dreg:$0x3] =	wrdreg s6  }
0xab: {  	[dreg:$0x4] =	wrdreg $0xC0  }
0xac: {  	_ =	task [dreg:s8], $0x5FFFF  }
0xad: {  	[dreg:$0x1] =	wrdreg $0xFFFFFFFF  }
0xae: {  	[dreg:$0x0] =	wrdreg $0x60  }
0xaf: {  	[dreg:$0x2] =	wrdreg s24  }
0xb0: {  	[dreg:$0x3] =	wrdreg s2  }
0xb1: {  	[dreg:$0x4] =	wrdreg s18  }
0xb2: {  	[dreg:$0x5] =	wrdreg $0x19000  }
0xb3: {  	[dreg:$0x6] =	wrdreg $0x9  }
0xb4: {  	_ =	task.clear_ibuf [dreg:s8], $0x7FFFF;
	_ =	strace $0x90000046  }
0xb5: {  	s29 =	simm.s32 $0x9;
	_ =	strace $0x80000048  }
0xb6: {  	_ =	swait.ge [sflag:s29], $0x1  }
0xb7: {  	[sflag:s29] =	ssyncadd.s32 $0xFFFFFFFF  }
0xb8: {  	_ =	strace $0x90000048  }
0xb9: {  	_ =	sfence  }
0xba: {  	s30 =	sld [smem:$0x0];
	_ =	sdelay $0x2  }
0xbb: {  	s31 =	sshll.u32 s1, $0xD;
	s1 =	sshrl.u32 s1, $0x2  }
0xbc: {  	s3 =	sand.u32 $0x4000, s31;
	s1 =	sadd.s32 s1, s30  }
0xbd: {  	s0 =	sor.u32 s3, s0;
	s1 =	sshll.u32 s1, $0x11  }
0xbe: {  	s0 =	sor.u32 s1, s0  }
0xbf: {  	s0 =	sadd.s32 $0x8F2B, s0  }
0xc0: {  	[sflag:s0] =	ssyncadd.remote.s32 $0x1  }
0xc1: {  	_ =	sfence.sel $0xFFFF  }
0xc2: {  	[dreg:$0x0] =	wrdreg $0xFFFFFFFF;
	(pc) =	sbr.abs _section_cstart, $3  }
0xc3: {  	[dreg:$0x1] =	wrdreg $0xFFFFFFFF  }
0xc4: {  	_ =	task.clear_ibuf [dreg:s8], $0x2FFFF;
	_ =	strace $0x9FFFFFFF  }
0xc5: {  	(tm) =	ssettm $0x7FFFFFFF  }
tec
execute0_lowered:
.L_overlay_start_1:
0x0: {  	(tag) =	ssettag $0x1  }
0x1: {  	s0 =	rddreg [dreg:$0x0]  }
0x2: {  	s2 =	srdreg.scid;
	s5 =	rddreg [dreg:$0x2]  }
0x3: {  	s1 =	stileid.u32;
	s3 =	rddreg [dreg:$0x3]  }
0x4: {  	s17 =	simm.s32 $0x0;
	s2 =	sand.u32 $0x1, s2;
	s4 =	sshll.u32 s1, $0x1  }
0x5: {  	[smem:$0x7FF] =	sst s17;
	s7 =	sshll.u32 s1, $0x8;
	s9 =	sshll.u32 s1, $0xB  }
0x6: {  	s21 =	sshll.u32 s1, $0x6;
	s22 =	smul.u32 $0x32000, s1;
	s23 =	sadd.s32 $0x1400, s3  }
0x7: {  	s25 =	sadd.s32 $0x2800, s3;
	s26 =	sadd.s32 $0x3C00, s3;
	s29 =	sadd.s32 $0x5000, s3  }
0x8: {  	s6 =	sor.u32 s2, s4;
	_ =	strace $0x80000047;
	[dreg:$0xe] =	wrdreg s23  }
0x9: {  	s8 =	ssub.s32 $0x2, s2;
	[dreg:$0x5] =	wrdreg s25;
	s6 =	smul.u32 $0x1900, s6  }
0xa: {  	s20 =	sadd.s32 s9, s3;
	s24 =	smul.u32 $0x19000, s2;
	[dreg:$0x6] =	wrdreg s26  }
0xb: {  	[dreg:$0x7] =	wrdreg s29;
	s25 =	simm.s32 $0x1E;
	s6 =	sshrl.u32 s6, $0x3  }
0xc: {  	s18 =	sshrl.u32 s8, $0x1;
	s31 =	sshrl.u32 s20, $0x3;
	s6 =	sadd.s32 s6, s0  }
0xd: {  	[dreg:$0x11] =	wrdreg s31;
	s0 =	sadd.s32 s7, s0;
	s19 =	sadd.s32 $0x400, s6  }
0xe: {  	s28 =	sadd.s32 s22, s5;
	s0 =	sadd.s32 $0x6800, s0;
	[dreg:$0xb] =	wrdreg s19  }
0xf: {  	s7 =	ssub.s32 s8, s18;
	[dreg:$0xc] =	wrdreg s0;
	s0 =	sor.u32 $0x1C1F, s21  }
0x10: {  	s30 =	smax.u32 s7, $0x1;
	[dreg:$0xd] =	wrdreg s0;
	s0 =	sadd.s32 s24, s28  }
0x11: {  	s26 =	simm.s32 $0x6;
	[dreg:$0xf] =	wrdreg s30;
	s0 =	sadd.s32 $0x1680, s0  }
0x12: {  	s2 =	simm.s32 $0x0;
	s24 =	simm.s32 $0xD500;
	[dreg:$0x10] =	wrdreg s0  }
.LBB2_1:
0x13: {  	[dreg:$0x12] =	wrdreg s2  }
0x14: {  	s0 =	rddreg [dreg:$0xb]  }
0x15: {  	s17 =	rddreg [dreg:$0xc]  }
0x16: {  	s1 =	rddreg [dreg:$0xd]  }
0x17: {  	s4 =	simm.s32 $0x0;
	s18 =	rddreg [dreg:$0x11];
	s19 =	simm.s32 $0x1F  }
0x18: {  	[tilespmem:s4], [sflag:$0x15] =	stream.linear.gather [hbm4b:s0+s4], $0x1900, $0x38;
	[tilespmem:$0xE900] =	vst v63  }
0x19: {  	[spmem:s18], [sflag:s1] =	dma.local [hbm:s17], $0x100  }
0x1a: {  	_ =	swait.ge [sflag:s19], $0x100  }
0x1b: {  	[sflag:s19] =	ssyncset.done $0x0  }
0x1c: {  	s20 =	simm.s32 $0x15;
	[sflag:s19] =	ssyncadd.s32 $0xFFFFFF00  }
0x1d: {  	_ =	swait.ge [sflag:s20], $0x1900  }
0x1e: {  	[sflag:s20] =	ssyncset.done $0x0  }
0x1f: {  	[sflag:s20] =	ssyncadd.s32 $0xFFFFE700  }
0x20: {  	[bflag:$0x0] =	sbarrier.arrive $0xFFFF  }
0x21: {  	s9 =	simm.s32 $0x2100;
	s3 =	rddreg [dreg:$0x3]  }
0x22: {  	[tilespmem:s9], [sflag:$0x15] =	stream.linear.gather [spmem:s3], $0x1400, $0x38;
	[tilespmem:$0xE900] =	vst v63  }
0x23: {  	s12 =	simm.s32 $0x3500;
	s21 =	rddreg [dreg:$0xe]  }
0x24: {  	[tilespmem:s12], [sflag:$0x16] =	stream.linear.gather [spmem:s21], $0x1400, $0x38;
	[tilespmem:$0xE900] =	vst v63  }
0x25: {  	s13 =	simm.s32 $0x4900;
	s6 =	rddreg [dreg:$0x5]  }
0x26: {  	[tilespmem:s13], [sflag:$0x17] =	stream.linear.gather [spmem:s6], $0x1400, $0x38;
	[tilespmem:$0xE900] =	vst v63  }
0x27: {  	s14 =	simm.s32 $0x5D00;
	s8 =	rddreg [dreg:$0x6]  }
0x28: {  	[tilespmem:s14], [sflag:$0x18] =	stream.linear.gather [spmem:s8], $0x1400, $0x38;
	[tilespmem:$0xE900] =	vst v63  }
0x29: {  	s15 =	simm.s32 $0x7100;
	s10 =	rddreg [dreg:$0x7]  }
0x2a: {  	[tilespmem:s15], [sflag:$0x19] =	stream.linear.gather [spmem:s10], $0x1400, $0x38;
	[tilespmem:$0xE900] =	vst v63  }
0x2b: {  	s16 =	simm.s32 $0x8500  }
0x2c: {  	[tilespmem:s16], [sflag:$0x1A] =	stream.linear.gather [spmem:s3], $0x1400, $0x38;
	[tilespmem:$0xE900] =	vst v63  }
0x2d: {  	s17 =	simm.s32 $0x9900  }
0x2e: {  	[tilespmem:s17], [sflag:$0x1B] =	stream.linear.gather [spmem:s21], $0x1400, $0x38;
	[tilespmem:$0xE900] =	vst v63  }
0x2f: {  	_ =	swait.ge [sflag:s20], $0x1400  }
0x30: {  	[sflag:s20] =	ssyncset.done $0x0  }
0x31: {  	[sflag:s20] =	ssyncadd.s32 $0xFFFFEC00  }
0x32: {  	s22 =	simm.s32 $0x16;
	s18 =	simm.s32 $0x28;
	s1 =	rddreg [dreg:$0x1]  }
0x33: {  	[tilespmem:s9], [sflag:$0x1] =	stream.indirect.gather.add.f32 [hbm:s1], $0x80, s4, s18, $0xb8;
	[tilespmem:$0xE900] =	vst v63  }
0x34: {  	_ =	swait.ge [sflag:s22], $0x1400  }
0x35: {  	[sflag:s22] =	ssyncset.done $0x0  }
0x36: {  	s23 =	simm.s32 $0x17;
	[sflag:s22] =	ssyncadd.s32 $0xFFFFEC00  }
0x37: {  	[tilespmem:s12], [sflag:$0x2] =	stream.indirect.gather.add.f32 [hbm:s1], $0x80, s18, s18, $0xb8;
	[tilespmem:$0xE900] =	vst v63  }
0x38: {  	_ =	swait.ge [sflag:s23], $0x1400  }
0x39: {  	[sflag:s23] =	ssyncset.done $0x0  }
0x3a: {  	s2 =	simm.s32 $0x50;
	s5 =	simm.s32 $0x18;
	[sflag:s23] =	ssyncadd.s32 $0xFFFFEC00  }
0x3b: {  	[tilespmem:s13], [sflag:$0x3] =	stream.indirect.gather.add.f32 [hbm:s1], $0x80, s2, s18, $0xb8;
	[tilespmem:$0xE900] =	vst v63  }
0x3c: {  	s7 =	simm.s32 $0x78;
	p0 =	por $0x1, $0x1;
	_ =	swait.ge [sflag:s5], $0x1400  }
0x3d: {  	s31 =	simm.s32 $0x640;
	s29 =	simm.s32 $0xC80;
	[sflag:s5] =	ssyncset.done $0x0  }
0x3e: {  	p1 =	por $0x0, $0x0;
	s0 =	simm.s32 @!p0 $0x12;
	[sflag:s5] =	ssyncadd.s32 $0xFFFFEC00  }
0x3f: {  	[tilespmem:s14], [sflag:$0x4] =	stream.indirect.gather.add.f32 [hbm:s1], $0x80, s7, s18, $0xb8;
	[tilespmem:$0xE900] =	vst v63  }
0x40: {  	s11 =	simm.s32 $0x19;
	s28 =	simm.s32 @!p1 $0x1B8;
	_ =	swait.ge @!p0 [sflag:s0], $0x1400  }
0x41: {  	s19 =	simm.s32 $0xAD00;
	s20 =	simm.s32 $0xA0;
	[sflag:s0] =	ssyncset.done @!p0 $0x0  }
0x42: {  	s23 =	simm.s32 $0x0;
	s2 =	simm.s32 @!p1 $0x190;
	[sflag:s0] =	ssyncadd.s32 @!p0 $0xFFFFEC00  }
0x43: {  	[tilespmem:s19], [sflag:$0x1C] =	stream.linear.gather [spmem:s6], $0x1400, $0x38;
	[tilespmem:$0xE900] =	vst v63  }
0x44: {  	s5 =	simm.s32 @!p1 $0x1B8;
	s7 =	simm.s32 $0x1;
	_ =	swait.ge [sflag:s11], $0x1400  }
0x45: {  	s0 =	sand.u32 @!p1 $0xFFF8, s2;
	s2 =	sand.u32 @!p1 $0xFFF8, s5;
	[sflag:s11] =	ssyncset.done $0x0  }
0x46: {  	s5 =	simm.s32 @!p1 $0x280;
	s0 =	sshrl.u32 @!p1 s0, $0x3;
	[sflag:s11] =	ssyncadd.s32 $0xFFFFEC00  }
0x47: {  	[tilespmem:s15], [sflag:$0x5] =	stream.indirect.gather.add.f32 [hbm:s1], $0x80, s20, s18, $0xb8;
	[tilespmem:$0xE900] =	vst v63  }
0x48: {  	s5 =	sand.u32 @!p1 $0xFFF8, s5;
	s2 =	sshrl.u32 @!p1 s2, $0x3;
	_ =	swait.ge [sflag:s7], $0x1400  }
0x49: {  	s0 =	smul.u32 @!p1 $0x147B, s0;
	[sflag:s7] =	ssyncset.done $0x0;
	s22 =	rddreg [dreg:$0x10]  }
0x4a: {  	s21 =	sadd.s32 $0xFFFFE980, s22;
	[sflag:s7] =	ssyncadd.s32 $0xFFFFEC00;
	s7 =	simm.s32 @!p0 $0x13  }
0x4b: {  	[hbm4b:s21+s4] =	stream.linear.scatter [tilespmem:s9], [sflag:$0xB], $0x1400, $0x38;
	[tilespmem:$0xE900] =	vst v63  }
0x4c: {  	s6 =	simm.s32 @!p1 $0x230;
	s2 =	smul.u32 @!p1 $0x147B, s2;
	_ =	swait.ge @!p0 [sflag:s7], $0x1400  }
0x4d: {  	s5 =	sshrl.u32 @!p1 s5, $0x3;
	s6 =	sand.u32 @!p1 $0xFFF8, s6;
	[sflag:s7] =	ssyncset.done @!p0 $0x0  }
0x4e: {  	s5 =	smul.u32 @!p1 $0x147B, s5;
	s21 =	simm.s32 $0xC100;
	[sflag:s7] =	ssyncadd.s32 @!p0 $0xFFFFEC00  }
0x4f: {  	[tilespmem:s21], [sflag:$0x1D] =	stream.linear.gather [spmem:s8], $0x1400, $0x38;
	[tilespmem:$0xE900] =	vst v63  }
0x50: {  	s2 =	sshrl.u32 @!p1 s2, $0x11;
	s5 =	sshrl.u32 @!p1 s5, $0x11;
	s8 =	simm.s32 $0x1A  }
0x51: {  	s0 =	sshrl.u32 @!p1 s0, $0x11;
	s5 =	smul.u32 @!p1 $0xC8, s5;
	_ =	swait.ge [sflag:s8], $0x1400  }
0x52: {  	s11 =	simm.s32 @!p1 $0x190;
	s2 =	smul.u32 @!p1 $0xC8, s2;
	[sflag:s8] =	ssyncset.done $0x0  }
0x53: {  	s20 =	simm.s32 $0xC8;
	s5 =	ssub.s32 @!p1 $0x280, s5;
	[sflag:s8] =	ssyncadd.s32 $0xFFFFEC00  }
0x54: {  	[tilespmem:s16], [sflag:$0x6] =	stream.indirect.gather.add.f32 [hbm:s1], $0x80, s20, s18, $0xb8;
	[tilespmem:$0xE900] =	vst v63  }
0x55: {  	s9 =	simm.s32 @!p0 $0x14;
	s7 =	smul.u32 @!p1 $0xC8, s0;
	s16 =	simm.s32 $0x2  }
0x56: {  	s0 =	sshrl.u32 @!p1 s6, $0x3;
	s6 =	simm.s32 @!p1 $0x1E0;
	_ =	swait.ge [sflag:s16], $0x1400  }
0x57: {  	s6 =	sand.u32 @!p1 $0xFFF8, s6;
	s0 =	smul.u32 @!p1 $0x147B, s0;
	[sflag:s16] =	ssyncset.done $0x0  }
0x58: {  	s7 =	ssub.s32 @!p1 $0x190, s7;
	s20 =	sadd.s32 $0xFFFFEC00, s22;
	[sflag:s16] =	ssyncadd.s32 $0xFFFFEC00  }
0x59: {  	[hbm4b:s20+s4] =	stream.linear.scatter [tilespmem:s12], [sflag:$0xC], $0x1400, $0x38;
	[tilespmem:$0xE900] =	vst v63  }
0x5a: {  	s6 =	sshrl.u32 @!p1 s6, $0x3;
	s7 =	sand.u32 @!p1 $0xFFFF, s7;
	_ =	swait.ge @!p0 [sflag:s9], $0x1400  }
0x5b: {  	s6 =	smul.u32 @!p1 $0x147B, s6;
	s7 =	sshll.u32 @!p1 s7, $0x7;
	[sflag:s9] =	ssyncset.done @!p0 $0x0  }
0x5c: {  	s8 =	simm.s32 @!p1 $0x208;
	s12 =	simm.s32 $0x1B;
	[sflag:s9] =	ssyncadd.s32 @!p0 $0xFFFFEC00  }
0x5d: {  	[tilespmem:s24], [sflag:$0x1E] =	stream.linear.gather [spmem:s10], $0x1400, $0x38;
	[tilespmem:$0xE900] =	vst v63  }
0x5e: {  	s6 =	sshrl.u32 @!p1 s6, $0x11;
	s8 =	sand.u32 @!p1 $0xFFF8, s8;
	_ =	swait.ge [sflag:s12], $0x1400  }
0x5f: {  	s6 =	smul.u32 @!p1 $0xC8, s6;
	s8 =	sshrl.u32 @!p1 s8, $0x3;
	[sflag:s12] =	ssyncset.done $0x0  }
0x60: {  	s16 =	simm.s32 $0xF0;
	s20 =	simm.s32 $0x3;
	[sflag:s12] =	ssyncadd.s32 $0xFFFFEC00  }
0x61: {  	[tilespmem:s17], [sflag:$0x7] =	stream.indirect.gather.add.f32 [hbm:s1], $0x80, s16, s18, $0xb8;
	[tilespmem:$0xE900] =	vst v63  }
0x62: {  	s8 =	smul.u32 @!p1 $0x147B, s8;
	s6 =	ssub.s32 @!p1 $0x1E0, s6;
	_ =	swait.ge [sflag:s20], $0x1400  }
0x63: {  	s6 =	sand.u32 @!p1 $0xFFFF, s6;
	p0 =	por p1, p1;
	[sflag:s20] =	ssyncset.done $0x0  }
0x64: {  	s24 =	sadd.s32 $0xFFFFEE80, s22;
	s10 =	simm.s32 @!p0 $0xB;
	[sflag:s20] =	ssyncadd.s32 $0xFFFFEC00  }
0x65: {  	[hbm4b:s24+s4] =	stream.linear.scatter [tilespmem:s13], [sflag:$0xD], $0x1400, $0x38;
	[tilespmem:$0xE900] =	vst v63  }
0x66: {  	s9 =	sand.u32 @!p1 $0xFFFF, s5;
	s5 =	sshll.u32 @!p1 s6, $0x7;
	_ =	swait.ge @!p0 [sflag:s10], $0x1400  }
0x67: {  	s6 =	sshrl.u32 @!p1 s8, $0x11;
	s8 =	sadd.s32 @!p0 s7, s3;
	[sflag:s10] =	ssyncset.done @!p0 $0x0  }
0x68: {  	s7 =	simm.s32 @!p0 $0x2100;
	[sflag:s10] =	ssyncadd.s32 @!p0 $0xFFFFEC00;
	s10 =	simm.s32 $0x1C  }
0x69: {  	[tilespmem:s7], [sflag:$0x15] =	stream.linear.gather @!p0 [spmem:s8], $0x1400, $0x38;
	[tilespmem:$0xE900] =	vst v63  }
0x6a: {  	s2 =	ssub.s32 @!p1 $0x1B8, s2;
	s0 =	sshrl.u32 @!p1 s0, $0x11;
	_ =	swait.ge [sflag:s10], $0x1400  }
0x6b: {  	s2 =	sand.u32 @!p1 $0xFFFF, s2;
	s0 =	smul.u32 @!p1 $0xC8, s0;
	[sflag:s10] =	ssyncset.done $0x0  }
0x6c: {  	s12 =	simm.s32 $0x118;
	s13 =	simm.s32 $0x4;
	[sflag:s10] =	ssyncadd.s32 $0xFFFFEC00  }
0x6d: {  	[tilespmem:s19], [sflag:$0x8] =	stream.indirect.gather.add.f32 [hbm:s1], $0x80, s12, s18, $0xb8;
	[tilespmem:$0xE900] =	vst v63  }
0x6e: {  	s2 =	sshll.u32 @!p1 s2, $0x7;
	s0 =	ssub.s32 @!p1 $0x230, s0;
	_ =	swait.ge [sflag:s13], $0x1400  }
0x6f: {  	s16 =	sadd.s32 $0xFFFFF100, s22;
	s10 =	simm.s32 @!p1 $0x1E0;
	[sflag:s13] =	ssyncset.done $0x0  }
0x70: {  	s12 =	simm.s32 @!p0 $0xC;
	[dreg:$0x9] =	wrdreg s10;
	[sflag:s13] =	ssyncadd.s32 $0xFFFFEC00  }
0x71: {  	[hbm4b:s16+s4] =	stream.linear.scatter [tilespmem:s14], [sflag:$0xE], $0x1400, $0x38;
	[tilespmem:$0xE900] =	vst v63  }
0x72: {  	s6 =	smul.u32 @!p1 $0xC8, s6;
	s8 =	simm.s32 @!p1 $0x258;
	_ =	swait.ge @!p0 [sflag:s12], $0x1400  }
0x73: {  	s2 =	sadd.s32 @!p0 s2, s3;
	s8 =	sand.u32 @!p1 $0xFFF8, s8;
	[sflag:s12] =	ssyncset.done @!p0 $0x0  }
0x74: {  	s14 =	ssub.s32 @!p1 $0x208, s6;
	s6 =	simm.s32 @!p0 $0x3500;
	[sflag:s12] =	ssyncadd.s32 @!p0 $0xFFFFEC00  }
0x75: {  	[tilespmem:s6], [sflag:$0x16] =	stream.linear.gather @!p0 [spmem:s2], $0x1400, $0x38;
	[tilespmem:$0xE900] =	vst v63  }
0x76: {  	s0 =	sand.u32 @!p1 $0xFFFF, s0;
	s8 =	sshrl.u32 @!p1 s8, $0x3;
	s2 =	simm.s32 @!p1 $0x208  }
0x77: {  	s17 =	simm.s32 $0x1D;
	s8 =	smul.u32 @!p1 $0x147B, s8;
	[dreg:$0x8] =	wrdreg s2  }
0x78: {  	s0 =	sshll.u32 @!p1 s0, $0x7;
	s20 =	simm.s32 $0x5;
	_ =	swait.ge [sflag:s17], $0x1400  }
0x79: {  	s24 =	sshll.u32 @!p1 s9, $0x7;
	s8 =	sshrl.u32 @!p1 s8, $0x11;
	[sflag:s17] =	ssyncset.done $0x0  }
0x7a: {  	s19 =	simm.s32 $0x140;
	s2 =	smul.u32 @!p1 $0xC8, s8;
	[sflag:s17] =	ssyncadd.s32 $0xFFFFEC00  }
0x7b: {  	[tilespmem:s21], [sflag:$0x9] =	stream.indirect.gather.add.f32 [hbm:s1], $0x80, s19, s18, $0xb8;
	[tilespmem:$0xE900] =	vst v63  }
0x7c: {  	s30 =	sand.u32 @!p1 $0xFFFF, s14;
	s2 =	ssub.s32 @!p0 $0x258, s2;
	_ =	swait.ge [sflag:s20], $0x1400  }
0x7d: {  	s12 =	simm.s32 @!p0 $0xD;
	s2 =	sand.u32 @!p0 $0xFFFF, s2;
	[sflag:s20] =	ssyncset.done $0x0  }
0x7e: {  	s17 =	sadd.s32 $0x1900, s22;
	s21 =	sadd.s32 $0xFFFFF380, s22;
	[sflag:s20] =	ssyncadd.s32 $0xFFFFEC00  }
0x7f: {  	[hbm4b:s21+s4] =	stream.linear.scatter [tilespmem:s15], [sflag:$0xF], $0x1400, $0x38;
	[tilespmem:$0xE900] =	vst v63  }
0x80: {  	s8 =	sshll.u32 @!p0 s2, $0x7;
	s2 =	sadd.s32 @!p1 s0, s3;
	_ =	swait.ge @!p0 [sflag:s12], $0x1400  }
0x81: {  	s18 =	simm.s32 $0x190;
	s0 =	sadd.s32 @!p0 s5, s3;
	[sflag:s12] =	ssyncset.done @!p0 $0x0  }
0x82: {  	s5 =	simm.s32 @!p0 $0x4900;
	s15 =	sadd.s32 @!p0 s8, s3;
	[sflag:s12] =	ssyncadd.s32 @!p0 $0xFFFFEC00  }
.LBB2_2:
0x83: {  	[tilespmem:s5], [sflag:$0x17] =	stream.linear.gather @!p0 [spmem:s0], $0x1400, $0x38;
	[tilespmem:$0xE900] =	vst v63  }
0x84: {  	_ =	swait.ge [sflag:s25], $0x1400  }
0x85: {  	s21 =	smov.u32 s29;
	[sflag:s25] =	ssyncset.done $0x0  }
0x86: {  	s8 =	sadd.s32 $0x168, s23;
	[dreg:$0xa] =	wrdreg s21;
	[sflag:s25] =	ssyncadd.s32 $0xFFFFEC00  }
0x87: {  	s1 =	simm.s32 $0xD500;
	s25 =	simm.s32 $0x28;
	s21 =	rddreg [dreg:$0x1]  }
0x88: {  	[tilespmem:s1], [sflag:$0xA] =	stream.indirect.gather.add.f32 [hbm:s21], $0x80, s8, s25, $0xb8;
	[tilespmem:$0xE900] =	vst v63  }
0x89: {  	_ =	swait.ge [sflag:s26], $0x1400  }
0x8a: {  	s12 =	simm.s32 @p0 $0x7;
	s3 =	simm.s32 $0x0;
	[sflag:s26] =	ssyncset.done $0x0  }
0x8b: {  	s4 =	simm.s32 $0x8500;
	s1 =	sadd.s32 $0xFFFFF600, s22;
	[sflag:s26] =	ssyncadd.s32 $0xFFFFEC00  }
0x8c: {  	[hbm4b:s1+s3] =	stream.linear.scatter [tilespmem:s4], [sflag:$0x10], $0x1400, $0x38;
	[tilespmem:$0xE900] =	vst v63  }
0x8d: {  	s14 =	simm.s32 @p0 $0x9900;
	s0 =	simm.s32 @!p0 $0x5D00;
	_ =	swait.ge @p0 [sflag:s12], $0x1400  }
0x8e: {  	s16 =	simm.s32 @!p0 $0x16;
	s8 =	simm.s32 @!p0 $0xE;
	[sflag:s12] =	ssyncset.done @p0 $0x0  }
0x8f: {  	s25 =	simm.s32 @p0 $0x0;
	[sflag:s12] =	ssyncadd.s32 @p0 $0xFFFFEC00;
	s12 =	sadd.s32 @p0 $0xFFFFF880, s22  }
0x90: {  	[hbm4b:s12+s25] =	stream.linear.scatter @p0 [tilespmem:s14], [sflag:$0x11], $0x1400, $0x38;
	[tilespmem:$0xE900] =	vst v63  }
0x91: {  	s23 =	sshra.s32 s31, $0x2;
	s4 =	smov.u32 s15;
	_ =	swait.ge @!p0 [sflag:s8], $0x1400  }
0x92: {  	s15 =	sshll.u32 @!p0 s30, $0x7;
	s19 =	rddreg [dreg:$0x3];
	[sflag:s8] =	ssyncset.done @!p0 $0x0  }
0x93: {  	s12 =	sadd.s32 @!p0 s15, s19;
	[sflag:s8] =	ssyncadd.s32 @!p0 $0xFFFFEC00;
	s8 =	simm.s32 @!p0 $0x15  }
0x94: {  	[tilespmem:s0], [sflag:$0x18] =	stream.linear.gather @!p0 [spmem:s12], $0x1400, $0x38;
	[tilespmem:$0xE900] =	vst v63  }
0x95: {  	s13 =	simm.s32 @!p0 $0xF;
	p2 =	seq.s32 s31, $0x5DC0;
	_ =	swait.ge @!p0 [sflag:s8], $0x1400  }
0x96: {  	s20 =	smov.u32 s31;
	s31 =	simm.s32 $0x8;
	[sflag:s8] =	ssyncset.done @!p0 $0x0  }
0x97: {  	s12 =	simm.s32 @!p0 $0x28;
	[sflag:s8] =	ssyncadd.s32 @!p0 $0xFFFFEC00;
	s8 =	simm.s32 @!p0 $0x7  }
0x98: {  	[tilespmem:s7], [sflag:$0x1] =	stream.indirect.gather.add.f32 @!p0 [hbm:s21], $0x80, s11, s12, $0xb8;
	[tilespmem:$0xE900] =	vst v63  }
0x99: {  	p3 =	seq.s32 s20, $0x0;
	s26 =	simm.s32 @!p0 $0x9;
	_ =	swait.ge @!p0 [sflag:s8], $0x1400  }
0x9a: {  	s3 =	simm.s32 @p0 $0xC100;
	s19 =	simm.s32 @!p0 $0x0;
	[sflag:s8] =	ssyncset.done @!p0 $0x0  }
0x9b: {  	s0 =	simm.s32 @!p0 $0x9900;
	[sflag:s8] =	ssyncadd.s32 @!p0 $0xFFFFEC00;
	s8 =	sadd.s32 @!p0 $0xFFFFF880, s22  }
0x9c: {  	[hbm4b:s8+s19] =	stream.linear.scatter @!p0 [tilespmem:s0], [sflag:$0x11], $0x1400, $0x38;
	[tilespmem:$0xE900] =	vst v63  }
0x9d: {  	s1 =	simm.s32 @!p0 $0x17;
	s30 =	simm.s32 $0x0;
	_ =	swait.ge @!p0 [sflag:s13], $0x1400  }
0x9e: {  	s14 =	simm.s32 @!p0 $0x8500;
	s15 =	simm.s32 @!p0 $0x11;
	[sflag:s13] =	ssyncset.done @!p0 $0x0  }
0x9f: {  	s0 =	sadd.s32 @!p2 $0x190, s18;
	[sflag:s13] =	ssyncadd.s32 @!p0 $0xFFFFEC00;
	s13 =	simm.s32 @!p0 $0x7100  }
0xa0: {  	[tilespmem:s13], [sflag:$0x19] =	stream.linear.gather @!p0 [spmem:s2], $0x1400, $0x38;
	[tilespmem:$0xE900] =	vst v63  }
0xa1: {  	s11 =	sadd.s32 $0xFFFFFB00, s22;
	s9 =	sand.u32 @!p2 $0xFFF8, s0;
	_ =	swait.ge @!p0 [sflag:s16], $0x1400  }
0xa2: {  	s7 =	smov.u32 s24;
	s9 =	sshrl.u32 @!p2 s9, $0x3;
	[sflag:s16] =	ssyncset.done @!p0 $0x0  }
0xa3: {  	s24 =	simm.s32 @p0 $0x9;
	s9 =	smul.u32 @!p2 $0x147B, s9;
	[sflag:s16] =	ssyncadd.s32 @!p0 $0xFFFFEC00  }
0xa4: {  	[tilespmem:s6], [sflag:$0x2] =	stream.indirect.gather.add.f32 @!p0 [hbm:s21], $0x80, s28, s12, $0xb8;
	[tilespmem:$0xE900] =	vst v63  }
0xa5: {  	s8 =	sadd.s32 @!p0 $0xFFFFFD80, s22;
	s13 =	sadd.s32 @p0 $0xFFFFFD80, s22;
	_ =	swait.ge [sflag:s31], $0x1400  }
0xa6: {  	s2 =	sadd.s32 @!p2 $0x230, s18;
	s9 =	sshrl.u32 @!p2 s9, $0x11;
	[sflag:s31] =	ssyncset.done $0x0  }
0xa7: {  	s6 =	sadd.s32 @!p2 $0x1B8, s18;
	[sflag:s31] =	ssyncadd.s32 $0xFFFFEC00;
	s31 =	simm.s32 $0xAD00  }
0xa8: {  	[hbm4b:s11+s30] =	stream.linear.scatter [tilespmem:s31], [sflag:$0x12], $0x1400, $0x38;
	[tilespmem:$0xE900] =	vst v63  }
0xa9: {  	s28 =	sadd.s32 @!p2 $0x280, s18;
	s10 =	sand.u32 @!p2 $0xFFF8, s6;
	_ =	swait.ge @p0 [sflag:s24], $0x1400  }
0xaa: {  	s10 =	sshrl.u32 @!p2 s10, $0x3;
	s11 =	sand.u32 @!p2 $0xFFF8, s28;
	[sflag:s24] =	ssyncset.done @p0 $0x0  }
0xab: {  	s10 =	smul.u32 @!p2 $0x147B, s10;
	s11 =	sshrl.u32 @!p2 s11, $0x3;
	[sflag:s24] =	ssyncadd.s32 @p0 $0xFFFFEC00  }
0xac: {  	[hbm4b:s13+s25] =	stream.linear.scatter @p0 [tilespmem:s3], [sflag:$0x13], $0x1400, $0x38;
	[tilespmem:$0xE900] =	vst v63  }
0xad: {  	s16 =	simm.s32 @!p0 $0x10;
	s3 =	sshrl.u32 @!p2 s10, $0x11;
	s10 =	smul.u32 @!p2 $0x147B, s11  }
0xae: {  	s25 =	sshra.s32 @!p2 s20, $0x2;
	s13 =	sand.u32 @!p2 $0xFFF8, s2;
	_ =	swait.ge @!p0 [sflag:s16], $0x1400  }
0xaf: {  	s20 =	sadd.s32 $0xFFFFE980, s17;
	s31 =	sshrl.u32 @!p2 s13, $0x3;
	[sflag:s16] =	ssyncset.done @!p0 $0x0  }
0xb0: {  	s13 =	sadd.s32 @!p2 $0x1E0, s18;
	s10 =	sshrl.u32 @!p2 s10, $0x11;
	[sflag:s16] =	ssyncadd.s32 @!p0 $0xFFFFEC00  }
0xb1: {  	[tilespmem:s14], [sflag:$0x1A] =	stream.linear.gather @!p0 [spmem:s4], $0x1400, $0x38;
	[tilespmem:$0xE900] =	vst v63  }
0xb2: {  	s16 =	simm.s32 $0xAD00;
	s4 =	smul.u32 @!p2 $0xC8, s9;
	_ =	swait.ge @!p0 [sflag:s1], $0x1400  }
0xb3: {  	s9 =	simm.s32 @!p0 $0x18;
	s14 =	simm.s32 $0xD500;
	[sflag:s1] =	ssyncset.done @!p0 $0x0  }
0xb4: {  	s0 =	ssub.s32 @!p2 s0, s4;
	[sflag:s1] =	ssyncadd.s32 @!p0 $0xFFFFEC00;
	s1 =	rddreg [dreg:$0x9]  }
0xb5: {  	[tilespmem:s5], [sflag:$0x3] =	stream.indirect.gather.add.f32 @!p0 [hbm:s21], $0x80, s1, s12, $0xb8;
	[tilespmem:$0xE900] =	vst v63  }
0xb6: {  	s4 =	simm.s32 @!p0 $0xC100;
	s1 =	smul.u32 @!p2 $0xC8, s3;
	_ =	swait.ge @!p0 [sflag:s26], $0x1400  }
0xb7: {  	s0 =	sand.u32 @!p2 $0xFFFF, s0;
	s3 =	sand.u32 @!p2 $0xFFF8, s13;
	[sflag:s26] =	ssyncset.done @!p0 $0x0  }
0xb8: {  	s3 =	sshrl.u32 @!p2 s3, $0x3;
	s1 =	ssub.s32 @!p2 s6, s1;
	[sflag:s26] =	ssyncadd.s32 @!p0 $0xFFFFEC00  }
0xb9: {  	[hbm4b:s8+s19] =	stream.linear.scatter @!p0 [tilespmem:s4], [sflag:$0x13], $0x1400, $0x38;
	[tilespmem:$0xE900] =	vst v63  }
0xba: {  	s1 =	sand.u32 @!p2 $0xFFFF, s1;
	s4 =	smul.u32 @!p2 $0xC8, s10;
	s10 =	sshll.u32 @!p2 s0, $0x7  }
0xbb: {  	s6 =	sshll.u32 @!p2 s1, $0x7;
	s1 =	smul.u32 @!p2 $0x147B, s3;
	_ =	swait.ge @!p0 [sflag:s15], $0x1400  }
0xbc: {  	s3 =	simm.s32 @!p0 $0x9900;
	[sflag:s15] =	ssyncset.done @!p0 $0x0;
	s4 =	ssub.s32 @!p2 s28, s4  }
0xbd: {  	s19 =	rddreg [dreg:$0x3];
	[sflag:s15] =	ssyncadd.s32 @!p0 $0xFFFFEC00;
	s4 =	sand.u32 @!p2 $0xFFFF, s4  }
0xbe: {  	s15 =	simm.s32 $0x1;
	s0 =	sadd.s32 @!p0 s7, s19;
	s7 =	simm.s32 @!p0 $0x5D00  }
0xbf: {  	[tilespmem:s3], [sflag:$0x1B] =	stream.linear.gather @!p0 [spmem:s0], $0x1400, $0x38;
	[tilespmem:$0xE900] =	vst v63  }
0xc0: {  	s24 =	sshll.u32 @!p2 s4, $0x7;
	s0 =	sshrl.u32 @!p2 s1, $0x11;
	s1 =	sadd.s32 @!p2 $0x208, s18  }
0xc1: {  	_ =	swait.ge @!p0 [sflag:s9], $0x1400;
	s3 =	sand.u32 @!p2 $0xFFF8, s1;
	s0 =	smul.u32 @!p2 $0xC8, s0  }
0xc2: {  	s4 =	sadd.s32 @!p2 $0x1E0, s25;
	[sflag:s9] =	ssyncset.done @!p0 $0x0;
	s3 =	sshrl.u32 @!p2 s3, $0x3  }
0xc3: {  	s5 =	rddreg [dreg:$0x8];
	[sflag:s9] =	ssyncadd.s32 @!p0 $0xFFFFEC00;
	s0 =	ssub.s32 @!p2 s13, s0  }
0xc4: {  	[tilespmem:s7], [sflag:$0x4] =	stream.indirect.gather.add.f32 @!p0 [hbm:s21], $0x80, s5, s12, $0xb8;
	[tilespmem:$0xE900] =	vst v63  }
0xc5: {  	s3 =	smul.u32 @!p2 $0x147B, s3;
	s9 =	simm.s32 $0x19;
	s7 =	simm.s32 $0xA  }
0xc6: {  	s13 =	simm.s32 $0x28;
	s0 =	sand.u32 @!p2 $0xFFFF, s0;
	_ =	swait.ge [sflag:s7], $0x1400  }
0xc7: {  	s5 =	sshll.u32 @!p2 s0, $0x7;
	s0 =	sshrl.u32 @!p2 s3, $0x11;
	[sflag:s7] =	ssyncset.done $0x0  }
0xc8: {  	s0 =	smul.u32 @!p2 $0xC8, s0;
	[sflag:s7] =	ssyncadd.s32 $0xFFFFEC00;
	s7 =	simm.s32 $0x0  }
0xc9: {  	[hbm4b:s22+s7] =	stream.linear.scatter [tilespmem:s14], [sflag:$0x14], $0x1400, $0x38;
	[tilespmem:$0xE900] =	vst v63  }
0xca: {  	s12 =	sadd.s32 $0xA0, s23;
	s3 =	simm.s32 @!p3 $0x12;
	s0 =	ssub.s32 @!p2 s1, s0  }
0xcb: {  	s1 =	sadd.s32 @!p2 $0x208, s25;
	_ =	swait.ge @!p3 [sflag:s3], $0x1400;
	[dreg:$0x9] =	wrdreg s4  }
0xcc: {  	[dreg:$0x8] =	wrdreg s1;
	s30 =	sand.u32 @!p2 $0xFFFF, s0;
	[sflag:s3] =	ssyncset.done @!p3 $0x0  }
0xcd: {  	s0 =	smul.u32 @!p2 $0x147B, s31;
	s8 =	rddreg [dreg:$0x5];
	[sflag:s3] =	ssyncadd.s32 @!p3 $0xFFFFEC00  }
0xce: {  	[tilespmem:s16], [sflag:$0x1C] =	stream.linear.gather [spmem:s8], $0x1400, $0x38;
	[tilespmem:$0xE900] =	vst v63  }
0xcf: {  	s22 =	simm.s32 $0x2100;
	s1 =	sadd.s32 @!p2 $0x258, s18;
	_ =	swait.ge [sflag:s9], $0x1400  }
0xd0: {  	s4 =	simm.s32 @!p3 $0x13;
	s0 =	sshrl.u32 @!p2 s0, $0x11;
	[sflag:s9] =	ssyncset.done $0x0  }
0xd1: {  	s0 =	smul.u32 @!p2 $0xC8, s0;
	[sflag:s9] =	ssyncadd.s32 $0xFFFFEC00;
	s9 =	simm.s32 $0x7100  }
0xd2: {  	[tilespmem:s9], [sflag:$0x5] =	stream.indirect.gather.add.f32 [hbm:s21], $0x80, s12, s13, $0xb8;
	[tilespmem:$0xE900] =	vst v63  }
0xd3: {  	s3 =	sand.u32 @!p2 $0xFFF8, s1;
	s0 =	ssub.s32 @!p2 s2, s0;
	_ =	swait.ge [sflag:s15], $0x1400  }
0xd4: {  	s3 =	sshrl.u32 @!p2 s3, $0x3;
	s0 =	sand.u32 @!p2 $0xFFFF, s0;
	[sflag:s15] =	ssyncset.done $0x0  }
0xd5: {  	s3 =	smul.u32 @!p2 $0x147B, s3;
	s0 =	sshll.u32 @!p2 s0, $0x7;
	[sflag:s15] =	ssyncadd.s32 $0xFFFFEC00  }
0xd6: {  	[hbm4b:s20+s7] =	stream.linear.scatter [tilespmem:s22], [sflag:$0xB], $0x1400, $0x38;
	[tilespmem:$0xE900] =	vst v63  }
0xd7: {  	s12 =	simm.s32 $0x1A;
	s13 =	sadd.s32 $0xC8, s23;
	_ =	swait.ge @!p3 [sflag:s4], $0x1400  }
0xd8: {  	s2 =	sadd.s32 @!p2 s0, s19;
	s0 =	sshrl.u32 @!p2 s3, $0x11;
	[sflag:s4] =	ssyncset.done @!p3 $0x0  }
0xd9: {  	s8 =	rddreg [dreg:$0x6];
	[sflag:s4] =	ssyncadd.s32 @!p3 $0xFFFFEC00;
	s4 =	simm.s32 $0xC100  }
0xda: {  	[tilespmem:s4], [sflag:$0x1D] =	stream.linear.gather [spmem:s8], $0x1400, $0x38;
	[tilespmem:$0xE900] =	vst v63  }
0xdb: {  	s0 =	smul.u32 @!p2 $0xC8, s0;
	s7 =	rddreg [dreg:$0xa];
	_ =	swait.ge [sflag:s12], $0x1400  }
0xdc: {  	s15 =	simm.s32 $0x8500;
	s20 =	simm.s32 $0x2;
	[sflag:s12] =	ssyncset.done $0x0  }
0xdd: {  	s31 =	smov.u32 s7;
	s7 =	simm.s32 $0x28;
	[sflag:s12] =	ssyncadd.s32 $0xFFFFEC00  }
0xde: {  	[tilespmem:s15], [sflag:$0x6] =	stream.indirect.gather.add.f32 [hbm:s21], $0x80, s13, s7, $0xb8;
	[tilespmem:$0xE900] =	vst v63  }
0xdf: {  	p0 =	por p2, p2;
	s3 =	sadd.s32 $0xFFFFEC00, s17;
	_ =	swait.ge [sflag:s20], $0x1400  }
0xe0: {  	s0 =	ssub.s32 @!p0 s1, s0;
	s1 =	simm.s32 @!p3 $0x14;
	[sflag:s20] =	ssyncset.done $0x0  }
0xe1: {  	s8 =	simm.s32 $0x3500;
	s12 =	simm.s32 $0x0;
	[sflag:s20] =	ssyncadd.s32 $0xFFFFEC00  }
0xe2: {  	[hbm4b:s3+s12] =	stream.linear.scatter [tilespmem:s8], [sflag:$0xC], $0x1400, $0x38;
	[tilespmem:$0xE900] =	vst v63  }
0xe3: {  	_ =	swait.ge @!p3 [sflag:s1], $0x1400  }
0xe4: {  	[sflag:s1] =	ssyncset.done @!p3 $0x0  }
0xe5: {  	s13 =	rddreg [dreg:$0x7];
	[sflag:s1] =	ssyncadd.s32 @!p3 $0xFFFFEC00  }
0xe6: {  	[tilespmem:s14], [sflag:$0x1E] =	stream.linear.gather [spmem:s13], $0x1400, $0x38;
	[tilespmem:$0xE900] =	vst v63  }
0xe7: {  	s14 =	simm.s32 $0x1B  }
0xe8: {  	_ =	swait.ge [sflag:s14], $0x1400  }
0xe9: {  	[sflag:s14] =	ssyncset.done $0x0  }
0xea: {  	s20 =	sadd.s32 $0xF0, s23;
	s3 =	simm.s32 $0x9900;
	[sflag:s14] =	ssyncadd.s32 $0xFFFFEC00  }
0xeb: {  	[tilespmem:s3], [sflag:$0x7] =	stream.indirect.gather.add.f32 [hbm:s21], $0x80, s20, s7, $0xb8;
	[tilespmem:$0xE900] =	vst v63  }
0xec: {  	s7 =	simm.s32 $0x3  }
0xed: {  	_ =	swait.ge [sflag:s7], $0x1400  }
0xee: {  	s0 =	sand.u32 @!p0 $0xFFFF, s0;
	s1 =	simm.s32 @!p0 $0xB;
	[sflag:s7] =	ssyncset.done $0x0  }
0xef: {  	s13 =	sadd.s32 $0xFFFFEE80, s17;
	s14 =	simm.s32 $0x4900;
	[sflag:s7] =	ssyncadd.s32 $0xFFFFEC00  }
0xf0: {  	[hbm4b:s13+s12] =	stream.linear.scatter [tilespmem:s14], [sflag:$0xD], $0x1400, $0x38;
	[tilespmem:$0xE900] =	vst v63  }
0xf1: {  	s0 =	sshll.u32 @!p0 s0, $0x7;
	_ =	swait.ge @!p0 [sflag:s1], $0x1400  }
0xf2: {  	s15 =	sadd.s32 @!p0 s0, s19;
	s0 =	sadd.s32 @!p0 s10, s19;
	[sflag:s1] =	ssyncset.done @!p0 $0x0  }
0xf3: {  	s20 =	simm.s32 $0x1C;
	s7 =	simm.s32 @!p0 $0x2100;
	[sflag:s1] =	ssyncadd.s32 @!p0 $0xFFFFEC00  }
0xf4: {  	[tilespmem:s7], [sflag:$0x15] =	stream.linear.gather @!p0 [spmem:s0], $0x1400, $0x38;
	[tilespmem:$0xE900] =	vst v63  }
0xf5: {  	_ =	swait.ge [sflag:s20], $0x1400  }
0xf6: {  	s8 =	simm.s32 $0x28;
	[sflag:s20] =	ssyncset.done $0x0  }
0xf7: {  	s3 =	simm.s32 $0x4;
	s1 =	sadd.s32 $0x118, s23;
	[sflag:s20] =	ssyncadd.s32 $0xFFFFEC00  }
0xf8: {  	[tilespmem:s16], [sflag:$0x8] =	stream.indirect.gather.add.f32 [hbm:s21], $0x80, s1, s8, $0xb8;
	[tilespmem:$0xE900] =	vst v63  }
0xf9: {  	_ =	swait.ge [sflag:s3], $0x1400  }
0xfa: {  	s10 =	sadd.s32 $0xFFFFF100, s17;
	s12 =	simm.s32 $0x0;
	[sflag:s3] =	ssyncset.done $0x0  }
0xfb: {  	s13 =	simm.s32 $0x5D00;
	s1 =	simm.s32 @!p0 $0xC;
	[sflag:s3] =	ssyncadd.s32 $0xFFFFEC00  }
0xfc: {  	[hbm4b:s10+s12] =	stream.linear.scatter [tilespmem:s13], [sflag:$0xE], $0x1400, $0x38;
	[tilespmem:$0xE900] =	vst v63  }
0xfd: {  	_ =	swait.ge @!p0 [sflag:s1], $0x1400  }
0xfe: {  	s14 =	simm.s32 $0x1D;
	[sflag:s1] =	ssyncset.done @!p0 $0x0  }
0xff: {  	s0 =	sadd.s32 @!p0 s6, s19;
	s6 =	simm.s32 @!p0 $0x3500;
	[sflag:s1] =	ssyncadd.s32 @!p0 $0xFFFFEC00  }
0x100: {  	[tilespmem:s6], [sflag:$0x16] =	stream.linear.gather @!p0 [spmem:s0], $0x1400, $0x38;
	[tilespmem:$0xE900] =	vst v63  }
0x101: {  	s29 =	sadd.s32 $0x640, s29;
	_ =	swait.ge [sflag:s14], $0x1400  }
0x102: {  	p1 =	sne.s32 s29, $0x6400;
	[sflag:s14] =	ssyncset.done $0x0  }
0x103: {  	s20 =	simm.s32 $0x5;
	s16 =	sadd.s32 $0x140, s23;
	[sflag:s14] =	ssyncadd.s32 $0xFFFFEC00  }
0x104: {  	[tilespmem:s4], [sflag:$0x9] =	stream.indirect.gather.add.f32 [hbm:s21], $0x80, s16, s8, $0xb8;
	[tilespmem:$0xE900] =	vst v63  }
0x105: {  	s11 =	sadd.s32 @!p2 $0x190, s25;
	s26 =	simm.s32 $0x6;
	_ =	swait.ge [sflag:s20], $0x1400  }
0x106: {  	s28 =	sadd.s32 @!p2 $0x1B8, s25;
	s1 =	simm.s32 @!p0 $0xD;
	[sflag:s20] =	ssyncset.done $0x0  }
.Ltmp0:
0x107: {  	s21 =	sadd.s32 $0xFFFFF380, s17;
	[sflag:s20] =	ssyncadd.s32 $0xFFFFEC00;
	(pc) =	sbr.rel @p1 .LBB2_2-.Ltmp0, $4  }
0x108: {  	[hbm4b:s21+s12] =	stream.linear.scatter [tilespmem:s9], [sflag:$0xF], $0x1400, $0x38;
	[tilespmem:$0xE900] =	vst v63  }
0x109: {  	s25 =	simm.s32 $0x1E;
	s18 =	sadd.s32 $0x190, s18;
	_ =	swait.ge @!p0 [sflag:s1], $0x1400  }
0x10a: {  	s22 =	smov.u32 s17;
	s0 =	sadd.s32 @!p0 s5, s19;
	[sflag:s1] =	ssyncset.done @!p0 $0x0  }
0x10b: {  	s5 =	simm.s32 @!p0 $0x4900;
	s17 =	sadd.s32 $0x1900, s17;
	[sflag:s1] =	ssyncadd.s32 @!p0 $0xFFFFEC00  }
0x10c: {  	[tilespmem:s5], [sflag:$0x17] =	stream.linear.gather @!p0 [spmem:s0], $0x1400, $0x38;
	[tilespmem:$0xE900] =	vst v63  }
0x10d: {  	_ =	swait.ge [sflag:s25], $0x1400  }
0x10e: {  	[sflag:s25] =	ssyncset.done $0x0  }
0x10f: {  	s19 =	sadd.s32 $0x168, s23;
	[sflag:s25] =	ssyncadd.s32 $0xFFFFEC00  }
0x110: {  	s10 =	simm.s32 $0x28;
	s16 =	simm.s32 $0xD500;
	s12 =	rddreg [dreg:$0x1]  }
0x111: {  	[tilespmem:s16], [sflag:$0xA] =	stream.indirect.gather.add.f32 [hbm:s12], $0x80, s19, s10, $0xb8;
	[tilespmem:$0xE900] =	vst v63  }
0x112: {  	_ =	swait.ge [sflag:s26], $0x1400  }
0x113: {  	s20 =	sadd.s32 $0xFFFFF600, s22;
	s1 =	simm.s32 @p0 $0x7;
	[sflag:s26] =	ssyncset.done $0x0  }
0x114: {  	s14 =	simm.s32 $0x0;
	s9 =	simm.s32 $0x8500;
	[sflag:s26] =	ssyncadd.s32 $0xFFFFEC00  }
0x115: {  	[hbm4b:s20+s14] =	stream.linear.scatter [tilespmem:s9], [sflag:$0x10], $0x1400, $0x38;
	[tilespmem:$0xE900] =	vst v63  }
0x116: {  	_ =	swait.ge @p0 [sflag:s1], $0x1400  }
0x117: {  	s3 =	simm.s32 @p0 $0x0;
	[sflag:s1] =	ssyncset.done @p0 $0x0  }
0x118: {  	s0 =	simm.s32 @p0 $0x9900;
	[sflag:s1] =	ssyncadd.s32 @p0 $0xFFFFEC00;
	s1 =	sadd.s32 @p0 $0xFFFFF880, s22  }
0x119: {  	[hbm4b:s1+s3] =	stream.linear.scatter @p0 [tilespmem:s0], [sflag:$0x11], $0x1400, $0x38;
	[tilespmem:$0xE900] =	vst v63  }
0x11a: {  	s0 =	simm.s32 @!p0 $0xE  }
0x11b: {  	s4 =	simm.s32 @!p0 $0x15;
	_ =	swait.ge @!p0 [sflag:s0], $0x1400  }
0x11c: {  	s1 =	sshll.u32 @!p0 s30, $0x7;
	s13 =	rddreg [dreg:$0x3];
	[sflag:s0] =	ssyncset.done @!p0 $0x0  }
0x11d: {  	s1 =	sadd.s32 @!p0 s1, s13;
	[sflag:s0] =	ssyncadd.s32 @!p0 $0xFFFFEC00;
	s0 =	simm.s32 @!p0 $0x5D00  }
0x11e: {  	[tilespmem:s0], [sflag:$0x18] =	stream.linear.gather @!p0 [spmem:s1], $0x1400, $0x38;
	[tilespmem:$0xE900] =	vst v63  }
0x11f: {  	_ =	swait.ge @!p0 [sflag:s4], $0x1400  }
0x120: {  	[sflag:s4] =	ssyncset.done @!p0 $0x0  }
0x121: {  	s1 =	simm.s32 @!p0 $0x28;
	[sflag:s4] =	ssyncadd.s32 @!p0 $0xFFFFEC00;
	s4 =	simm.s32 @!p0 $0x7  }
0x122: {  	[tilespmem:s7], [sflag:$0x1] =	stream.indirect.gather.add.f32 @!p0 [hbm:s12], $0x80, s11, s1, $0xb8;
	[tilespmem:$0xE900] =	vst v63  }
0x123: {  	_ =	swait.ge @!p0 [sflag:s4], $0x1400  }
0x124: {  	s8 =	simm.s32 @!p0 $0x0;
	[sflag:s4] =	ssyncset.done @!p0 $0x0  }
0x125: {  	s7 =	simm.s32 @!p0 $0x9900;
	[sflag:s4] =	ssyncadd.s32 @!p0 $0xFFFFEC00;
	s4 =	sadd.s32 @!p0 $0xFFFFF880, s22  }
0x126: {  	[hbm4b:s4+s8] =	stream.linear.scatter @!p0 [tilespmem:s7], [sflag:$0x11], $0x1400, $0x38;
	[tilespmem:$0xE900] =	vst v63  }
0x127: {  	s4 =	simm.s32 @!p0 $0xF  }
0x128: {  	_ =	swait.ge @!p0 [sflag:s4], $0x1400  }
0x129: {  	[sflag:s4] =	ssyncset.done @!p0 $0x0  }
0x12a: {  	[sflag:s4] =	ssyncadd.s32 @!p0 $0xFFFFEC00;
	s4 =	simm.s32 @!p0 $0x7100  }
0x12b: {  	[tilespmem:s4], [sflag:$0x19] =	stream.linear.gather @!p0 [spmem:s2], $0x1400, $0x38;
	[tilespmem:$0xE900] =	vst v63  }
0x12c: {  	s2 =	simm.s32 @!p0 $0x16  }
0x12d: {  	_ =	swait.ge @!p0 [sflag:s2], $0x1400  }
0x12e: {  	[sflag:s2] =	ssyncset.done @!p0 $0x0  }
0x12f: {  	s20 =	simm.s32 $0x8;
	[sflag:s2] =	ssyncadd.s32 @!p0 $0xFFFFEC00  }
0x130: {  	[tilespmem:s6], [sflag:$0x2] =	stream.indirect.gather.add.f32 @!p0 [hbm:s12], $0x80, s28, s1, $0xb8;
	[tilespmem:$0xE900] =	vst v63  }
0x131: {  	_ =	swait.ge [sflag:s20], $0x1400  }
0x132: {  	s21 =	sadd.s32 $0xFFFFFB00, s22;
	[sflag:s20] =	ssyncset.done $0x0  }
0x133: {  	s11 =	simm.s32 $0xAD00;
	s4 =	simm.s32 @p0 $0x9;
	[sflag:s20] =	ssyncadd.s32 $0xFFFFEC00  }
0x134: {  	[hbm4b:s21+s14] =	stream.linear.scatter [tilespmem:s11], [sflag:$0x12], $0x1400, $0x38;
	[tilespmem:$0xE900] =	vst v63  }
0x135: {  	_ =	swait.ge @p0 [sflag:s4], $0x1400  }
0x136: {  	[sflag:s4] =	ssyncset.done @p0 $0x0  }
0x137: {  	s2 =	sadd.s32 @p0 $0xFFFFFD80, s22;
	[sflag:s4] =	ssyncadd.s32 @p0 $0xFFFFEC00;
	s4 =	simm.s32 @p0 $0xC100  }
0x138: {  	[hbm4b:s2+s3] =	stream.linear.scatter @p0 [tilespmem:s4], [sflag:$0x13], $0x1400, $0x38;
	[tilespmem:$0xE900] =	vst v63  }
0x139: {  	s2 =	simm.s32 @!p0 $0x10  }
0x13a: {  	_ =	swait.ge @!p0 [sflag:s2], $0x1400  }
0x13b: {  	[sflag:s2] =	ssyncset.done @!p0 $0x0  }
0x13c: {  	[sflag:s2] =	ssyncadd.s32 @!p0 $0xFFFFEC00;
	s2 =	simm.s32 @!p0 $0x8500  }
0x13d: {  	[tilespmem:s2], [sflag:$0x1A] =	stream.linear.gather @!p0 [spmem:s15], $0x1400, $0x38;
	[tilespmem:$0xE900] =	vst v63  }
0x13e: {  	s2 =	simm.s32 @!p0 $0x17  }
0x13f: {  	_ =	swait.ge @!p0 [sflag:s2], $0x1400  }
0x140: {  	[sflag:s2] =	ssyncset.done @!p0 $0x0  }
0x141: {  	s3 =	rddreg [dreg:$0x9];
	[sflag:s2] =	ssyncadd.s32 @!p0 $0xFFFFEC00;
	s2 =	simm.s32 @!p0 $0x9  }
0x142: {  	[tilespmem:s5], [sflag:$0x3] =	stream.indirect.gather.add.f32 @!p0 [hbm:s12], $0x80, s3, s1, $0xb8;
	[tilespmem:$0xE900] =	vst v63  }
0x143: {  	_ =	swait.ge @!p0 [sflag:s2], $0x1400  }
0x144: {  	s4 =	simm.s32 @!p0 $0x11;
	[sflag:s2] =	ssyncset.done @!p0 $0x0  }
0x145: {  	s3 =	simm.s32 @!p0 $0xC100;
	[sflag:s2] =	ssyncadd.s32 @!p0 $0xFFFFEC00;
	s2 =	sadd.s32 @!p0 $0xFFFFFD80, s22  }
0x146: {  	[hbm4b:s2+s8] =	stream.linear.scatter @!p0 [tilespmem:s3], [sflag:$0x13], $0x1400, $0x38;
	[tilespmem:$0xE900] =	vst v63  }
0x147: {  	_ =	swait.ge @!p0 [sflag:s4], $0x1400  }
0x148: {  	[sflag:s4] =	ssyncset.done @!p0 $0x0  }
0x149: {  	s2 =	simm.s32 @!p0 $0x18;
	s3 =	sadd.s32 @!p0 s24, s13;
	[sflag:s4] =	ssyncadd.s32 @!p0 $0xFFFFEC00  }
0x14a: {  	[tilespmem:s7], [sflag:$0x1B] =	stream.linear.gather @!p0 [spmem:s3], $0x1400, $0x38;
	[tilespmem:$0xE900] =	vst v63  }
0x14b: {  	_ =	swait.ge @!p0 [sflag:s2], $0x1400  }
0x14c: {  	[sflag:s2] =	ssyncset.done @!p0 $0x0  }
0x14d: {  	s19 =	simm.s32 $0xA;
	[sflag:s2] =	ssyncadd.s32 @!p0 $0xFFFFEC00;
	s2 =	rddreg [dreg:$0x8]  }
0x14e: {  	[tilespmem:s0], [sflag:$0x4] =	stream.indirect.gather.add.f32 @!p0 [hbm:s12], $0x80, s2, s1, $0xb8;
	[tilespmem:$0xE900] =	vst v63  }
0x14f: {  	_ =	swait.ge [sflag:s19], $0x1400  }
0x150: {  	p1 =	seq.s32 s31, $0x0;
	[sflag:s19] =	ssyncset.done $0x0  }
0x151: {  	s0 =	simm.s32 @!p1 $0x12;
	[sflag:s19] =	ssyncadd.s32 $0xFFFFEC00  }
0x152: {  	[hbm4b:s22+s14] =	stream.linear.scatter [tilespmem:s16], [sflag:$0x14], $0x1400, $0x38;
	[tilespmem:$0xE900] =	vst v63  }
0x153: {  	_ =	swait.ge @!p1 [sflag:s0], $0x1400  }
0x154: {  	[sflag:s0] =	ssyncset.done @!p1 $0x0  }
0x155: {  	s23 =	simm.s32 $0x19;
	s22 =	rddreg [dreg:$0x5];
	[sflag:s0] =	ssyncadd.s32 @!p1 $0xFFFFEC00  }
0x156: {  	[tilespmem:s11], [sflag:$0x1C] =	stream.linear.gather [spmem:s22], $0x1400, $0x38;
	[tilespmem:$0xE900] =	vst v63  }
0x157: {  	_ =	swait.ge [sflag:s23], $0x1400  }
0x158: {  	s28 =	simm.s32 $0x1;
	s0 =	sshra.s32 s31, $0x2;
	[sflag:s23] =	ssyncset.done $0x0  }
0x159: {  	s8 =	simm.s32 $0x7100;
	s24 =	sadd.s32 $0xA0, s0;
	[sflag:s23] =	ssyncadd.s32 $0xFFFFEC00  }
0x15a: {  	[tilespmem:s8], [sflag:$0x5] =	stream.indirect.gather.add.f32 [hbm:s12], $0x80, s24, s10, $0xb8;
	[tilespmem:$0xE900] =	vst v63  }
0x15b: {  	_ =	swait.ge [sflag:s28], $0x1400  }
0x15c: {  	s29 =	sadd.s32 $0xFFFFE980, s17;
	[sflag:s28] =	ssyncset.done $0x0  }
0x15d: {  	s30 =	simm.s32 $0x2100;
	s2 =	simm.s32 @!p1 $0x13;
	[sflag:s28] =	ssyncadd.s32 $0xFFFFEC00  }
0x15e: {  	[hbm4b:s29+s14] =	stream.linear.scatter [tilespmem:s30], [sflag:$0xB], $0x1400, $0x38;
	[tilespmem:$0xE900] =	vst v63  }
0x15f: {  	_ =	swait.ge @!p1 [sflag:s2], $0x1400  }
0x160: {  	s15 =	simm.s32 $0xC100;
	[sflag:s2] =	ssyncset.done @!p1 $0x0  }
0x161: {  	s3 =	simm.s32 $0x1A;
	[sflag:s2] =	ssyncadd.s32 @!p1 $0xFFFFEC00;
	s2 =	rddreg [dreg:$0x6]  }
0x162: {  	[tilespmem:s15], [sflag:$0x1D] =	stream.linear.gather [spmem:s2], $0x1400, $0x38;
	[tilespmem:$0xE900] =	vst v63  }
0x163: {  	_ =	swait.ge [sflag:s3], $0x1400  }
0x164: {  	[sflag:s3] =	ssyncset.done $0x0  }
0x165: {  	s5 =	simm.s32 $0x2;
	s4 =	sadd.s32 $0xC8, s0;
	[sflag:s3] =	ssyncadd.s32 $0xFFFFEC00  }
0x166: {  	[tilespmem:s9], [sflag:$0x6] =	stream.indirect.gather.add.f32 [hbm:s12], $0x80, s4, s10, $0xb8;
	[tilespmem:$0xE900] =	vst v63  }
0x167: {  	s6 =	sadd.s32 $0xFFFFEC00, s17;
	_ =	swait.ge [sflag:s5], $0x1400  }
0x168: {  	s7 =	simm.s32 $0x3500;
	p0 =	seq.s32 s31, $0x5DC0;
	[sflag:s5] =	ssyncset.done $0x0  }
0x169: {  	s1 =	sadd.s32 @!p0 $0x190, s18;
	s3 =	simm.s32 @!p1 $0x14;
	[sflag:s5] =	ssyncadd.s32 $0xFFFFEC00  }
0x16a: {  	[hbm4b:s6+s14] =	stream.linear.scatter [tilespmem:s7], [sflag:$0xC], $0x1400, $0x38;
	[tilespmem:$0xE900] =	vst v63  }
0x16b: {  	s2 =	sand.u32 @!p0 $0xFFF8, s1;
	_ =	swait.ge @!p1 [sflag:s3], $0x1400  }
0x16c: {  	s22 =	simm.s32 $0x1B;
	s2 =	sshrl.u32 @!p0 s2, $0x3;
	[sflag:s3] =	ssyncset.done @!p1 $0x0  }
0x16d: {  	s2 =	smul.u32 @!p0 $0x147B, s2;
	s21 =	rddreg [dreg:$0x7];
	[sflag:s3] =	ssyncadd.s32 @!p1 $0xFFFFEC00  }
0x16e: {  	[tilespmem:s16], [sflag:$0x1E] =	stream.linear.gather [spmem:s21], $0x1400, $0x38;
	[tilespmem:$0xE900] =	vst v63  }
0x16f: {  	s23 =	sadd.s32 $0xF0, s0;
	s24 =	simm.s32 $0x9900;
	_ =	swait.ge [sflag:s22], $0x1400  }
0x170: {  	s28 =	simm.s32 $0x3;
	s2 =	sshrl.u32 @!p0 s2, $0x11;
	[sflag:s22] =	ssyncset.done $0x0  }
0x171: {  	s29 =	sadd.s32 $0xFFFFEE80, s17;
	s2 =	smul.u32 @!p0 $0xC8, s2;
	[sflag:s22] =	ssyncadd.s32 $0xFFFFEC00  }
0x172: {  	[tilespmem:s24], [sflag:$0x7] =	stream.indirect.gather.add.f32 [hbm:s12], $0x80, s23, s10, $0xb8;
	[tilespmem:$0xE900] =	vst v63  }
0x173: {  	s30 =	simm.s32 $0x4900;
	s1 =	ssub.s32 @!p0 s1, s2;
	_ =	swait.ge [sflag:s28], $0x1400  }
0x174: {  	s1 =	sand.u32 @!p0 $0xFFFF, s1;
	p1 =	por p0, p0;
	[sflag:s28] =	ssyncset.done $0x0  }
0x175: {  	s6 =	simm.s32 $0x1C;
	s5 =	simm.s32 @!p1 $0xB;
	[sflag:s28] =	ssyncadd.s32 $0xFFFFEC00  }
0x176: {  	[hbm4b:s29+s14] =	stream.linear.scatter [tilespmem:s30], [sflag:$0xD], $0x1400, $0x38;
	[tilespmem:$0xE900] =	vst v63  }
0x177: {  	s1 =	sshll.u32 @!p0 s1, $0x7;
	s3 =	sadd.s32 @!p0 $0x1B8, s18;
	_ =	swait.ge @!p1 [sflag:s5], $0x1400  }
0x178: {  	s4 =	sand.u32 @!p0 $0xFFF8, s3;
	s1 =	sadd.s32 @!p1 s1, s13;
	[sflag:s5] =	ssyncset.done @!p1 $0x0  }
0x179: {  	s2 =	sshrl.u32 @!p0 s4, $0x3;
	[sflag:s5] =	ssyncadd.s32 @!p1 $0xFFFFEC00;
	s5 =	simm.s32 @!p1 $0x2100  }
0x17a: {  	[tilespmem:s5], [sflag:$0x15] =	stream.linear.gather @!p1 [spmem:s1], $0x1400, $0x38;
	[tilespmem:$0xE900] =	vst v63  }
0x17b: {  	s2 =	smul.u32 @!p0 $0x147B, s2;
	_ =	swait.ge [sflag:s6], $0x1400  }
0x17c: {  	s7 =	sadd.s32 $0x118, s0;
	s21 =	simm.s32 $0x4;
	[sflag:s6] =	ssyncset.done $0x0  }
0x17d: {  	s22 =	sadd.s32 $0xFFFFF100, s17;
	s1 =	sshrl.u32 @!p0 s2, $0x11;
	[sflag:s6] =	ssyncadd.s32 $0xFFFFEC00  }
0x17e: {  	[tilespmem:s11], [sflag:$0x8] =	stream.indirect.gather.add.f32 [hbm:s12], $0x80, s7, s10, $0xb8;
	[tilespmem:$0xE900] =	vst v63  }
0x17f: {  	s23 =	simm.s32 $0x5D00;
	s1 =	smul.u32 @!p0 $0xC8, s1;
	_ =	swait.ge [sflag:s21], $0x1400  }
0x180: {  	s24 =	simm.s32 $0x1D;
	s2 =	sadd.s32 @!p0 $0x1E0, s18;
	[sflag:s21] =	ssyncset.done $0x0  }
0x181: {  	s1 =	ssub.s32 @!p0 s3, s1;
	s6 =	simm.s32 @!p1 $0xC;
	[sflag:s21] =	ssyncadd.s32 $0xFFFFEC00  }
0x182: {  	[hbm4b:s22+s14] =	stream.linear.scatter [tilespmem:s23], [sflag:$0xE], $0x1400, $0x38;
	[tilespmem:$0xE900] =	vst v63  }
0x183: {  	s4 =	sand.u32 @!p0 $0xFFF8, s2;
	s1 =	sand.u32 @!p0 $0xFFFF, s1;
	_ =	swait.ge @!p1 [sflag:s6], $0x1400  }
0x184: {  	s3 =	sshrl.u32 @!p0 s4, $0x3;
	s1 =	sshll.u32 @!p0 s1, $0x7;
	[sflag:s6] =	ssyncset.done @!p1 $0x0  }
0x185: {  	s1 =	sadd.s32 @!p1 s1, s13;
	[sflag:s6] =	ssyncadd.s32 @!p1 $0xFFFFEC00;
	s6 =	simm.s32 @!p1 $0x3500  }
0x186: {  	[tilespmem:s6], [sflag:$0x16] =	stream.linear.gather @!p1 [spmem:s1], $0x1400, $0x38;
	[tilespmem:$0xE900] =	vst v63  }
0x187: {  	s3 =	smul.u32 @!p0 $0x147B, s3;
	_ =	swait.ge [sflag:s24], $0x1400  }
0x188: {  	s28 =	sadd.s32 $0x140, s0;
	[sflag:s24] =	ssyncset.done $0x0  }
0x189: {  	s29 =	simm.s32 $0x5;
	s1 =	sshrl.u32 @!p0 s3, $0x11;
	[sflag:s24] =	ssyncadd.s32 $0xFFFFEC00  }
0x18a: {  	[tilespmem:s15], [sflag:$0x9] =	stream.indirect.gather.add.f32 [hbm:s12], $0x80, s28, s10, $0xb8;
	[tilespmem:$0xE900] =	vst v63  }
0x18b: {  	s30 =	sadd.s32 $0xFFFFF380, s17;
	s1 =	smul.u32 @!p0 $0xC8, s1;
	_ =	swait.ge [sflag:s29], $0x1400  }
0x18c: {  	s7 =	simm.s32 @!p1 $0xD;
	s3 =	sadd.s32 @!p0 $0x208, s18;
	[sflag:s29] =	ssyncset.done $0x0  }
0x18d: {  	s4 =	sand.u32 @!p0 $0xFFF8, s3;
	s1 =	ssub.s32 @!p0 s2, s1;
	[sflag:s29] =	ssyncadd.s32 $0xFFFFEC00  }
0x18e: {  	[hbm4b:s30+s14] =	stream.linear.scatter [tilespmem:s8], [sflag:$0xF], $0x1400, $0x38;
	[tilespmem:$0xE900] =	vst v63  }
0x18f: {  	s2 =	sshrl.u32 @!p0 s4, $0x3;
	s1 =	sand.u32 @!p0 $0xFFFF, s1;
	_ =	swait.ge @!p1 [sflag:s7], $0x1400  }
0x190: {  	s4 =	smul.u32 @!p0 $0x147B, s2;
	s1 =	sshll.u32 @!p0 s1, $0x7;
	[sflag:s7] =	ssyncset.done @!p1 $0x0  }
0x191: {  	s2 =	simm.s32 @!p1 $0x4900;
	s1 =	sadd.s32 @!p1 s1, s13;
	[sflag:s7] =	ssyncadd.s32 @!p1 $0xFFFFEC00  }
0x192: {  	[tilespmem:s2], [sflag:$0x17] =	stream.linear.gather @!p1 [spmem:s1], $0x1400, $0x38;
	[tilespmem:$0xE900] =	vst v63  }
0x193: {  	_ =	swait.ge [sflag:s25], $0x1400  }
0x194: {  	s4 =	sshrl.u32 @!p0 s4, $0x11;
	[sflag:s25] =	ssyncset.done $0x0  }
0x195: {  	s0 =	sadd.s32 $0x168, s0;
	s4 =	smul.u32 @!p0 $0xC8, s4;
	[sflag:s25] =	ssyncadd.s32 $0xFFFFEC00  }
0x196: {  	[tilespmem:s16], [sflag:$0xA] =	stream.indirect.gather.add.f32 [hbm:s12], $0x80, s0, s10, $0xb8;
	[tilespmem:$0xE900] =	vst v63  }
0x197: {  	s8 =	simm.s32 @p1 $0x9900;
	s3 =	ssub.s32 @!p0 s3, s4;
	_ =	swait.ge [sflag:s26], $0x1400  }
0x198: {  	s7 =	simm.s32 @p1 $0x7;
	s1 =	sadd.s32 @!p0 $0x230, s18;
	[sflag:s26] =	ssyncset.done $0x0  }
0x199: {  	s0 =	sand.u32 @!p0 $0xFFF8, s1;
	s10 =	sadd.s32 $0xFFFFF600, s17;
	[sflag:s26] =	ssyncadd.s32 $0xFFFFEC00  }
0x19a: {  	[hbm4b:s10+s14] =	stream.linear.scatter [tilespmem:s9], [sflag:$0x10], $0x1400, $0x38;
	[tilespmem:$0xE900] =	vst v63  }
0x19b: {  	s4 =	simm.s32 @!p1 $0xE;
	s0 =	sshrl.u32 @!p0 s0, $0x3;
	_ =	swait.ge @p1 [sflag:s7], $0x1400  }
0x19c: {  	s3 =	sand.u32 @!p0 $0xFFFF, s3;
	s0 =	smul.u32 @!p0 $0x147B, s0;
	[sflag:s7] =	ssyncset.done @p1 $0x0  }
0x19d: {  	s9 =	simm.s32 @p1 $0x0;
	[sflag:s7] =	ssyncadd.s32 @p1 $0xFFFFEC00;
	s7 =	sadd.s32 @p1 $0xFFFFF880, s17  }
0x19e: {  	[hbm4b:s7+s9] =	stream.linear.scatter @p1 [tilespmem:s8], [sflag:$0x11], $0x1400, $0x38;
	[tilespmem:$0xE900] =	vst v63  }
0x19f: {  	s3 =	sshll.u32 @!p1 s3, $0x7;
	s0 =	sshrl.u32 @!p0 s0, $0x11;
	_ =	swait.ge @!p1 [sflag:s4], $0x1400  }
0x1a0: {  	s3 =	sadd.s32 @!p1 s3, s13;
	s8 =	smul.u32 @!p0 $0xC8, s0;
	[sflag:s4] =	ssyncset.done @!p1 $0x0  }
0x1a1: {  	s0 =	simm.s32 @!p1 $0x5D00;
	[sflag:s4] =	ssyncadd.s32 @!p1 $0xFFFFEC00;
	s4 =	simm.s32 @!p1 $0x15  }
0x1a2: {  	[tilespmem:s0], [sflag:$0x18] =	stream.linear.gather @!p1 [spmem:s3], $0x1400, $0x38;
	[tilespmem:$0xE900] =	vst v63  }
0x1a3: {  	s7 =	sshra.s32 @!p0 s31, $0x2;
	_ =	swait.ge @!p1 [sflag:s4], $0x1400  }
0x1a4: {  	s1 =	ssub.s32 @!p0 s1, s8;
	s8 =	simm.s32 @!p1 $0x28;
	[sflag:s4] =	ssyncset.done @!p1 $0x0  }
0x1a5: {  	s3 =	sadd.s32 @!p0 $0x190, s7;
	[sflag:s4] =	ssyncadd.s32 @!p1 $0xFFFFEC00;
	s4 =	simm.s32 @!p1 $0x7  }
0x1a6: {  	[tilespmem:s5], [sflag:$0x1] =	stream.indirect.gather.add.f32 @!p1 [hbm:s12], $0x80, s3, s8, $0xb8;
	[tilespmem:$0xE900] =	vst v63  }
0x1a7: {  	s10 =	simm.s32 @!p1 $0x0;
	_ =	swait.ge @!p1 [sflag:s4], $0x1400  }
0x1a8: {  	s1 =	sand.u32 @!p0 $0xFFFF, s1;
	s5 =	simm.s32 @!p1 $0x9900;
	[sflag:s4] =	ssyncset.done @!p1 $0x0  }
0x1a9: {  	s3 =	simm.s32 @!p1 $0xF;
	[sflag:s4] =	ssyncadd.s32 @!p1 $0xFFFFEC00;
	s4 =	sadd.s32 @!p1 $0xFFFFF880, s17  }
0x1aa: {  	[hbm4b:s4+s10] =	stream.linear.scatter @!p1 [tilespmem:s5], [sflag:$0x11], $0x1400, $0x38;
	[tilespmem:$0xE900] =	vst v63  }
0x1ab: {  	s1 =	sshll.u32 @!p0 s1, $0x7;
	_ =	swait.ge @!p1 [sflag:s3], $0x1400  }
0x1ac: {  	s1 =	sadd.s32 @!p0 s1, s13;
	[sflag:s3] =	ssyncset.done @!p1 $0x0  }
0x1ad: {  	s4 =	simm.s32 @!p1 $0x16;
	[sflag:s3] =	ssyncadd.s32 @!p1 $0xFFFFEC00;
	s3 =	simm.s32 @!p1 $0x7100  }
0x1ae: {  	[tilespmem:s3], [sflag:$0x19] =	stream.linear.gather @!p1 [spmem:s1], $0x1400, $0x38;
	[tilespmem:$0xE900] =	vst v63  }
0x1af: {  	_ =	swait.ge @!p1 [sflag:s4], $0x1400  }
0x1b0: {  	s1 =	sadd.s32 @!p0 $0x258, s18;
	[sflag:s4] =	ssyncset.done @!p1 $0x0  }
0x1b1: {  	s3 =	sadd.s32 @!p0 $0x1B8, s7;
	[sflag:s4] =	ssyncadd.s32 @!p1 $0xFFFFEC00;
	s4 =	sand.u32 @!p0 $0xFFF8, s1  }
0x1b2: {  	[tilespmem:s6], [sflag:$0x2] =	stream.indirect.gather.add.f32 @!p1 [hbm:s12], $0x80, s3, s8, $0xb8;
	[tilespmem:$0xE900] =	vst v63  }
0x1b3: {  	s3 =	sshrl.u32 @!p0 s4, $0x3  }
0x1b4: {  	_ =	swait.ge [sflag:s20], $0x1400;
	s3 =	smul.u32 @!p0 $0x147B, s3  }
0x1b5: {  	[sflag:s20] =	ssyncset.done $0x0  }
0x1b6: {  	s15 =	sadd.s32 $0xFFFFFB00, s17;
	[sflag:s20] =	ssyncadd.s32 $0xFFFFEC00;
	s3 =	sshrl.u32 @!p0 s3, $0x11  }
0x1b7: {  	[hbm4b:s15+s14] =	stream.linear.scatter [tilespmem:s11], [sflag:$0x12], $0x1400, $0x38;
	[tilespmem:$0xE900] =	vst v63  }
0x1b8: {  	s6 =	simm.s32 @p1 $0x9;
	s3 =	smul.u32 @!p0 $0xC8, s3  }
0x1b9: {  	_ =	swait.ge @p1 [sflag:s6], $0x1400  }
0x1ba: {  	s4 =	sadd.s32 @p1 $0xFFFFFD80, s17;
	[sflag:s6] =	ssyncset.done @p1 $0x0;
	s1 =	ssub.s32 @!p1 s1, s3  }
0x1bb: {  	s3 =	simm.s32 @!p1 $0x10;
	[sflag:s6] =	ssyncadd.s32 @p1 $0xFFFFEC00;
	s6 =	simm.s32 @p1 $0xC100  }
0x1bc: {  	[hbm4b:s4+s9] =	stream.linear.scatter @p1 [tilespmem:s6], [sflag:$0x13], $0x1400, $0x38;
	[tilespmem:$0xE900] =	vst v63  }
0x1bd: {  	s1 =	sand.u32 @!p1 $0xFFFF, s1;
	_ =	swait.ge @!p1 [sflag:s3], $0x1400  }
0x1be: {  	s1 =	sshll.u32 @!p1 s1, $0x7;
	[sflag:s3] =	ssyncset.done @!p1 $0x0  }
0x1bf: {  	s1 =	sadd.s32 @!p1 s1, s13;
	[sflag:s3] =	ssyncadd.s32 @!p1 $0xFFFFEC00;
	s3 =	simm.s32 @!p1 $0x8500  }
0x1c0: {  	[tilespmem:s3], [sflag:$0x1A] =	stream.linear.gather @!p1 [spmem:s1], $0x1400, $0x38;
	[tilespmem:$0xE900] =	vst v63  }
0x1c1: {  	s3 =	simm.s32 @!p1 $0x17  }
0x1c2: {  	s1 =	sadd.s32 @!p0 $0x280, s18;
	_ =	swait.ge @!p1 [sflag:s3], $0x1400  }
0x1c3: {  	s4 =	sand.u32 @!p0 $0xFFF8, s1;
	[sflag:s3] =	ssyncset.done @!p1 $0x0  }
0x1c4: {  	s4 =	sshrl.u32 @!p0 s4, $0x3;
	[sflag:s3] =	ssyncadd.s32 @!p1 $0xFFFFEC00;
	s3 =	sadd.s32 @!p0 $0x1E0, s7  }
0x1c5: {  	[tilespmem:s2], [sflag:$0x3] =	stream.indirect.gather.add.f32 @!p1 [hbm:s12], $0x80, s3, s8, $0xb8;
	[tilespmem:$0xE900] =	vst v63  }
0x1c6: {  	s4 =	smul.u32 @!p0 $0x147B, s4;
	s2 =	simm.s32 @!p1 $0x9  }
0x1c7: {  	_ =	swait.ge @!p1 [sflag:s2], $0x1400  }
0x1c8: {  	s3 =	sshrl.u32 @!p0 s4, $0x11;
	s4 =	simm.s32 @!p1 $0xC100;
	[sflag:s2] =	ssyncset.done @!p1 $0x0  }
0x1c9: {  	s3 =	smul.u32 @!p0 $0xC8, s3;
	[sflag:s2] =	ssyncadd.s32 @!p1 $0xFFFFEC00;
	s2 =	sadd.s32 @!p1 $0xFFFFFD80, s17  }
0x1ca: {  	[hbm4b:s2+s10] =	stream.linear.scatter @!p1 [tilespmem:s4], [sflag:$0x13], $0x1400, $0x38;
	[tilespmem:$0xE900] =	vst v63  }
0x1cb: {  	s1 =	ssub.s32 @!p0 s1, s3;
	s2 =	simm.s32 @!p1 $0x11  }
0x1cc: {  	s1 =	sand.u32 @!p0 $0xFFFF, s1;
	_ =	swait.ge @!p1 [sflag:s2], $0x1400  }
0x1cd: {  	s1 =	sshll.u32 @!p0 s1, $0x7;
	[sflag:s2] =	ssyncset.done @!p1 $0x0  }
0x1ce: {  	[sflag:s2] =	ssyncadd.s32 @!p1 $0xFFFFEC00;
	s1 =	sadd.s32 @!p1 s1, s13  }
0x1cf: {  	[tilespmem:s5], [sflag:$0x1B] =	stream.linear.gather @!p1 [spmem:s1], $0x1400, $0x38;
	[tilespmem:$0xE900] =	vst v63  }
0x1d0: {  	s1 =	simm.s32 @!p1 $0x18  }
0x1d1: {  	_ =	swait.ge @!p1 [sflag:s1], $0x1400  }
0x1d2: {  	[sflag:s1] =	ssyncset.done @!p1 $0x0  }
0x1d3: {  	[sflag:s1] =	ssyncadd.s32 @!p1 $0xFFFFEC00;
	s1 =	sadd.s32 @!p0 $0x208, s7  }
0x1d4: {  	[tilespmem:s0], [sflag:$0x4] =	stream.indirect.gather.add.f32 @!p1 [hbm:s12], $0x80, s1, s8, $0xb8;
	[tilespmem:$0xE900] =	vst v63  }
0x1d5: {  	_ =	swait.ge [sflag:s19], $0x1400  }
0x1d6: {  	[sflag:s19] =	ssyncset.done $0x0  }
0x1d7: {  	[sflag:s19] =	ssyncadd.s32 $0xFFFFEC00  }
0x1d8: {  	[hbm4b:s17+s14] =	stream.linear.scatter [tilespmem:s16], [sflag:$0x14], $0x1400, $0x38;
	[tilespmem:$0xE900] =	vst v63  }
0x1d9: {  	s16 =	simm.s32 $0xB  }
0x1da: {  	_ =	swait.ge [sflag:s16], $0x1400  }
0x1db: {  	[sflag:s16] =	ssyncset.done $0x0  }
0x1dc: {  	s17 =	simm.s32 $0xC;
	[sflag:s16] =	ssyncadd.s32 $0xFFFFEC00  }
0x1dd: {  	_ =	swait.ge [sflag:s17], $0x1400  }
0x1de: {  	[sflag:s17] =	ssyncset.done $0x0  }
0x1df: {  	s18 =	simm.s32 $0xD;
	[sflag:s17] =	ssyncadd.s32 $0xFFFFEC00  }
0x1e0: {  	_ =	swait.ge [sflag:s18], $0x1400  }
0x1e1: {  	[sflag:s18] =	ssyncset.done $0x0  }
0x1e2: {  	s19 =	simm.s32 $0xE;
	[sflag:s18] =	ssyncadd.s32 $0xFFFFEC00  }
0x1e3: {  	_ =	swait.ge [sflag:s19], $0x1400  }
0x1e4: {  	[sflag:s19] =	ssyncset.done $0x0  }
0x1e5: {  	s20 =	simm.s32 $0xF;
	[sflag:s19] =	ssyncadd.s32 $0xFFFFEC00  }
0x1e6: {  	_ =	swait.ge [sflag:s20], $0x1400  }
0x1e7: {  	[sflag:s20] =	ssyncset.done $0x0  }
0x1e8: {  	s21 =	simm.s32 $0x10;
	[sflag:s20] =	ssyncadd.s32 $0xFFFFEC00  }
0x1e9: {  	_ =	swait.ge [sflag:s21], $0x1400  }
0x1ea: {  	[sflag:s21] =	ssyncset.done $0x0  }
0x1eb: {  	s22 =	simm.s32 $0x11;
	[sflag:s21] =	ssyncadd.s32 $0xFFFFEC00  }
0x1ec: {  	_ =	swait.ge [sflag:s22], $0x1400  }
0x1ed: {  	[sflag:s22] =	ssyncset.done $0x0  }
0x1ee: {  	s23 =	simm.s32 $0x12;
	[sflag:s22] =	ssyncadd.s32 $0xFFFFEC00  }
0x1ef: {  	_ =	swait.ge [sflag:s23], $0x1400  }
0x1f0: {  	[sflag:s23] =	ssyncset.done $0x0  }
0x1f1: {  	s28 =	simm.s32 $0x13;
	[sflag:s23] =	ssyncadd.s32 $0xFFFFEC00  }
0x1f2: {  	_ =	swait.ge [sflag:s28], $0x1400  }
0x1f3: {  	[sflag:s28] =	ssyncset.done $0x0  }
0x1f4: {  	s29 =	simm.s32 $0x14;
	[sflag:s28] =	ssyncadd.s32 $0xFFFFEC00  }
0x1f5: {  	_ =	swait.ge [sflag:s29], $0x1400  }
0x1f6: {  	s30 =	rddreg [dreg:$0x12]  }
0x1f7: {  	s31 =	rddreg [dreg:$0xf];
	s2 =	sadd.s32 $0x1, s30  }
0x1f8: {  	p0 =	sne.s32 s2, s31  }
.Ltmp1:
0x1f9: {  	_ = 	snop;
	(pc) =	sbr.rel @p0 .LBB2_1-.Ltmp1, $3  }
0x1fa: {  	_ =	sdelay $0x1  }
0x1fb: {  	[sflag:s29] =	ssyncset.done $0x0  }
0x1fc: {  	s24 =	simm.s32 $0xD500;
	[sflag:s29] =	ssyncadd.s32 $0xFFFFEC00  }
0x1fd: {  	_ =	sfence.sel $0x180000  }
0x1fe: {  	[bflag:$0x0] =	sbarrier.arrive $0xFFFF  }
0x1ff: {  	_ =	strace $0x90000047  }
0x200: {  	s0 =	stileid.u32;
	[bflag:$0x2] =	sbarrier.arrive $0xFFFF  }
0x201: {  	p0 =	sne.s32 s0, $0x0;
	s0 =	rddreg [dreg:$0x4]  }
0x202: {  	s0 =	sadd.s32 @!p0 $0x100000, s0  }
0x203: {  	[sflag:s0] =	ssyncadd.tile.s32 @!p0 $0x1;
	_ =	shalt  }
.Lfunc_end2:
_tile_overlayer_lowered:
.L_overlay_start_2:
0x204: {  	(tag) =	ssettag $0x2  }
0x205: {  	s0 =	rddreg [dreg:$0x0];
	s2 =	stileid.u32  }
0x206: {  	s1 =	rddreg [dreg:$0x1];
	p0 =	sne.s32 s2, $0x0  }
0x207: {  	s3 =	rddreg [dreg:$0x2];
	[bflag:$0x3] =	sbarrier.arrive $0xFFFF;
	s2 =	simm.s32 @!p0 $0x1C1F  }
0x208: {  	[timem:s3], [sflag:s2] =	dma.local @!p0 [hbm:s0], s1  }
0x209: {  	s0 =	simm.s32 @!p0 $0x1F  }
0x20a: {  	_ =	swait.ge @!p0 [sflag:s0], s1  }
0x20b: {  	s1 =	ssub.s32 @!p0 $0x0, s1;
	[sflag:s0] =	ssyncset.done @!p0 $0x0  }
0x20c: {  	[sflag:s0] =	ssyncadd.s32 @!p0 s1  }
0x20d: {  	[bflag:$0x3] =	sbarrier.arrive $0xFFFF  }
0x20e: {  	_ =	shalt  }

</sc_bundles>
